<compile_context>
chip_gen: v7x
topology: tpu7x:2x2x1
jax: 0.10.2.dev20260603
libtpu: 0.0.44.dev20260713+nightly
codegen_flags: <defaults>
</compile_context>

<pallas_src>
import functools

import jax
import jax.numpy as jnp
from jax import lax
from jax.experimental import pallas as pl
from jax.experimental.pallas import tpu as pltpu
from jax.experimental.pallas import tpu_sc as plsc

B = 16384
NFLD = 12
F_IDX = 9
F_CONT = 3
NC = 2
NS = 16
L = 16
NW = NC * NS
BPW = B // NW
GROUPS = BPW // L

_mesh = plsc.VectorSubcoreMesh(core_axis_name="c", subcore_axis_name="s")


@functools.partial(
    pl.kernel,
    mesh=_mesh,
    compiler_params=pltpu.CompilerParams(needs_layout_passes=False),
    out_type=jax.ShapeDtypeStruct((B,), jnp.float32),
    scratch_types=[
        pltpu.VMEM((1, NFLD * BPW), jnp.int32),
        pltpu.VMEM((1, F_IDX * BPW), jnp.float32),
    pltpu.VMEM((BPW,), jnp.float32),
        pltpu.VMEM((L,), jnp.float32),
        pltpu.SemaphoreType.DMA,
        pltpu.SemaphoreType.DMA,
        [pltpu.SemaphoreType.DMA] * NFLD,
    ],
)
def _fl_kernel(xt_hbm, table_hbm, bias_hbm, out_hbm,
               xv, vals_v, out_v, bias_v, sem, sem_b, row_sems):
    wid = lax.axis_index("s") * NC + lax.axis_index("c")
    base = wid * BPW
    row_copies = [
        pltpu.async_copy(xt_hbm.at[pl.ds(f, 1), pl.ds(base, BPW)],
                         xv.at[:, pl.ds(f * BPW, BPW)], row_sems[f])
        for f in range(NFLD)
    ]
    copies = []
    for f in range(F_IDX):
        row_copies[f].wait()
        copies.append(
            pltpu.async_copy(table_hbm.at[xv.at[:, pl.ds(f * BPW, BPW)]],
                             vals_v.at[:, pl.ds(f * BPW, BPW)],
                             sem if f < 6 else sem_b))
    pltpu.sync_copy(bias_hbm, bias_v.at[pl.ds(0, 1)])
    lanes = lax.iota(jnp.int32, L)
    bv = plsc.load_gather(bias_v, [lanes * 0])
    for c in copies[:6]:
        c.wait()
    for g in range(GROUPS):
        o = g * L
        acc = bv
        for f in range(6):
            acc = acc + vals_v[0, pl.ds(f * BPW + o, L)]
        out_v[pl.ds(o, L)] = acc
    for f in range(F_IDX, NFLD):
        row_copies[f].wait()
    for c in copies[6:]:
        c.wait()
    out_copies = []
    half = BPW // 2
    for h in range(2):
        for g in range(GROUPS // 2):
            o = h * half + g * L
            acc = out_v[pl.ds(o, L)]
            for k in range(F_CONT):
                acc = acc + (vals_v[0, pl.ds((6 + k) * BPW + o, L)]
                             * xv[0, pl.ds((F_IDX + k) * BPW + o, L)].astype(jnp.float32))
            out_v[pl.ds(o, L)] = acc
        out_copies.append(
            pltpu.async_copy(out_v.at[pl.ds(h * half, half)],
                             out_hbm.at[pl.ds(base + h * half, half)], sem_b))
    for c in out_copies:
        c.wait()


def kernel(x, fc_weight, bias):
    xt = x.astype(jnp.int32).T
    out = _fl_kernel(xt, fc_weight.astype(jnp.float32).T,
                     bias.astype(jnp.float32))
    return out.reshape(B, 1)

# --- scband reference (transcript-rebuilt; emitter-appended) ---
"""Pipeline reference for scband-features-linear-35510789603948 (READ-ONLY COPY).

The authoritative reference and input builder live on the scoring server;
editing this copy changes nothing except your own understanding.
"""

import jax, jax.numpy as jnp
import numpy as np

BATCH = 16384
VOCAB = 1000000
OUT_DIM = 1

def setup_inputs(seed: int = 0) -> dict:
    key = jax.random.key(seed)
    k1, k2 = jax.random.split(key)
    # x packs 9 categorical indices and 3 continuous-ish fields into one int64 tensor,
    # mirroring the torch harness fill (randint over [0, VOCAB)).
    x = jax.random.randint(k1, (BATCH, 12), 0, VOCAB, dtype=jnp.int64)
    # learned params per init_kwargs: Embedding(field_dims=VOCAB, output_dim=1) + bias zeros
    fc_weight = jax.random.normal(k2, (VOCAB, OUT_DIM), dtype=jnp.float32) * 0.01
    bias = jnp.zeros((OUT_DIM,), dtype=jnp.float32)
    return {"x": x, "fc_weight": fc_weight, "bias": bias}

def reference(x, fc_weight, bias):
    # tensor_idx = x[:, :9].long()
    idx = x[:, :9]
    # tensor_continue = x[:, 9:].unsqueeze(2)
    cont = x[:, 9:].astype(fc_weight.dtype)[:, :, None]
    # emb_value = self.fc(tensor_idx)  -> gather rows of embedding table
    emb = jnp.take(fc_weight, idx, axis=0)  # [B, 9, 1]
    # emb_value[:, -3:, :] *= tensor_continue  (in-place scale of last 3 field embeddings)
    emb = emb.at[:, -3:, :].multiply(cont)
    # output = sum over fields + bias
    out = jnp.sum(emb, axis=1) + bias  # [B, 1]
    return out

if __name__ == "__main__":
    import jax
    _d = setup_inputs()
    print(jax.jit(kernel)(*tuple(_d.values())))

</pallas_src>

<mosaic_0001>
#map = affine_map<(d0, d1) -> (0, 0)>
#map1 = affine_map<(d0, d1) -> (0)>
module attributes {stable_mosaic.version = 14 : i64} {
  func.func @_fl_kernel(%arg0: i32, %arg1: i32, %arg2: memref<12x16384xi32, #tpu.memory_space<hbm>>, %arg3: memref<1x1000000xf32, #tpu.memory_space<hbm>>, %arg4: memref<1xf32, #tpu.memory_space<hbm>>, %arg5: memref<16384xf32, #tpu.memory_space<hbm>>, %arg6: memref<1x6144xi32, #tpu.memory_space<vmem>>, %arg7: memref<1x4608xf32, #tpu.memory_space<vmem>>, %arg8: memref<512xf32, #tpu.memory_space<vmem>>, %arg9: memref<16xf32, #tpu.memory_space<vmem>>, %arg10: memref<!tpu.dma_semaphore, #tpu.memory_space<semaphore_mem>>, %arg11: memref<!tpu.dma_semaphore, #tpu.memory_space<semaphore_mem>>, %arg12: memref<!tpu.dma_semaphore, #tpu.memory_space<semaphore_mem>>, %arg13: memref<!tpu.dma_semaphore, #tpu.memory_space<semaphore_mem>>, %arg14: memref<!tpu.dma_semaphore, #tpu.memory_space<semaphore_mem>>, %arg15: memref<!tpu.dma_semaphore, #tpu.memory_space<semaphore_mem>>, %arg16: memref<!tpu.dma_semaphore, #tpu.memory_space<semaphore_mem>>, %arg17: memref<!tpu.dma_semaphore, #tpu.memory_space<semaphore_mem>>, %arg18: memref<!tpu.dma_semaphore, #tpu.memory_space<semaphore_mem>>, %arg19: memref<!tpu.dma_semaphore, #tpu.memory_space<semaphore_mem>>, %arg20: memref<!tpu.dma_semaphore, #tpu.memory_space<semaphore_mem>>, %arg21: memref<!tpu.dma_semaphore, #tpu.memory_space<semaphore_mem>>, %arg22: memref<!tpu.dma_semaphore, #tpu.memory_space<semaphore_mem>>, %arg23: memref<!tpu.dma_semaphore, #tpu.memory_space<semaphore_mem>>) attributes {dimension_semantics = [#tpu.dimension_semantics<core_parallel>, #tpu.dimension_semantics<subcore_parallel>], iteration_bounds = array<i64: 2, 16>, scalar_prefetch = 0 : i64, scratch_operands = 18 : i64, tpu.core_type = #tpu.core_type<sc_vector_subcore>, window_params = [{transform_indices = #map}, {transform_indices = #map}, {transform_indices = #map1}, {transform_indices = #map1}]} {
    %mul3A = arith.constant 2 : i32
    %mul3A_0 = arith.muli %arg1, %mul3A : i32
    %add3A = arith.addi %mul3A_0, %arg0 : i32
    %mul3A_1 = arith.constant 512 : i32
    %mul3A_2 = arith.muli %add3A, %mul3A_1 : i32
    %dma_start3A = arith.constant 0 : i32
    %dma_start3A_3 = arith.constant 0 : i32
    %dma_start3A_4 = tpu.memref_slice %arg6[%dma_start3A, %dma_start3A_3] : memref<1x6144xi32, #tpu.memory_space<vmem>> -> memref<1x512xi32, #tpu.memory_space<vmem>>
    %dma_start3A_5 = arith.constant 0 : i32
    %dma_start3A_6 = tpu.memref_slice %arg2[%dma_start3A_5, %mul3A_2] : memref<12x16384xi32, #tpu.memory_space<hbm>> -> memref<1x512xi32, #tpu.memory_space<hbm>>
    %dma_start3A_7 = arith.constant 0 : i32
    %dma_start3A_8 = arith.constant 0 : i32
    %dma_start3A_9 = tpu.memref_slice %arg6[%dma_start3A_7, %dma_start3A_8] : memref<1x6144xi32, #tpu.memory_space<vmem>> -> memref<1x512xi32, #tpu.memory_space<vmem>>
    %dma_start3A_10 = arith.constant 0 : i32
    %dma_start3A_11 = tpu.memref_slice %arg2[%dma_start3A_10, %mul3A_2] : memref<12x16384xi32, #tpu.memory_space<hbm>> -> memref<1x512xi32, #tpu.memory_space<hbm>>
    tpu.enqueue_dma source(%dma_start3A_11 : memref<1x512xi32, #tpu.memory_space<hbm>>) target(%dma_start3A_9 : memref<1x512xi32, #tpu.memory_space<vmem>>) target_semaphore(%arg12 : memref<!tpu.dma_semaphore, #tpu.memory_space<semaphore_mem>>)
    %dma_start3A_12 = arith.constant 0 : i32
    %dma_start3A_13 = arith.constant 512 : i32
    %dma_start3A_14 = tpu.memref_slice %arg6[%dma_start3A_12, %dma_start3A_13] : memref<1x6144xi32, #tpu.memory_space<vmem>> -> memref<1x512xi32, #tpu.memory_space<vmem>>
    %dma_start3A_15 = arith.constant 1 : i32
    %dma_start3A_16 = tpu.memref_slice %arg2[%dma_start3A_15, %mul3A_2] : memref<12x16384xi32, #tpu.memory_space<hbm>> -> memref<1x512xi32, #tpu.memory_space<hbm>>
    %dma_start3A_17 = arith.constant 0 : i32
    %dma_start3A_18 = arith.constant 512 : i32
    %dma_start3A_19 = tpu.memref_slice %arg6[%dma_start3A_17, %dma_start3A_18] : memref<1x6144xi32, #tpu.memory_space<vmem>> -> memref<1x512xi32, #tpu.memory_space<vmem>>
    %dma_start3A_20 = arith.constant 1 : i32
    %dma_start3A_21 = tpu.memref_slice %arg2[%dma_start3A_20, %mul3A_2] : memref<12x16384xi32, #tpu.memory_space<hbm>> -> memref<1x512xi32, #tpu.memory_space<hbm>>
    tpu.enqueue_dma source(%dma_start3A_21 : memref<1x512xi32, #tpu.memory_space<hbm>>) target(%dma_start3A_19 : memref<1x512xi32, #tpu.memory_space<vmem>>) target_semaphore(%arg13 : memref<!tpu.dma_semaphore, #tpu.memory_space<semaphore_mem>>)
    %dma_start3A_22 = arith.constant 0 : i32
    %dma_start3A_23 = arith.constant 1024 : i32
    %dma_start3A_24 = tpu.memref_slice %arg6[%dma_start3A_22, %dma_start3A_23] : memref<1x6144xi32, #tpu.memory_space<vmem>> -> memref<1x512xi32, #tpu.memory_space<vmem>>
    %dma_start3A_25 = arith.constant 2 : i32
    %dma_start3A_26 = tpu.memref_slice %arg2[%dma_start3A_25, %mul3A_2] : memref<12x16384xi32, #tpu.memory_space<hbm>> -> memref<1x512xi32, #tpu.memory_space<hbm>>
    %dma_start3A_27 = arith.constant 0 : i32
    %dma_start3A_28 = arith.constant 1024 : i32
    %dma_start3A_29 = tpu.memref_slice %arg6[%dma_start3A_27, %dma_start3A_28] : memref<1x6144xi32, #tpu.memory_space<vmem>> -> memref<1x512xi32, #tpu.memory_space<vmem>>
    %dma_start3A_30 = arith.constant 2 : i32
    %dma_start3A_31 = tpu.memref_slice %arg2[%dma_start3A_30, %mul3A_2] : memref<12x16384xi32, #tpu.memory_space<hbm>> -> memref<1x512xi32, #tpu.memory_space<hbm>>
    tpu.enqueue_dma source(%dma_start3A_31 : memref<1x512xi32, #tpu.memory_space<hbm>>) target(%dma_start3A_29 : memref<1x512xi32, #tpu.memory_space<vmem>>) target_semaphore(%arg14 : memref<!tpu.dma_semaphore, #tpu.memory_space<semaphore_mem>>)
    %dma_start3A_32 = arith.constant 0 : i32
    %dma_start3A_33 = arith.constant 1536 : i32
    %dma_start3A_34 = tpu.memref_slice %arg6[%dma_start3A_32, %dma_start3A_33] : memref<1x6144xi32, #tpu.memory_space<vmem>> -> memref<1x512xi32, #tpu.memory_space<vmem>>
    %dma_start3A_35 = arith.constant 3 : i32
    %dma_start3A_36 = tpu.memref_slice %arg2[%dma_start3A_35, %mul3A_2] : memref<12x16384xi32, #tpu.memory_space<hbm>> -> memref<1x512xi32, #tpu.memory_space<hbm>>
    %dma_start3A_37 = arith.constant 0 : i32
    %dma_start3A_38 = arith.constant 1536 : i32
    %dma_start3A_39 = tpu.memref_slice %arg6[%dma_start3A_37, %dma_start3A_38] : memref<1x6144xi32, #tpu.memory_space<vmem>> -> memref<1x512xi32, #tpu.memory_space<vmem>>
    %dma_start3A_40 = arith.constant 3 : i32
    %dma_start3A_41 = tpu.memref_slice %arg2[%dma_start3A_40, %mul3A_2] : memref<12x16384xi32, #tpu.memory_space<hbm>> -> memref<1x512xi32, #tpu.memory_space<hbm>>
    tpu.enqueue_dma source(%dma_start3A_41 : memref<1x512xi32, #tpu.memory_space<hbm>>) target(%dma_start3A_39 : memref<1x512xi32, #tpu.memory_space<vmem>>) target_semaphore(%arg15 : memref<!tpu.dma_semaphore, #tpu.memory_space<semaphore_mem>>)
    %dma_start3A_42 = arith.constant 0 : i32
    %dma_start3A_43 = arith.constant 2048 : i32
    %dma_start3A_44 = tpu.memref_slice %arg6[%dma_start3A_42, %dma_start3A_43] : memref<1x6144xi32, #tpu.memory_space<vmem>> -> memref<1x512xi32, #tpu.memory_space<vmem>>
    %dma_start3A_45 = arith.constant 4 : i32
    %dma_start3A_46 = tpu.memref_slice %arg2[%dma_start3A_45, %mul3A_2] : memref<12x16384xi32, #tpu.memory_space<hbm>> -> memref<1x512xi32, #tpu.memory_space<hbm>>
    %dma_start3A_47 = arith.constant 0 : i32
    %dma_start3A_48 = arith.constant 2048 : i32
    %dma_start3A_49 = tpu.memref_slice %arg6[%dma_start3A_47, %dma_start3A_48] : memref<1x6144xi32, #tpu.memory_space<vmem>> -> memref<1x512xi32, #tpu.memory_space<vmem>>
    %dma_start3A_50 = arith.constant 4 : i32
    %dma_start3A_51 = tpu.memref_slice %arg2[%dma_start3A_50, %mul3A_2] : memref<12x16384xi32, #tpu.memory_space<hbm>> -> memref<1x512xi32, #tpu.memory_space<hbm>>
    tpu.enqueue_dma source(%dma_start3A_51 : memref<1x512xi32, #tpu.memory_space<hbm>>) target(%dma_start3A_49 : memref<1x512xi32, #tpu.memory_space<vmem>>) target_semaphore(%arg16 : memref<!tpu.dma_semaphore, #tpu.memory_space<semaphore_mem>>)
    %dma_start3A_52 = arith.constant 0 : i32
    %dma_start3A_53 = arith.constant 2560 : i32
    %dma_start3A_54 = tpu.memref_slice %arg6[%dma_start3A_52, %dma_start3A_53] : memref<1x6144xi32, #tpu.memory_space<vmem>> -> memref<1x512xi32, #tpu.memory_space<vmem>>
    %dma_start3A_55 = arith.constant 5 : i32
    %dma_start3A_56 = tpu.memref_slice %arg2[%dma_start3A_55, %mul3A_2] : memref<12x16384xi32, #tpu.memory_space<hbm>> -> memref<1x512xi32, #tpu.memory_space<hbm>>
    %dma_start3A_57 = arith.constant 0 : i32
    %dma_start3A_58 = arith.constant 2560 : i32
    %dma_start3A_59 = tpu.memref_slice %arg6[%dma_start3A_57, %dma_start3A_58] : memref<1x6144xi32, #tpu.memory_space<vmem>> -> memref<1x512xi32, #tpu.memory_space<vmem>>
    %dma_start3A_60 = arith.constant 5 : i32
    %dma_start3A_61 = tpu.memref_slice %arg2[%dma_start3A_60, %mul3A_2] : memref<12x16384xi32, #tpu.memory_space<hbm>> -> memref<1x512xi32, #tpu.memory_space<hbm>>
    tpu.enqueue_dma source(%dma_start3A_61 : memref<1x512xi32, #tpu.memory_space<hbm>>) target(%dma_start3A_59 : memref<1x512xi32, #tpu.memory_space<vmem>>) target_semaphore(%arg17 : memref<!tpu.dma_semaphore, #tpu.memory_space<semaphore_mem>>)
    %dma_start3A_62 = arith.constant 0 : i32
    %dma_start3A_63 = arith.constant 3072 : i32
    %dma_start3A_64 = tpu.memref_slice %arg6[%dma_start3A_62, %dma_start3A_63] : memref<1x6144xi32, #tpu.memory_space<vmem>> -> memref<1x512xi32, #tpu.memory_space<vmem>>
    %dma_start3A_65 = arith.constant 6 : i32
    %dma_start3A_66 = tpu.memref_slice %arg2[%dma_start3A_65, %mul3A_2] : memref<12x16384xi32, #tpu.memory_space<hbm>> -> memref<1x512xi32, #tpu.memory_space<hbm>>
    %dma_start3A_67 = arith.constant 0 : i32
    %dma_start3A_68 = arith.constant 3072 : i32
    %dma_start3A_69 = tpu.memref_slice %arg6[%dma_start3A_67, %dma_start3A_68] : memref<1x6144xi32, #tpu.memory_space<vmem>> -> memref<1x512xi32, #tpu.memory_space<vmem>>
    %dma_start3A_70 = arith.constant 6 : i32
    %dma_start3A_71 = tpu.memref_slice %arg2[%dma_start3A_70, %mul3A_2] : memref<12x16384xi32, #tpu.memory_space<hbm>> -> memref<1x512xi32, #tpu.memory_space<hbm>>
    tpu.enqueue_dma source(%dma_start3A_71 : memref<1x512xi32, #tpu.memory_space<hbm>>) target(%dma_start3A_69 : memref<1x512xi32, #tpu.memory_space<vmem>>) target_semaphore(%arg18 : memref<!tpu.dma_semaphore, #tpu.memory_space<semaphore_mem>>)
    %dma_start3A_72 = arith.constant 0 : i32
    %dma_start3A_73 = arith.constant 3584 : i32
    %dma_start3A_74 = tpu.memref_slice %arg6[%dma_start3A_72, %dma_start3A_73] : memref<1x6144xi32, #tpu.memory_space<vmem>> -> memref<1x512xi32, #tpu.memory_space<vmem>>
    %dma_start3A_75 = arith.constant 7 : i32
    %dma_start3A_76 = tpu.memref_slice %arg2[%dma_start3A_75, %mul3A_2] : memref<12x16384xi32, #tpu.memory_space<hbm>> -> memref<1x512xi32, #tpu.memory_space<hbm>>
    %dma_start3A_77 = arith.constant 0 : i32
    %dma_start3A_78 = arith.constant 3584 : i32
    %dma_start3A_79 = tpu.memref_slice %arg6[%dma_start3A_77, %dma_start3A_78] : memref<1x6144xi32, #tpu.memory_space<vmem>> -> memref<1x512xi32, #tpu.memory_space<vmem>>
    %dma_start3A_80 = arith.constant 7 : i32
    %dma_start3A_81 = tpu.memref_slice %arg2[%dma_start3A_80, %mul3A_2] : memref<12x16384xi32, #tpu.memory_space<hbm>> -> memref<1x512xi32, #tpu.memory_space<hbm>>
    tpu.enqueue_dma source(%dma_start3A_81 : memref<1x512xi32, #tpu.memory_space<hbm>>) target(%dma_start3A_79 : memref<1x512xi32, #tpu.memory_space<vmem>>) target_semaphore(%arg19 : memref<!tpu.dma_semaphore, #tpu.memory_space<semaphore_mem>>)
    %dma_start3A_82 = arith.constant 0 : i32
    %dma_start3A_83 = arith.constant 4096 : i32
    %dma_start3A_84 = tpu.memref_slice %arg6[%dma_start3A_82, %dma_start3A_83] : memref<1x6144xi32, #tpu.memory_space<vmem>> -> memref<1x512xi32, #tpu.memory_space<vmem>>
    %dma_start3A_85 = arith.constant 8 : i32
    %dma_start3A_86 = tpu.memref_slice %arg2[%dma_start3A_85, %mul3A_2] : memref<12x16384xi32, #tpu.memory_space<hbm>> -> memref<1x512xi32, #tpu.memory_space<hbm>>
    %dma_start3A_87 = arith.constant 0 : i32
    %dma_start3A_88 = arith.constant 4096 : i32
    %dma_start3A_89 = tpu.memref_slice %arg6[%dma_start3A_87, %dma_start3A_88] : memref<1x6144xi32, #tpu.memory_space<vmem>> -> memref<1x512xi32, #tpu.memory_space<vmem>>
    %dma_start3A_90 = arith.constant 8 : i32
    %dma_start3A_91 = tpu.memref_slice %arg2[%dma_start3A_90, %mul3A_2] : memref<12x16384xi32, #tpu.memory_space<hbm>> -> memref<1x512xi32, #tpu.memory_space<hbm>>
    tpu.enqueue_dma source(%dma_start3A_91 : memref<1x512xi32, #tpu.memory_space<hbm>>) target(%dma_start3A_89 : memref<1x512xi32, #tpu.memory_space<vmem>>) target_semaphore(%arg20 : memref<!tpu.dma_semaphore, #tpu.memory_space<semaphore_mem>>)
    %dma_start3A_92 = arith.constant 0 : i32
    %dma_start3A_93 = arith.constant 4608 : i32
    %dma_start3A_94 = tpu.memref_slice %arg6[%dma_start3A_92, %dma_start3A_93] : memref<1x6144xi32, #tpu.memory_space<vmem>> -> memref<1x512xi32, #tpu.memory_space<vmem>>
    %dma_start3A_95 = arith.constant 9 : i32
    %dma_start3A_96 = tpu.memref_slice %arg2[%dma_start3A_95, %mul3A_2] : memref<12x16384xi32, #tpu.memory_space<hbm>> -> memref<1x512xi32, #tpu.memory_space<hbm>>
    %dma_start3A_97 = arith.constant 0 : i32
    %dma_start3A_98 = arith.constant 4608 : i32
    %dma_start3A_99 = tpu.memref_slice %arg6[%dma_start3A_97, %dma_start3A_98] : memref<1x6144xi32, #tpu.memory_space<vmem>> -> memref<1x512xi32, #tpu.memory_space<vmem>>
    %dma_start3A_100 = arith.constant 9 : i32
    %dma_start3A_101 = tpu.memref_slice %arg2[%dma_start3A_100, %mul3A_2] : memref<12x16384xi32, #tpu.memory_space<hbm>> -> memref<1x512xi32, #tpu.memory_space<hbm>>
    tpu.enqueue_dma source(%dma_start3A_101 : memref<1x512xi32, #tpu.memory_space<hbm>>) target(%dma_start3A_99 : memref<1x512xi32, #tpu.memory_space<vmem>>) target_semaphore(%arg21 : memref<!tpu.dma_semaphore, #tpu.memory_space<semaphore_mem>>)
    %dma_start3A_102 = arith.constant 0 : i32
    %dma_start3A_103 = arith.constant 5120 : i32
    %dma_start3A_104 = tpu.memref_slice %arg6[%dma_start3A_102, %dma_start3A_103] : memref<1x6144xi32, #tpu.memory_space<vmem>> -> memref<1x512xi32, #tpu.memory_space<vmem>>
    %dma_start3A_105 = arith.constant 10 : i32
    %dma_start3A_106 = tpu.memref_slice %arg2[%dma_start3A_105, %mul3A_2] : memref<12x16384xi32, #tpu.memory_space<hbm>> -> memref<1x512xi32, #tpu.memory_space<hbm>>
    %dma_start3A_107 = arith.constant 0 : i32
    %dma_start3A_108 = arith.constant 5120 : i32
    %dma_start3A_109 = tpu.memref_slice %arg6[%dma_start3A_107, %dma_start3A_108] : memref<1x6144xi32, #tpu.memory_space<vmem>> -> memref<1x512xi32, #tpu.memory_space<vmem>>
    %dma_start3A_110 = arith.constant 10 : i32
    %dma_start3A_111 = tpu.memref_slice %arg2[%dma_start3A_110, %mul3A_2] : memref<12x16384xi32, #tpu.memory_space<hbm>> -> memref<1x512xi32, #tpu.memory_space<hbm>>
    tpu.enqueue_dma source(%dma_start3A_111 : memref<1x512xi32, #tpu.memory_space<hbm>>) target(%dma_start3A_109 : memref<1x512xi32, #tpu.memory_space<vmem>>) target_semaphore(%arg22 : memref<!tpu.dma_semaphore, #tpu.memory_space<semaphore_mem>>)
    %dma_start3A_112 = arith.constant 0 : i32
    %dma_start3A_113 = arith.constant 5632 : i32
    %dma_start3A_114 = tpu.memref_slice %arg6[%dma_start3A_112, %dma_start3A_113] : memref<1x6144xi32, #tpu.memory_space<vmem>> -> memref<1x512xi32, #tpu.memory_space<vmem>>
    %dma_start3A_115 = arith.constant 11 : i32
    %dma_start3A_116 = tpu.memref_slice %arg2[%dma_start3A_115, %mul3A_2] : memref<12x16384xi32, #tpu.memory_space<hbm>> -> memref<1x512xi32, #tpu.memory_space<hbm>>
    %dma_start3A_117 = arith.constant 0 : i32
    %dma_start3A_118 = arith.constant 5632 : i32
    %dma_start3A_119 = tpu.memref_slice %arg6[%dma_start3A_117, %dma_start3A_118] : memref<1x6144xi32, #tpu.memory_space<vmem>> -> memref<1x512xi32, #tpu.memory_space<vmem>>
    %dma_start3A_120 = arith.constant 11 : i32
    %dma_start3A_121 = tpu.memref_slice %arg2[%dma_start3A_120, %mul3A_2] : memref<12x16384xi32, #tpu.memory_space<hbm>> -> memref<1x512xi32, #tpu.memory_space<hbm>>
    tpu.enqueue_dma source(%dma_start3A_121 : memref<1x512xi32, #tpu.memory_space<hbm>>) target(%dma_start3A_119 : memref<1x512xi32, #tpu.memory_space<vmem>>) target_semaphore(%arg23 : memref<!tpu.dma_semaphore, #tpu.memory_space<semaphore_mem>>)
    %dma_wait3A = arith.constant 0 : i32
    %dma_wait3A_122 = arith.constant 0 : i32
    %dma_wait3A_123 = tpu.memref_slice %arg6[%dma_wait3A, %dma_wait3A_122] : memref<1x6144xi32, #tpu.memory_space<vmem>> -> memref<1x512xi32, #tpu.memory_space<vmem>>
    %dma_wait3A_124 = arith.constant 0 : i32
    %dma_wait3A_125 = tpu.memref_slice %arg2[%dma_wait3A_124, %mul3A_2] : memref<12x16384xi32, #tpu.memory_space<hbm>> -> memref<1x512xi32, #tpu.memory_space<hbm>>
    %dma_wait3A_126 = arith.constant 0 : i32
    %dma_wait3A_127 = arith.constant 0 : i32
    %dma_wait3A_128 = tpu.memref_slice %arg6[%dma_wait3A_126, %dma_wait3A_127] : memref<1x6144xi32, #tpu.memory_space<vmem>> -> memref<1x512xi32, #tpu.memory_space<vmem>>
    %dma_wait3A_129 = arith.constant 0 : i32
    %dma_wait3A_130 = tpu.memref_slice %arg2[%dma_wait3A_129, %mul3A_2] : memref<12x16384xi32, #tpu.memory_space<hbm>> -> memref<1x512xi32, #tpu.memory_space<hbm>>
    tpu.wait_dma2 semaphore(%arg12 : memref<!tpu.dma_semaphore, #tpu.memory_space<semaphore_mem>>) src(%dma_wait3A_130 : memref<1x512xi32, #tpu.memory_space<hbm>>) dst(%dma_wait3A_128 : memref<1x512xi32, #tpu.memory_space<vmem>>)
    %dma_start3A_131 = arith.constant 0 : i32
    %dma_start3A_132 = arith.constant 0 : i32
    %dma_start3A_133 = tpu.memref_slice %arg7[%dma_start3A_131, %dma_start3A_132] : memref<1x4608xf32, #tpu.memory_space<vmem>> -> memref<1x512xf32, #tpu.memory_space<vmem>>
    %dma_start3A_134 = arith.constant 0 : i32
    %dma_start3A_135 = arith.constant 0 : i32
    %dma_start3A_136 = tpu.memref_slice %arg6[%dma_start3A_134, %dma_start3A_135] : memref<1x6144xi32, #tpu.memory_space<vmem>> -> memref<1x512xi32, #tpu.memory_space<vmem>>
    %dma_start3A_137 = arith.constant 0 : i32
    %dma_start3A_138 = arith.constant 0 : i32
    %dma_start3A_139 = tpu.memref_slice %arg3[%dma_start3A_137, %dma_start3A_138] : memref<1x1000000xf32, #tpu.memory_space<hbm>> -> memref<1x1000000xf32, #tpu.memory_space<hbm>>
    tpu.enqueue_indirect_dma source(%dma_start3A_139 : memref<1x1000000xf32, #tpu.memory_space<hbm>>) target(%dma_start3A_133 : memref<1x512xf32, #tpu.memory_space<vmem>>) offsets(%dma_start3A_136 : memref<1x512xi32, #tpu.memory_space<vmem>>) semaphore(%arg10 : memref<!tpu.dma_semaphore, #tpu.memory_space<semaphore_mem>>)
    %dma_wait3A_140 = arith.constant 0 : i32
    %dma_wait3A_141 = arith.constant 512 : i32
    %dma_wait3A_142 = tpu.memref_slice %arg6[%dma_wait3A_140, %dma_wait3A_141] : memref<1x6144xi32, #tpu.memory_space<vmem>> -> memref<1x512xi32, #tpu.memory_space<vmem>>
    %dma_wait3A_143 = arith.constant 1 : i32
    %dma_wait3A_144 = tpu.memref_slice %arg2[%dma_wait3A_143, %mul3A_2] : memref<12x16384xi32, #tpu.memory_space<hbm>> -> memref<1x512xi32, #tpu.memory_space<hbm>>
    %dma_wait3A_145 = arith.constant 0 : i32
    %dma_wait3A_146 = arith.constant 512 : i32
    %dma_wait3A_147 = tpu.memref_slice %arg6[%dma_wait3A_145, %dma_wait3A_146] : memref<1x6144xi32, #tpu.memory_space<vmem>> -> memref<1x512xi32, #tpu.memory_space<vmem>>
    %dma_wait3A_148 = arith.constant 1 : i32
    %dma_wait3A_149 = tpu.memref_slice %arg2[%dma_wait3A_148, %mul3A_2] : memref<12x16384xi32, #tpu.memory_space<hbm>> -> memref<1x512xi32, #tpu.memory_space<hbm>>
    tpu.wait_dma2 semaphore(%arg13 : memref<!tpu.dma_semaphore, #tpu.memory_space<semaphore_mem>>) src(%dma_wait3A_149 : memref<1x512xi32, #tpu.memory_space<hbm>>) dst(%dma_wait3A_147 : memref<1x512xi32, #tpu.memory_space<vmem>>)
    %dma_start3A_150 = arith.constant 0 : i32
    %dma_start3A_151 = arith.constant 512 : i32
    %dma_start3A_152 = tpu.memref_slice %arg7[%dma_start3A_150, %dma_start3A_151] : memref<1x4608xf32, #tpu.memory_space<vmem>> -> memref<1x512xf32, #tpu.memory_space<vmem>>
    %dma_start3A_153 = arith.constant 0 : i32
    %dma_start3A_154 = arith.constant 512 : i32
    %dma_start3A_155 = tpu.memref_slice %arg6[%dma_start3A_153, %dma_start3A_154] : memref<1x6144xi32, #tpu.memory_space<vmem>> -> memref<1x512xi32, #tpu.memory_space<vmem>>
    %dma_start3A_156 = arith.constant 0 : i32
    %dma_start3A_157 = arith.constant 0 : i32
    %dma_start3A_158 = tpu.memref_slice %arg3[%dma_start3A_156, %dma_start3A_157] : memref<1x1000000xf32, #tpu.memory_space<hbm>> -> memref<1x1000000xf32, #tpu.memory_space<hbm>>
    tpu.enqueue_indirect_dma source(%dma_start3A_158 : memref<1x1000000xf32, #tpu.memory_space<hbm>>) target(%dma_start3A_152 : memref<1x512xf32, #tpu.memory_space<vmem>>) offsets(%dma_start3A_155 : memref<1x512xi32, #tpu.memory_space<vmem>>) semaphore(%arg10 : memref<!tpu.dma_semaphore, #tpu.memory_space<semaphore_mem>>)
    %dma_wait3A_159 = arith.constant 0 : i32
    %dma_wait3A_160 = arith.constant 1024 : i32
    %dma_wait3A_161 = tpu.memref_slice %arg6[%dma_wait3A_159, %dma_wait3A_160] : memref<1x6144xi32, #tpu.memory_space<vmem>> -> memref<1x512xi32, #tpu.memory_space<vmem>>
    %dma_wait3A_162 = arith.constant 2 : i32
    %dma_wait3A_163 = tpu.memref_slice %arg2[%dma_wait3A_162, %mul3A_2] : memref<12x16384xi32, #tpu.memory_space<hbm>> -> memref<1x512xi32, #tpu.memory_space<hbm>>
    %dma_wait3A_164 = arith.constant 0 : i32
    %dma_wait3A_165 = arith.constant 1024 : i32
    %dma_wait3A_166 = tpu.memref_slice %arg6[%dma_wait3A_164, %dma_wait3A_165] : memref<1x6144xi32, #tpu.memory_space<vmem>> -> memref<1x512xi32, #tpu.memory_space<vmem>>
    %dma_wait3A_167 = arith.constant 2 : i32
    %dma_wait3A_168 = tpu.memref_slice %arg2[%dma_wait3A_167, %mul3A_2] : memref<12x16384xi32, #tpu.memory_space<hbm>> -> memref<1x512xi32, #tpu.memory_space<hbm>>
    tpu.wait_dma2 semaphore(%arg14 : memref<!tpu.dma_semaphore, #tpu.memory_space<semaphore_mem>>) src(%dma_wait3A_168 : memref<1x512xi32, #tpu.memory_space<hbm>>) dst(%dma_wait3A_166 : memref<1x512xi32, #tpu.memory_space<vmem>>)
    %dma_start3A_169 = arith.constant 0 : i32
    %dma_start3A_170 = arith.constant 1024 : i32
    %dma_start3A_171 = tpu.memref_slice %arg7[%dma_start3A_169, %dma_start3A_170] : memref<1x4608xf32, #tpu.memory_space<vmem>> -> memref<1x512xf32, #tpu.memory_space<vmem>>
    %dma_start3A_172 = arith.constant 0 : i32
    %dma_start3A_173 = arith.constant 1024 : i32
    %dma_start3A_174 = tpu.memref_slice %arg6[%dma_start3A_172, %dma_start3A_173] : memref<1x6144xi32, #tpu.memory_space<vmem>> -> memref<1x512xi32, #tpu.memory_space<vmem>>
    %dma_start3A_175 = arith.constant 0 : i32
    %dma_start3A_176 = arith.constant 0 : i32
    %dma_start3A_177 = tpu.memref_slice %arg3[%dma_start3A_175, %dma_start3A_176] : memref<1x1000000xf32, #tpu.memory_space<hbm>> -> memref<1x1000000xf32, #tpu.memory_space<hbm>>
    tpu.enqueue_indirect_dma source(%dma_start3A_177 : memref<1x1000000xf32, #tpu.memory_space<hbm>>) target(%dma_start3A_171 : memref<1x512xf32, #tpu.memory_space<vmem>>) offsets(%dma_start3A_174 : memref<1x512xi32, #tpu.memory_space<vmem>>) semaphore(%arg10 : memref<!tpu.dma_semaphore, #tpu.memory_space<semaphore_mem>>)
    %dma_wait3A_178 = arith.constant 0 : i32
    %dma_wait3A_179 = arith.constant 1536 : i32
    %dma_wait3A_180 = tpu.memref_slice %arg6[%dma_wait3A_178, %dma_wait3A_179] : memref<1x6144xi32, #tpu.memory_space<vmem>> -> memref<1x512xi32, #tpu.memory_space<vmem>>
    %dma_wait3A_181 = arith.constant 3 : i32
    %dma_wait3A_182 = tpu.memref_slice %arg2[%dma_wait3A_181, %mul3A_2] : memref<12x16384xi32, #tpu.memory_space<hbm>> -> memref<1x512xi32, #tpu.memory_space<hbm>>
    %dma_wait3A_183 = arith.constant 0 : i32
    %dma_wait3A_184 = arith.constant 1536 : i32
    %dma_wait3A_185 = tpu.memref_slice %arg6[%dma_wait3A_183, %dma_wait3A_184] : memref<1x6144xi32, #tpu.memory_space<vmem>> -> memref<1x512xi32, #tpu.memory_space<vmem>>
    %dma_wait3A_186 = arith.constant 3 : i32
    %dma_wait3A_187 = tpu.memref_slice %arg2[%dma_wait3A_186, %mul3A_2] : memref<12x16384xi32, #tpu.memory_space<hbm>> -> memref<1x512xi32, #tpu.memory_space<hbm>>
    tpu.wait_dma2 semaphore(%arg15 : memref<!tpu.dma_semaphore, #tpu.memory_space<semaphore_mem>>) src(%dma_wait3A_187 : memref<1x512xi32, #tpu.memory_space<hbm>>) dst(%dma_wait3A_185 : memref<1x512xi32, #tpu.memory_space<vmem>>)
    %dma_start3A_188 = arith.constant 0 : i32
    %dma_start3A_189 = arith.constant 1536 : i32
    %dma_start3A_190 = tpu.memref_slice %arg7[%dma_start3A_188, %dma_start3A_189] : memref<1x4608xf32, #tpu.memory_space<vmem>> -> memref<1x512xf32, #tpu.memory_space<vmem>>
    %dma_start3A_191 = arith.constant 0 : i32
    %dma_start3A_192 = arith.constant 1536 : i32
    %dma_start3A_193 = tpu.memref_slice %arg6[%dma_start3A_191, %dma_start3A_192] : memref<1x6144xi32, #tpu.memory_space<vmem>> -> memref<1x512xi32, #tpu.memory_space<vmem>>
    %dma_start3A_194 = arith.constant 0 : i32
    %dma_start3A_195 = arith.constant 0 : i32
    %dma_start3A_196 = tpu.memref_slice %arg3[%dma_start3A_194, %dma_start3A_195] : memref<1x1000000xf32, #tpu.memory_space<hbm>> -> memref<1x1000000xf32, #tpu.memory_space<hbm>>
    tpu.enqueue_indirect_dma source(%dma_start3A_196 : memref<1x1000000xf32, #tpu.memory_space<hbm>>) target(%dma_start3A_190 : memref<1x512xf32, #tpu.memory_space<vmem>>) offsets(%dma_start3A_193 : memref<1x512xi32, #tpu.memory_space<vmem>>) semaphore(%arg10 : memref<!tpu.dma_semaphore, #tpu.memory_space<semaphore_mem>>)
    %dma_wait3A_197 = arith.constant 0 : i32
    %dma_wait3A_198 = arith.constant 2048 : i32
    %dma_wait3A_199 = tpu.memref_slice %arg6[%dma_wait3A_197, %dma_wait3A_198] : memref<1x6144xi32, #tpu.memory_space<vmem>> -> memref<1x512xi32, #tpu.memory_space<vmem>>
    %dma_wait3A_200 = arith.constant 4 : i32
    %dma_wait3A_201 = tpu.memref_slice %arg2[%dma_wait3A_200, %mul3A_2] : memref<12x16384xi32, #tpu.memory_space<hbm>> -> memref<1x512xi32, #tpu.memory_space<hbm>>
    %dma_wait3A_202 = arith.constant 0 : i32
    %dma_wait3A_203 = arith.constant 2048 : i32
    %dma_wait3A_204 = tpu.memref_slice %arg6[%dma_wait3A_202, %dma_wait3A_203] : memref<1x6144xi32, #tpu.memory_space<vmem>> -> memref<1x512xi32, #tpu.memory_space<vmem>>
    %dma_wait3A_205 = arith.constant 4 : i32
    %dma_wait3A_206 = tpu.memref_slice %arg2[%dma_wait3A_205, %mul3A_2] : memref<12x16384xi32, #tpu.memory_space<hbm>> -> memref<1x512xi32, #tpu.memory_space<hbm>>
    tpu.wait_dma2 semaphore(%arg16 : memref<!tpu.dma_semaphore, #tpu.memory_space<semaphore_mem>>) src(%dma_wait3A_206 : memref<1x512xi32, #tpu.memory_space<hbm>>) dst(%dma_wait3A_204 : memref<1x512xi32, #tpu.memory_space<vmem>>)
    %dma_start3A_207 = arith.constant 0 : i32
    %dma_start3A_208 = arith.constant 2048 : i32
    %dma_start3A_209 = tpu.memref_slice %arg7[%dma_start3A_207, %dma_start3A_208] : memref<1x4608xf32, #tpu.memory_space<vmem>> -> memref<1x512xf32, #tpu.memory_space<vmem>>
    %dma_start3A_210 = arith.constant 0 : i32
    %dma_start3A_211 = arith.constant 2048 : i32
    %dma_start3A_212 = tpu.memref_slice %arg6[%dma_start3A_210, %dma_start3A_211] : memref<1x6144xi32, #tpu.memory_space<vmem>> -> memref<1x512xi32, #tpu.memory_space<vmem>>
    %dma_start3A_213 = arith.constant 0 : i32
    %dma_start3A_214 = arith.constant 0 : i32
    %dma_start3A_215 = tpu.memref_slice %arg3[%dma_start3A_213, %dma_start3A_214] : memref<1x1000000xf32, #tpu.memory_space<hbm>> -> memref<1x1000000xf32, #tpu.memory_space<hbm>>
    tpu.enqueue_indirect_dma source(%dma_start3A_215 : memref<1x1000000xf32, #tpu.memory_space<hbm>>) target(%dma_start3A_209 : memref<1x512xf32, #tpu.memory_space<vmem>>) offsets(%dma_start3A_212 : memref<1x512xi32, #tpu.memory_space<vmem>>) semaphore(%arg10 : memref<!tpu.dma_semaphore, #tpu.memory_space<semaphore_mem>>)
    %dma_wait3A_216 = arith.constant 0 : i32
    %dma_wait3A_217 = arith.constant 2560 : i32
    %dma_wait3A_218 = tpu.memref_slice %arg6[%dma_wait3A_216, %dma_wait3A_217] : memref<1x6144xi32, #tpu.memory_space<vmem>> -> memref<1x512xi32, #tpu.memory_space<vmem>>
    %dma_wait3A_219 = arith.constant 5 : i32
    %dma_wait3A_220 = tpu.memref_slice %arg2[%dma_wait3A_219, %mul3A_2] : memref<12x16384xi32, #tpu.memory_space<hbm>> -> memref<1x512xi32, #tpu.memory_space<hbm>>
    %dma_wait3A_221 = arith.constant 0 : i32
    %dma_wait3A_222 = arith.constant 2560 : i32
    %dma_wait3A_223 = tpu.memref_slice %arg6[%dma_wait3A_221, %dma_wait3A_222] : memref<1x6144xi32, #tpu.memory_space<vmem>> -> memref<1x512xi32, #tpu.memory_space<vmem>>
    %dma_wait3A_224 = arith.constant 5 : i32
    %dma_wait3A_225 = tpu.memref_slice %arg2[%dma_wait3A_224, %mul3A_2] : memref<12x16384xi32, #tpu.memory_space<hbm>> -> memref<1x512xi32, #tpu.memory_space<hbm>>
    tpu.wait_dma2 semaphore(%arg17 : memref<!tpu.dma_semaphore, #tpu.memory_space<semaphore_mem>>) src(%dma_wait3A_225 : memref<1x512xi32, #tpu.memory_space<hbm>>) dst(%dma_wait3A_223 : memref<1x512xi32, #tpu.memory_space<vmem>>)
    %dma_start3A_226 = arith.constant 0 : i32
    %dma_start3A_227 = arith.constant 2560 : i32
    %dma_start3A_228 = tpu.memref_slice %arg7[%dma_start3A_226, %dma_start3A_227] : memref<1x4608xf32, #tpu.memory_space<vmem>> -> memref<1x512xf32, #tpu.memory_space<vmem>>
    %dma_start3A_229 = arith.constant 0 : i32
    %dma_start3A_230 = arith.constant 2560 : i32
    %dma_start3A_231 = tpu.memref_slice %arg6[%dma_start3A_229, %dma_start3A_230] : memref<1x6144xi32, #tpu.memory_space<vmem>> -> memref<1x512xi32, #tpu.memory_space<vmem>>
    %dma_start3A_232 = arith.constant 0 : i32
    %dma_start3A_233 = arith.constant 0 : i32
    %dma_start3A_234 = tpu.memref_slice %arg3[%dma_start3A_232, %dma_start3A_233] : memref<1x1000000xf32, #tpu.memory_space<hbm>> -> memref<1x1000000xf32, #tpu.memory_space<hbm>>
    tpu.enqueue_indirect_dma source(%dma_start3A_234 : memref<1x1000000xf32, #tpu.memory_space<hbm>>) target(%dma_start3A_228 : memref<1x512xf32, #tpu.memory_space<vmem>>) offsets(%dma_start3A_231 : memref<1x512xi32, #tpu.memory_space<vmem>>) semaphore(%arg10 : memref<!tpu.dma_semaphore, #tpu.memory_space<semaphore_mem>>)
    %dma_wait3A_235 = arith.constant 0 : i32
    %dma_wait3A_236 = arith.constant 3072 : i32
    %dma_wait3A_237 = tpu.memref_slice %arg6[%dma_wait3A_235, %dma_wait3A_236] : memref<1x6144xi32, #tpu.memory_space<vmem>> -> memref<1x512xi32, #tpu.memory_space<vmem>>
    %dma_wait3A_238 = arith.constant 6 : i32
    %dma_wait3A_239 = tpu.memref_slice %arg2[%dma_wait3A_238, %mul3A_2] : memref<12x16384xi32, #tpu.memory_space<hbm>> -> memref<1x512xi32, #tpu.memory_space<hbm>>
    %dma_wait3A_240 = arith.constant 0 : i32
    %dma_wait3A_241 = arith.constant 3072 : i32
    %dma_wait3A_242 = tpu.memref_slice %arg6[%dma_wait3A_240, %dma_wait3A_241] : memref<1x6144xi32, #tpu.memory_space<vmem>> -> memref<1x512xi32, #tpu.memory_space<vmem>>
    %dma_wait3A_243 = arith.constant 6 : i32
    %dma_wait3A_244 = tpu.memref_slice %arg2[%dma_wait3A_243, %mul3A_2] : memref<12x16384xi32, #tpu.memory_space<hbm>> -> memref<1x512xi32, #tpu.memory_space<hbm>>
    tpu.wait_dma2 semaphore(%arg18 : memref<!tpu.dma_semaphore, #tpu.memory_space<semaphore_mem>>) src(%dma_wait3A_244 : memref<1x512xi32, #tpu.memory_space<hbm>>) dst(%dma_wait3A_242 : memref<1x512xi32, #tpu.memory_space<vmem>>)
    %dma_start3A_245 = arith.constant 0 : i32
    %dma_start3A_246 = arith.constant 3072 : i32
    %dma_start3A_247 = tpu.memref_slice %arg7[%dma_start3A_245, %dma_start3A_246] : memref<1x4608xf32, #tpu.memory_space<vmem>> -> memref<1x512xf32, #tpu.memory_space<vmem>>
    %dma_start3A_248 = arith.constant 0 : i32
    %dma_start3A_249 = arith.constant 3072 : i32
    %dma_start3A_250 = tpu.memref_slice %arg6[%dma_start3A_248, %dma_start3A_249] : memref<1x6144xi32, #tpu.memory_space<vmem>> -> memref<1x512xi32, #tpu.memory_space<vmem>>
    %dma_start3A_251 = arith.constant 0 : i32
    %dma_start3A_252 = arith.constant 0 : i32
    %dma_start3A_253 = tpu.memref_slice %arg3[%dma_start3A_251, %dma_start3A_252] : memref<1x1000000xf32, #tpu.memory_space<hbm>> -> memref<1x1000000xf32, #tpu.memory_space<hbm>>
    tpu.enqueue_indirect_dma source(%dma_start3A_253 : memref<1x1000000xf32, #tpu.memory_space<hbm>>) target(%dma_start3A_247 : memref<1x512xf32, #tpu.memory_space<vmem>>) offsets(%dma_start3A_250 : memref<1x512xi32, #tpu.memory_space<vmem>>) semaphore(%arg11 : memref<!tpu.dma_semaphore, #tpu.memory_space<semaphore_mem>>)
    %dma_wait3A_254 = arith.constant 0 : i32
    %dma_wait3A_255 = arith.constant 3584 : i32
    %dma_wait3A_256 = tpu.memref_slice %arg6[%dma_wait3A_254, %dma_wait3A_255] : memref<1x6144xi32, #tpu.memory_space<vmem>> -> memref<1x512xi32, #tpu.memory_space<vmem>>
    %dma_wait3A_257 = arith.constant 7 : i32
    %dma_wait3A_258 = tpu.memref_slice %arg2[%dma_wait3A_257, %mul3A_2] : memref<12x16384xi32, #tpu.memory_space<hbm>> -> memref<1x512xi32, #tpu.memory_space<hbm>>
    %dma_wait3A_259 = arith.constant 0 : i32
    %dma_wait3A_260 = arith.constant 3584 : i32
    %dma_wait3A_261 = tpu.memref_slice %arg6[%dma_wait3A_259, %dma_wait3A_260] : memref<1x6144xi32, #tpu.memory_space<vmem>> -> memref<1x512xi32, #tpu.memory_space<vmem>>
    %dma_wait3A_262 = arith.constant 7 : i32
    %dma_wait3A_263 = tpu.memref_slice %arg2[%dma_wait3A_262, %mul3A_2] : memref<12x16384xi32, #tpu.memory_space<hbm>> -> memref<1x512xi32, #tpu.memory_space<hbm>>
    tpu.wait_dma2 semaphore(%arg19 : memref<!tpu.dma_semaphore, #tpu.memory_space<semaphore_mem>>) src(%dma_wait3A_263 : memref<1x512xi32, #tpu.memory_space<hbm>>) dst(%dma_wait3A_261 : memref<1x512xi32, #tpu.memory_space<vmem>>)
    %dma_start3A_264 = arith.constant 0 : i32
    %dma_start3A_265 = arith.constant 3584 : i32
    %dma_start3A_266 = tpu.memref_slice %arg7[%dma_start3A_264, %dma_start3A_265] : memref<1x4608xf32, #tpu.memory_space<vmem>> -> memref<1x512xf32, #tpu.memory_space<vmem>>
    %dma_start3A_267 = arith.constant 0 : i32
    %dma_start3A_268 = arith.constant 3584 : i32
    %dma_start3A_269 = tpu.memref_slice %arg6[%dma_start3A_267, %dma_start3A_268] : memref<1x6144xi32, #tpu.memory_space<vmem>> -> memref<1x512xi32, #tpu.memory_space<vmem>>
    %dma_start3A_270 = arith.constant 0 : i32
    %dma_start3A_271 = arith.constant 0 : i32
    %dma_start3A_272 = tpu.memref_slice %arg3[%dma_start3A_270, %dma_start3A_271] : memref<1x1000000xf32, #tpu.memory_space<hbm>> -> memref<1x1000000xf32, #tpu.memory_space<hbm>>
    tpu.enqueue_indirect_dma source(%dma_start3A_272 : memref<1x1000000xf32, #tpu.memory_space<hbm>>) target(%dma_start3A_266 : memref<1x512xf32, #tpu.memory_space<vmem>>) offsets(%dma_start3A_269 : memref<1x512xi32, #tpu.memory_space<vmem>>) semaphore(%arg11 : memref<!tpu.dma_semaphore, #tpu.memory_space<semaphore_mem>>)
    %dma_wait3A_273 = arith.constant 0 : i32
    %dma_wait3A_274 = arith.constant 4096 : i32
    %dma_wait3A_275 = tpu.memref_slice %arg6[%dma_wait3A_273, %dma_wait3A_274] : memref<1x6144xi32, #tpu.memory_space<vmem>> -> memref<1x512xi32, #tpu.memory_space<vmem>>
    %dma_wait3A_276 = arith.constant 8 : i32
    %dma_wait3A_277 = tpu.memref_slice %arg2[%dma_wait3A_276, %mul3A_2] : memref<12x16384xi32, #tpu.memory_space<hbm>> -> memref<1x512xi32, #tpu.memory_space<hbm>>
    %dma_wait3A_278 = arith.constant 0 : i32
    %dma_wait3A_279 = arith.constant 4096 : i32
    %dma_wait3A_280 = tpu.memref_slice %arg6[%dma_wait3A_278, %dma_wait3A_279] : memref<1x6144xi32, #tpu.memory_space<vmem>> -> memref<1x512xi32, #tpu.memory_space<vmem>>
    %dma_wait3A_281 = arith.constant 8 : i32
    %dma_wait3A_282 = tpu.memref_slice %arg2[%dma_wait3A_281, %mul3A_2] : memref<12x16384xi32, #tpu.memory_space<hbm>> -> memref<1x512xi32, #tpu.memory_space<hbm>>
    tpu.wait_dma2 semaphore(%arg20 : memref<!tpu.dma_semaphore, #tpu.memory_space<semaphore_mem>>) src(%dma_wait3A_282 : memref<1x512xi32, #tpu.memory_space<hbm>>) dst(%dma_wait3A_280 : memref<1x512xi32, #tpu.memory_space<vmem>>)
    %dma_start3A_283 = arith.constant 0 : i32
    %dma_start3A_284 = arith.constant 4096 : i32
    %dma_start3A_285 = tpu.memref_slice %arg7[%dma_start3A_283, %dma_start3A_284] : memref<1x4608xf32, #tpu.memory_space<vmem>> -> memref<1x512xf32, #tpu.memory_space<vmem>>
    %dma_start3A_286 = arith.constant 0 : i32
    %dma_start3A_287 = arith.constant 4096 : i32
    %dma_start3A_288 = tpu.memref_slice %arg6[%dma_start3A_286, %dma_start3A_287] : memref<1x6144xi32, #tpu.memory_space<vmem>> -> memref<1x512xi32, #tpu.memory_space<vmem>>
    %dma_start3A_289 = arith.constant 0 : i32
    %dma_start3A_290 = arith.constant 0 : i32
    %dma_start3A_291 = tpu.memref_slice %arg3[%dma_start3A_289, %dma_start3A_290] : memref<1x1000000xf32, #tpu.memory_space<hbm>> -> memref<1x1000000xf32, #tpu.memory_space<hbm>>
    tpu.enqueue_indirect_dma source(%dma_start3A_291 : memref<1x1000000xf32, #tpu.memory_space<hbm>>) target(%dma_start3A_285 : memref<1x512xf32, #tpu.memory_space<vmem>>) offsets(%dma_start3A_288 : memref<1x512xi32, #tpu.memory_space<vmem>>) semaphore(%arg11 : memref<!tpu.dma_semaphore, #tpu.memory_space<semaphore_mem>>)
    "tpu.region"() ({
      %run_scoped3A = tpu.sem_alloc : memref<!tpu.dma_semaphore, #tpu.memory_space<semaphore_mem>>
      %dma_start3A_2639 = arith.constant 0 : i32
      %dma_start3A_2640 = tpu.memref_slice %arg9[%dma_start3A_2639] : memref<16xf32, #tpu.memory_space<vmem>> -> memref<1xf32, #tpu.memory_space<vmem>>
      %dma_start3A_2641 = arith.constant 0 : i32
      %dma_start3A_2642 = tpu.memref_slice %arg9[%dma_start3A_2641] : memref<16xf32, #tpu.memory_space<vmem>> -> memref<1xf32, #tpu.memory_space<vmem>>
      tpu.enqueue_dma source(%arg4 : memref<1xf32, #tpu.memory_space<hbm>>) target(%dma_start3A_2642 : memref<1xf32, #tpu.memory_space<vmem>>) target_semaphore(%run_scoped3A : memref<!tpu.dma_semaphore, #tpu.memory_space<semaphore_mem>>)
      %dma_wait3A_2643 = arith.constant 0 : i32
      %dma_wait3A_2644 = tpu.memref_slice %arg9[%dma_wait3A_2643] : memref<16xf32, #tpu.memory_space<vmem>> -> memref<1xf32, #tpu.memory_space<vmem>>
      %dma_wait3A_2645 = arith.constant 0 : i32
      %dma_wait3A_2646 = tpu.memref_slice %arg9[%dma_wait3A_2645] : memref<16xf32, #tpu.memory_space<vmem>> -> memref<1xf32, #tpu.memory_space<vmem>>
      tpu.wait_dma2 semaphore(%run_scoped3A : memref<!tpu.dma_semaphore, #tpu.memory_space<semaphore_mem>>) src(%arg4 : memref<1xf32, #tpu.memory_space<hbm>>) dst(%dma_wait3A_2646 : memref<1xf32, #tpu.memory_space<vmem>>)
      tpu.yield
    }) : () -> ()
    %iota3A = tpu.iota {dimensions = array<i32: 0>} : vector<16xi32>
    %mul3A_292 = arith.constant 0 : i32
    %mul3A_293 = vector.broadcast %mul3A_292 : i32 to vector<16xi32>
    %mul3A_294 = arith.muli %iota3A, %mul3A_293 : vector<16xi32>
    %gather3A = tpu.vector_load_idx %arg9[%mul3A_294] : memref<16xf32, #tpu.memory_space<vmem>>[vector<16xi32>], vector<16xf32>,
    %dma_wait3A_295 = arith.constant 0 : i32
    %dma_wait3A_296 = arith.constant 0 : i32
    %dma_wait3A_297 = tpu.memref_slice %arg7[%dma_wait3A_295, %dma_wait3A_296] : memref<1x4608xf32, #tpu.memory_space<vmem>> -> memref<1x512xf32, #tpu.memory_space<vmem>>
    %dma_wait3A_298 = arith.constant 0 : i32
    %dma_wait3A_299 = arith.constant 0 : i32
    %dma_wait3A_300 = tpu.memref_slice %arg6[%dma_wait3A_298, %dma_wait3A_299] : memref<1x6144xi32, #tpu.memory_space<vmem>> -> memref<1x512xi32, #tpu.memory_space<vmem>>
    %dma_wait3A_301 = arith.constant 0 : i32
    %dma_wait3A_302 = arith.constant 0 : i32
    %dma_wait3A_303 = tpu.memref_slice %arg3[%dma_wait3A_301, %dma_wait3A_302] : memref<1x1000000xf32, #tpu.memory_space<hbm>> -> memref<1x1000000xf32, #tpu.memory_space<hbm>>
    tpu.wait_indirect_dma semaphore(%arg10 : memref<!tpu.dma_semaphore, #tpu.memory_space<semaphore_mem>>) src(%dma_wait3A_303 : memref<1x1000000xf32, #tpu.memory_space<hbm>>) dst(%dma_wait3A_297 : memref<1x512xf32, #tpu.memory_space<vmem>>)
    %dma_wait3A_304 = arith.constant 0 : i32
    %dma_wait3A_305 = arith.constant 512 : i32
    %dma_wait3A_306 = tpu.memref_slice %arg7[%dma_wait3A_304, %dma_wait3A_305] : memref<1x4608xf32, #tpu.memory_space<vmem>> -> memref<1x512xf32, #tpu.memory_space<vmem>>
    %dma_wait3A_307 = arith.constant 0 : i32
    %dma_wait3A_308 = arith.constant 512 : i32
    %dma_wait3A_309 = tpu.memref_slice %arg6[%dma_wait3A_307, %dma_wait3A_308] : memref<1x6144xi32, #tpu.memory_space<vmem>> -> memref<1x512xi32, #tpu.memory_space<vmem>>
    %dma_wait3A_310 = arith.constant 0 : i32
    %dma_wait3A_311 = arith.constant 0 : i32
    %dma_wait3A_312 = tpu.memref_slice %arg3[%dma_wait3A_310, %dma_wait3A_311] : memref<1x1000000xf32, #tpu.memory_space<hbm>> -> memref<1x1000000xf32, #tpu.memory_space<hbm>>
    tpu.wait_indirect_dma semaphore(%arg10 : memref<!tpu.dma_semaphore, #tpu.memory_space<semaphore_mem>>) src(%dma_wait3A_312 : memref<1x1000000xf32, #tpu.memory_space<hbm>>) dst(%dma_wait3A_306 : memref<1x512xf32, #tpu.memory_space<vmem>>)
    %dma_wait3A_313 = arith.constant 0 : i32
    %dma_wait3A_314 = arith.constant 1024 : i32
    %dma_wait3A_315 = tpu.memref_slice %arg7[%dma_wait3A_313, %dma_wait3A_314] : memref<1x4608xf32, #tpu.memory_space<vmem>> -> memref<1x512xf32, #tpu.memory_space<vmem>>
    %dma_wait3A_316 = arith.constant 0 : i32
    %dma_wait3A_317 = arith.constant 1024 : i32
    %dma_wait3A_318 = tpu.memref_slice %arg6[%dma_wait3A_316, %dma_wait3A_317] : memref<1x6144xi32, #tpu.memory_space<vmem>> -> memref<1x512xi32, #tpu.memory_space<vmem>>
    %dma_wait3A_319 = arith.constant 0 : i32
    %dma_wait3A_320 = arith.constant 0 : i32
    %dma_wait3A_321 = tpu.memref_slice %arg3[%dma_wait3A_319, %dma_wait3A_320] : memref<1x1000000xf32, #tpu.memory_space<hbm>> -> memref<1x1000000xf32, #tpu.memory_space<hbm>>
    tpu.wait_indirect_dma semaphore(%arg10 : memref<!tpu.dma_semaphore, #tpu.memory_space<semaphore_mem>>) src(%dma_wait3A_321 : memref<1x1000000xf32, #tpu.memory_space<hbm>>) dst(%dma_wait3A_315 : memref<1x512xf32, #tpu.memory_space<vmem>>)
    %dma_wait3A_322 = arith.constant 0 : i32
    %dma_wait3A_323 = arith.constant 1536 : i32
    %dma_wait3A_324 = tpu.memref_slice %arg7[%dma_wait3A_322, %dma_wait3A_323] : memref<1x4608xf32, #tpu.memory_space<vmem>> -> memref<1x512xf32, #tpu.memory_space<vmem>>
    %dma_wait3A_325 = arith.constant 0 : i32
    %dma_wait3A_326 = arith.constant 1536 : i32
    %dma_wait3A_327 = tpu.memref_slice %arg6[%dma_wait3A_325, %dma_wait3A_326] : memref<1x6144xi32, #tpu.memory_space<vmem>> -> memref<1x512xi32, #tpu.memory_space<vmem>>
    %dma_wait3A_328 = arith.constant 0 : i32
    %dma_wait3A_329 = arith.constant 0 : i32
    %dma_wait3A_330 = tpu.memref_slice %arg3[%dma_wait3A_328, %dma_wait3A_329] : memref<1x1000000xf32, #tpu.memory_space<hbm>> -> memref<1x1000000xf32, #tpu.memory_space<hbm>>
    tpu.wait_indirect_dma semaphore(%arg10 : memref<!tpu.dma_semaphore, #tpu.memory_space<semaphore_mem>>) src(%dma_wait3A_330 : memref<1x1000000xf32, #tpu.memory_space<hbm>>) dst(%dma_wait3A_324 : memref<1x512xf32, #tpu.memory_space<vmem>>)
    %dma_wait3A_331 = arith.constant 0 : i32
    %dma_wait3A_332 = arith.constant 2048 : i32
    %dma_wait3A_333 = tpu.memref_slice %arg7[%dma_wait3A_331, %dma_wait3A_332] : memref<1x4608xf32, #tpu.memory_space<vmem>> -> memref<1x512xf32, #tpu.memory_space<vmem>>
    %dma_wait3A_334 = arith.constant 0 : i32
    %dma_wait3A_335 = arith.constant 2048 : i32
    %dma_wait3A_336 = tpu.memref_slice %arg6[%dma_wait3A_334, %dma_wait3A_335] : memref<1x6144xi32, #tpu.memory_space<vmem>> -> memref<1x512xi32, #tpu.memory_space<vmem>>
    %dma_wait3A_337 = arith.constant 0 : i32
    %dma_wait3A_338 = arith.constant 0 : i32
    %dma_wait3A_339 = tpu.memref_slice %arg3[%dma_wait3A_337, %dma_wait3A_338] : memref<1x1000000xf32, #tpu.memory_space<hbm>> -> memref<1x1000000xf32, #tpu.memory_space<hbm>>
    tpu.wait_indirect_dma semaphore(%arg10 : memref<!tpu.dma_semaphore, #tpu.memory_space<semaphore_mem>>) src(%dma_wait3A_339 : memref<1x1000000xf32, #tpu.memory_space<hbm>>) dst(%dma_wait3A_333 : memref<1x512xf32, #tpu.memory_space<vmem>>)
    %dma_wait3A_340 = arith.constant 0 : i32
    %dma_wait3A_341 = arith.constant 2560 : i32
    %dma_wait3A_342 = tpu.memref_slice %arg7[%dma_wait3A_340, %dma_wait3A_341] : memref<1x4608xf32, #tpu.memory_space<vmem>> -> memref<1x512xf32, #tpu.memory_space<vmem>>
    %dma_wait3A_343 = arith.constant 0 : i32
    %dma_wait3A_344 = arith.constant 2560 : i32
    %dma_wait3A_345 = tpu.memref_slice %arg6[%dma_wait3A_343, %dma_wait3A_344] : memref<1x6144xi32, #tpu.memory_space<vmem>> -> memref<1x512xi32, #tpu.memory_space<vmem>>
    %dma_wait3A_346 = arith.constant 0 : i32
    %dma_wait3A_347 = arith.constant 0 : i32
    %dma_wait3A_348 = tpu.memref_slice %arg3[%dma_wait3A_346, %dma_wait3A_347] : memref<1x1000000xf32, #tpu.memory_space<hbm>> -> memref<1x1000000xf32, #tpu.memory_space<hbm>>
    tpu.wait_indirect_dma semaphore(%arg10 : memref<!tpu.dma_semaphore, #tpu.memory_space<semaphore_mem>>) src(%dma_wait3A_348 : memref<1x1000000xf32, #tpu.memory_space<hbm>>) dst(%dma_wait3A_342 : memref<1x512xf32, #tpu.memory_space<vmem>>)
    %get3A = arith.constant 0 : i32
    %get3A_349 = arith.index_cast %get3A : i32 to index
    %get3A_350 = arith.constant 0 : index
    %get3A_351 = tpu.vector_load %arg7[%get3A_349, %get3A_350] {strides = array<i32>} : memref<1x4608xf32, #tpu.memory_space<vmem>>, vector<16xf32>,
    %add3A_352 = arith.addf %gather3A, %get3A_351 : vector<16xf32>
    %get3A_353 = arith.constant 0 : i32
    %get3A_354 = arith.index_cast %get3A_353 : i32 to index
    %get3A_355 = arith.constant 512 : index
    %get3A_356 = tpu.vector_load %arg7[%get3A_354, %get3A_355] {strides = array<i32>} : memref<1x4608xf32, #tpu.memory_space<vmem>>, vector<16xf32>,
    %add3A_357 = arith.addf %add3A_352, %get3A_356 : vector<16xf32>
    %get3A_358 = arith.constant 0 : i32
    %get3A_359 = arith.index_cast %get3A_358 : i32 to index
    %get3A_360 = arith.constant 1024 : index
    %get3A_361 = tpu.vector_load %arg7[%get3A_359, %get3A_360] {strides = array<i32>} : memref<1x4608xf32, #tpu.memory_space<vmem>>, vector<16xf32>,
    %add3A_362 = arith.addf %add3A_357, %get3A_361 : vector<16xf32>
    %get3A_363 = arith.constant 0 : i32
    %get3A_364 = arith.index_cast %get3A_363 : i32 to index
    %get3A_365 = arith.constant 1536 : index
    %get3A_366 = tpu.vector_load %arg7[%get3A_364, %get3A_365] {strides = array<i32>} : memref<1x4608xf32, #tpu.memory_space<vmem>>, vector<16xf32>,
    %add3A_367 = arith.addf %add3A_362, %get3A_366 : vector<16xf32>
    %get3A_368 = arith.constant 0 : i32
    %get3A_369 = arith.index_cast %get3A_368 : i32 to index
    %get3A_370 = arith.constant 2048 : index
    %get3A_371 = tpu.vector_load %arg7[%get3A_369, %get3A_370] {strides = array<i32>} : memref<1x4608xf32, #tpu.memory_space<vmem>>, vector<16xf32>,
    %add3A_372 = arith.addf %add3A_367, %get3A_371 : vector<16xf32>
    %get3A_373 = arith.constant 0 : i32
    %get3A_374 = arith.index_cast %get3A_373 : i32 to index
    %get3A_375 = arith.constant 2560 : index
    %get3A_376 = tpu.vector_load %arg7[%get3A_374, %get3A_375] {strides = array<i32>} : memref<1x4608xf32, #tpu.memory_space<vmem>>, vector<16xf32>,
    %add3A_377 = arith.addf %add3A_372, %get3A_376 : vector<16xf32>
    %swap3A = arith.constant 0 : index
    %swap3A_378 = tpu.vector_load %arg8[%swap3A] {strides = array<i32>} : memref<512xf32, #tpu.memory_space<vmem>>, vector<16xf32>,
    tpu.vector_store %arg8[%swap3A], %add3A_377 {strides = array<i32>} : memref<512xf32, #tpu.memory_space<vmem>>, vector<16xf32>,
    %get3A_379 = arith.constant 0 : i32
    %get3A_380 = arith.index_cast %get3A_379 : i32 to index
    %get3A_381 = arith.constant 16 : index
    %get3A_382 = tpu.vector_load %arg7[%get3A_380, %get3A_381] {strides = array<i32>} : memref<1x4608xf32, #tpu.memory_space<vmem>>, vector<16xf32>,
    %add3A_383 = arith.addf %gather3A, %get3A_382 : vector<16xf32>
    %get3A_384 = arith.constant 0 : i32
    %get3A_385 = arith.index_cast %get3A_384 : i32 to index
    %get3A_386 = arith.constant 528 : index
    %get3A_387 = tpu.vector_load %arg7[%get3A_385, %get3A_386] {strides = array<i32>} : memref<1x4608xf32, #tpu.memory_space<vmem>>, vector<16xf32>,
    %add3A_388 = arith.addf %add3A_383, %get3A_387 : vector<16xf32>
    %get3A_389 = arith.constant 0 : i32
    %get3A_390 = arith.index_cast %get3A_389 : i32 to index
    %get3A_391 = arith.constant 1040 : index
    %get3A_392 = tpu.vector_load %arg7[%get3A_390, %get3A_391] {strides = array<i32>} : memref<1x4608xf32, #tpu.memory_space<vmem>>, vector<16xf32>,
    %add3A_393 = arith.addf %add3A_388, %get3A_392 : vector<16xf32>
    %get3A_394 = arith.constant 0 : i32
    %get3A_395 = arith.index_cast %get3A_394 : i32 to index
    %get3A_396 = arith.constant 1552 : index
    %get3A_397 = tpu.vector_load %arg7[%get3A_395, %get3A_396] {strides = array<i32>} : memref<1x4608xf32, #tpu.memory_space<vmem>>, vector<16xf32>,
    %add3A_398 = arith.addf %add3A_393, %get3A_397 : vector<16xf32>
    %get3A_399 = arith.constant 0 : i32
    %get3A_400 = arith.index_cast %get3A_399 : i32 to index
    %get3A_401 = arith.constant 2064 : index
    %get3A_402 = tpu.vector_load %arg7[%get3A_400, %get3A_401] {strides = array<i32>} : memref<1x4608xf32, #tpu.memory_space<vmem>>, vector<16xf32>,
    %add3A_403 = arith.addf %add3A_398, %get3A_402 : vector<16xf32>
    %get3A_404 = arith.constant 0 : i32
    %get3A_405 = arith.index_cast %get3A_404 : i32 to index
    %get3A_406 = arith.constant 2576 : index
    %get3A_407 = tpu.vector_load %arg7[%get3A_405, %get3A_406] {strides = array<i32>} : memref<1x4608xf32, #tpu.memory_space<vmem>>, vector<16xf32>,
    %add3A_408 = arith.addf %add3A_403, %get3A_407 : vector<16xf32>
    %swap3A_409 = arith.constant 16 : index
    %swap3A_410 = tpu.vector_load %arg8[%swap3A_409] {strides = array<i32>} : memref<512xf32, #tpu.memory_space<vmem>>, vector<16xf32>,
    tpu.vector_store %arg8[%swap3A_409], %add3A_408 {strides = array<i32>} : memref<512xf32, #tpu.memory_space<vmem>>, vector<16xf32>,
    %get3A_411 = arith.constant 0 : i32
    %get3A_412 = arith.index_cast %get3A_411 : i32 to index
    %get3A_413 = arith.constant 32 : index
    %get3A_414 = tpu.vector_load %arg7[%get3A_412, %get3A_413] {strides = array<i32>} : memref<1x4608xf32, #tpu.memory_space<vmem>>, vector<16xf32>,
    %add3A_415 = arith.addf %gather3A, %get3A_414 : vector<16xf32>
    %get3A_416 = arith.constant 0 : i32
    %get3A_417 = arith.index_cast %get3A_416 : i32 to index
    %get3A_418 = arith.constant 544 : index
    %get3A_419 = tpu.vector_load %arg7[%get3A_417, %get3A_418] {strides = array<i32>} : memref<1x4608xf32, #tpu.memory_space<vmem>>, vector<16xf32>,
    %add3A_420 = arith.addf %add3A_415, %get3A_419 : vector<16xf32>
    %get3A_421 = arith.constant 0 : i32
    %get3A_422 = arith.index_cast %get3A_421 : i32 to index
    %get3A_423 = arith.constant 1056 : index
    %get3A_424 = tpu.vector_load %arg7[%get3A_422, %get3A_423] {strides = array<i32>} : memref<1x4608xf32, #tpu.memory_space<vmem>>, vector<16xf32>,
    %add3A_425 = arith.addf %add3A_420, %get3A_424 : vector<16xf32>
    %get3A_426 = arith.constant 0 : i32
    %get3A_427 = arith.index_cast %get3A_426 : i32 to index
    %get3A_428 = arith.constant 1568 : index
    %get3A_429 = tpu.vector_load %arg7[%get3A_427, %get3A_428] {strides = array<i32>} : memref<1x4608xf32, #tpu.memory_space<vmem>>, vector<16xf32>,
    %add3A_430 = arith.addf %add3A_425, %get3A_429 : vector<16xf32>
    %get3A_431 = arith.constant 0 : i32
    %get3A_432 = arith.index_cast %get3A_431 : i32 to index
    %get3A_433 = arith.constant 2080 : index
    %get3A_434 = tpu.vector_load %arg7[%get3A_432, %get3A_433] {strides = array<i32>} : memref<1x4608xf32, #tpu.memory_space<vmem>>, vector<16xf32>,
    %add3A_435 = arith.addf %add3A_430, %get3A_434 : vector<16xf32>
    %get3A_436 = arith.constant 0 : i32
    %get3A_437 = arith.index_cast %get3A_436 : i32 to index
    %get3A_438 = arith.constant 2592 : index
    %get3A_439 = tpu.vector_load %arg7[%get3A_437, %get3A_438] {strides = array<i32>} : memref<1x4608xf32, #tpu.memory_space<vmem>>, vector<16xf32>,
    %add3A_440 = arith.addf %add3A_435, %get3A_439 : vector<16xf32>
    %swap3A_441 = arith.constant 32 : index
    %swap3A_442 = tpu.vector_load %arg8[%swap3A_441] {strides = array<i32>} : memref<512xf32, #tpu.memory_space<vmem>>, vector<16xf32>,
    tpu.vector_store %arg8[%swap3A_441], %add3A_440 {strides = array<i32>} : memref<512xf32, #tpu.memory_space<vmem>>, vector<16xf32>,
    %get3A_443 = arith.constant 0 : i32
    %get3A_444 = arith.index_cast %get3A_443 : i32 to index
    %get3A_445 = arith.constant 48 : index
    %get3A_446 = tpu.vector_load %arg7[%get3A_444, %get3A_445] {strides = array<i32>} : memref<1x4608xf32, #tpu.memory_space<vmem>>, vector<16xf32>,
    %add3A_447 = arith.addf %gather3A, %get3A_446 : vector<16xf32>
    %get3A_448 = arith.constant 0 : i32
    %get3A_449 = arith.index_cast %get3A_448 : i32 to index
    %get3A_450 = arith.constant 560 : index
    %get3A_451 = tpu.vector_load %arg7[%get3A_449, %get3A_450] {strides = array<i32>} : memref<1x4608xf32, #tpu.memory_space<vmem>>, vector<16xf32>,
    %add3A_452 = arith.addf %add3A_447, %get3A_451 : vector<16xf32>
    %get3A_453 = arith.constant 0 : i32
    %get3A_454 = arith.index_cast %get3A_453 : i32 to index
    %get3A_455 = arith.constant 1072 : index
    %get3A_456 = tpu.vector_load %arg7[%get3A_454, %get3A_455] {strides = array<i32>} : memref<1x4608xf32, #tpu.memory_space<vmem>>, vector<16xf32>,
    %add3A_457 = arith.addf %add3A_452, %get3A_456 : vector<16xf32>
    %get3A_458 = arith.constant 0 : i32
    %get3A_459 = arith.index_cast %get3A_458 : i32 to index
    %get3A_460 = arith.constant 1584 : index
    %get3A_461 = tpu.vector_load %arg7[%get3A_459, %get3A_460] {strides = array<i32>} : memref<1x4608xf32, #tpu.memory_space<vmem>>, vector<16xf32>,
    %add3A_462 = arith.addf %add3A_457, %get3A_461 : vector<16xf32>
    %get3A_463 = arith.constant 0 : i32
    %get3A_464 = arith.index_cast %get3A_463 : i32 to index
    %get3A_465 = arith.constant 2096 : index
    %get3A_466 = tpu.vector_load %arg7[%get3A_464, %get3A_465] {strides = array<i32>} : memref<1x4608xf32, #tpu.memory_space<vmem>>, vector<16xf32>,
    %add3A_467 = arith.addf %add3A_462, %get3A_466 : vector<16xf32>
    %get3A_468 = arith.constant 0 : i32
    %get3A_469 = arith.index_cast %get3A_468 : i32 to index
    %get3A_470 = arith.constant 2608 : index
    %get3A_471 = tpu.vector_load %arg7[%get3A_469, %get3A_470] {strides = array<i32>} : memref<1x4608xf32, #tpu.memory_space<vmem>>, vector<16xf32>,
    %add3A_472 = arith.addf %add3A_467, %get3A_471 : vector<16xf32>
    %swap3A_473 = arith.constant 48 : index
    %swap3A_474 = tpu.vector_load %arg8[%swap3A_473] {strides = array<i32>} : memref<512xf32, #tpu.memory_space<vmem>>, vector<16xf32>,
    tpu.vector_store %arg8[%swap3A_473], %add3A_472 {strides = array<i32>} : memref<512xf32, #tpu.memory_space<vmem>>, vector<16xf32>,
    %get3A_475 = arith.constant 0 : i32
    %get3A_476 = arith.index_cast %get3A_475 : i32 to index
    %get3A_477 = arith.constant 64 : index
    %get3A_478 = tpu.vector_load %arg7[%get3A_476, %get3A_477] {strides = array<i32>} : memref<1x4608xf32, #tpu.memory_space<vmem>>, vector<16xf32>,
    %add3A_479 = arith.addf %gather3A, %get3A_478 : vector<16xf32>
    %get3A_480 = arith.constant 0 : i32
    %get3A_481 = arith.index_cast %get3A_480 : i32 to index
    %get3A_482 = arith.constant 576 : index
    %get3A_483 = tpu.vector_load %arg7[%get3A_481, %get3A_482] {strides = array<i32>} : memref<1x4608xf32, #tpu.memory_space<vmem>>, vector<16xf32>,
    %add3A_484 = arith.addf %add3A_479, %get3A_483 : vector<16xf32>
    %get3A_485 = arith.constant 0 : i32
    %get3A_486 = arith.index_cast %get3A_485 : i32 to index
    %get3A_487 = arith.constant 1088 : index
    %get3A_488 = tpu.vector_load %arg7[%get3A_486, %get3A_487] {strides = array<i32>} : memref<1x4608xf32, #tpu.memory_space<vmem>>, vector<16xf32>,
    %add3A_489 = arith.addf %add3A_484, %get3A_488 : vector<16xf32>
    %get3A_490 = arith.constant 0 : i32
    %get3A_491 = arith.index_cast %get3A_490 : i32 to index
    %get3A_492 = arith.constant 1600 : index
    %get3A_493 = tpu.vector_load %arg7[%get3A_491, %get3A_492] {strides = array<i32>} : memref<1x4608xf32, #tpu.memory_space<vmem>>, vector<16xf32>,
    %add3A_494 = arith.addf %add3A_489, %get3A_493 : vector<16xf32>
    %get3A_495 = arith.constant 0 : i32
    %get3A_496 = arith.index_cast %get3A_495 : i32 to index
    %get3A_497 = arith.constant 2112 : index
    %get3A_498 = tpu.vector_load %arg7[%get3A_496, %get3A_497] {strides = array<i32>} : memref<1x4608xf32, #tpu.memory_space<vmem>>, vector<16xf32>,
    %add3A_499 = arith.addf %add3A_494, %get3A_498 : vector<16xf32>
    %get3A_500 = arith.constant 0 : i32
    %get3A_501 = arith.index_cast %get3A_500 : i32 to index
    %get3A_502 = arith.constant 2624 : index
    %get3A_503 = tpu.vector_load %arg7[%get3A_501, %get3A_502] {strides = array<i32>} : memref<1x4608xf32, #tpu.memory_space<vmem>>, vector<16xf32>,
    %add3A_504 = arith.addf %add3A_499, %get3A_503 : vector<16xf32>
    %swap3A_505 = arith.constant 64 : index
    %swap3A_506 = tpu.vector_load %arg8[%swap3A_505] {strides = array<i32>} : memref<512xf32, #tpu.memory_space<vmem>>, vector<16xf32>,
    tpu.vector_store %arg8[%swap3A_505], %add3A_504 {strides = array<i32>} : memref<512xf32, #tpu.memory_space<vmem>>, vector<16xf32>,
    %get3A_507 = arith.constant 0 : i32
    %get3A_508 = arith.index_cast %get3A_507 : i32 to index
    %get3A_509 = arith.constant 80 : index
    %get3A_510 = tpu.vector_load %arg7[%get3A_508, %get3A_509] {strides = array<i32>} : memref<1x4608xf32, #tpu.memory_space<vmem>>, vector<16xf32>,
    %add3A_511 = arith.addf %gather3A, %get3A_510 : vector<16xf32>
    %get3A_512 = arith.constant 0 : i32
    %get3A_513 = arith.index_cast %get3A_512 : i32 to index
    %get3A_514 = arith.constant 592 : index
    %get3A_515 = tpu.vector_load %arg7[%get3A_513, %get3A_514] {strides = array<i32>} : memref<1x4608xf32, #tpu.memory_space<vmem>>, vector<16xf32>,
    %add3A_516 = arith.addf %add3A_511, %get3A_515 : vector<16xf32>
    %get3A_517 = arith.constant 0 : i32
    %get3A_518 = arith.index_cast %get3A_517 : i32 to index
    %get3A_519 = arith.constant 1104 : index
    %get3A_520 = tpu.vector_load %arg7[%get3A_518, %get3A_519] {strides = array<i32>} : memref<1x4608xf32, #tpu.memory_space<vmem>>, vector<16xf32>,
    %add3A_521 = arith.addf %add3A_516, %get3A_520 : vector<16xf32>
    %get3A_522 = arith.constant 0 : i32
    %get3A_523 = arith.index_cast %get3A_522 : i32 to index
    %get3A_524 = arith.constant 1616 : index
    %get3A_525 = tpu.vector_load %arg7[%get3A_523, %get3A_524] {strides = array<i32>} : memref<1x4608xf32, #tpu.memory_space<vmem>>, vector<16xf32>,
    %add3A_526 = arith.addf %add3A_521, %get3A_525 : vector<16xf32>
    %get3A_527 = arith.constant 0 : i32
    %get3A_528 = arith.index_cast %get3A_527 : i32 to index
    %get3A_529 = arith.constant 2128 : index
    %get3A_530 = tpu.vector_load %arg7[%get3A_528, %get3A_529] {strides = array<i32>} : memref<1x4608xf32, #tpu.memory_space<vmem>>, vector<16xf32>,
    %add3A_531 = arith.addf %add3A_526, %get3A_530 : vector<16xf32>
    %get3A_532 = arith.constant 0 : i32
    %get3A_533 = arith.index_cast %get3A_532 : i32 to index
    %get3A_534 = arith.constant 2640 : index
    %get3A_535 = tpu.vector_load %arg7[%get3A_533, %get3A_534] {strides = array<i32>} : memref<1x4608xf32, #tpu.memory_space<vmem>>, vector<16xf32>,
    %add3A_536 = arith.addf %add3A_531, %get3A_535 : vector<16xf32>
    %swap3A_537 = arith.constant 80 : index
    %swap3A_538 = tpu.vector_load %arg8[%swap3A_537] {strides = array<i32>} : memref<512xf32, #tpu.memory_space<vmem>>, vector<16xf32>,
    tpu.vector_store %arg8[%swap3A_537], %add3A_536 {strides = array<i32>} : memref<512xf32, #tpu.memory_space<vmem>>, vector<16xf32>,
    %get3A_539 = arith.constant 0 : i32
    %get3A_540 = arith.index_cast %get3A_539 : i32 to index
    %get3A_541 = arith.constant 96 : index
    %get3A_542 = tpu.vector_load %arg7[%get3A_540, %get3A_541] {strides = array<i32>} : memref<1x4608xf32, #tpu.memory_space<vmem>>, vector<16xf32>,
    %add3A_543 = arith.addf %gather3A, %get3A_542 : vector<16xf32>
    %get3A_544 = arith.constant 0 : i32
    %get3A_545 = arith.index_cast %get3A_544 : i32 to index
    %get3A_546 = arith.constant 608 : index
    %get3A_547 = tpu.vector_load %arg7[%get3A_545, %get3A_546] {strides = array<i32>} : memref<1x4608xf32, #tpu.memory_space<vmem>>, vector<16xf32>,
    %add3A_548 = arith.addf %add3A_543, %get3A_547 : vector<16xf32>
    %get3A_549 = arith.constant 0 : i32
    %get3A_550 = arith.index_cast %get3A_549 : i32 to index
    %get3A_551 = arith.constant 1120 : index
    %get3A_552 = tpu.vector_load %arg7[%get3A_550, %get3A_551] {strides = array<i32>} : memref<1x4608xf32, #tpu.memory_space<vmem>>, vector<16xf32>,
    %add3A_553 = arith.addf %add3A_548, %get3A_552 : vector<16xf32>
    %get3A_554 = arith.constant 0 : i32
    %get3A_555 = arith.index_cast %get3A_554 : i32 to index
    %get3A_556 = arith.constant 1632 : index
    %get3A_557 = tpu.vector_load %arg7[%get3A_555, %get3A_556] {strides = array<i32>} : memref<1x4608xf32, #tpu.memory_space<vmem>>, vector<16xf32>,
    %add3A_558 = arith.addf %add3A_553, %get3A_557 : vector<16xf32>
    %get3A_559 = arith.constant 0 : i32
    %get3A_560 = arith.index_cast %get3A_559 : i32 to index
    %get3A_561 = arith.constant 2144 : index
    %get3A_562 = tpu.vector_load %arg7[%get3A_560, %get3A_561] {strides = array<i32>} : memref<1x4608xf32, #tpu.memory_space<vmem>>, vector<16xf32>,
    %add3A_563 = arith.addf %add3A_558, %get3A_562 : vector<16xf32>
    %get3A_564 = arith.constant 0 : i32
    %get3A_565 = arith.index_cast %get3A_564 : i32 to index
    %get3A_566 = arith.constant 2656 : index
    %get3A_567 = tpu.vector_load %arg7[%get3A_565, %get3A_566] {strides = array<i32>} : memref<1x4608xf32, #tpu.memory_space<vmem>>, vector<16xf32>,
    %add3A_568 = arith.addf %add3A_563, %get3A_567 : vector<16xf32>
    %swap3A_569 = arith.constant 96 : index
    %swap3A_570 = tpu.vector_load %arg8[%swap3A_569] {strides = array<i32>} : memref<512xf32, #tpu.memory_space<vmem>>, vector<16xf32>,
    tpu.vector_store %arg8[%swap3A_569], %add3A_568 {strides = array<i32>} : memref<512xf32, #tpu.memory_space<vmem>>, vector<16xf32>,
    %get3A_571 = arith.constant 0 : i32
    %get3A_572 = arith.index_cast %get3A_571 : i32 to index
    %get3A_573 = arith.constant 112 : index
    %get3A_574 = tpu.vector_load %arg7[%get3A_572, %get3A_573] {strides = array<i32>} : memref<1x4608xf32, #tpu.memory_space<vmem>>, vector<16xf32>,
    %add3A_575 = arith.addf %gather3A, %get3A_574 : vector<16xf32>
    %get3A_576 = arith.constant 0 : i32
    %get3A_577 = arith.index_cast %get3A_576 : i32 to index
    %get3A_578 = arith.constant 624 : index
    %get3A_579 = tpu.vector_load %arg7[%get3A_577, %get3A_578] {strides = array<i32>} : memref<1x4608xf32, #tpu.memory_space<vmem>>, vector<16xf32>,
    %add3A_580 = arith.addf %add3A_575, %get3A_579 : vector<16xf32>
    %get3A_581 = arith.constant 0 : i32
    %get3A_582 = arith.index_cast %get3A_581 : i32 to index
    %get3A_583 = arith.constant 1136 : index
    %get3A_584 = tpu.vector_load %arg7[%get3A_582, %get3A_583] {strides = array<i32>} : memref<1x4608xf32, #tpu.memory_space<vmem>>, vector<16xf32>,
    %add3A_585 = arith.addf %add3A_580, %get3A_584 : vector<16xf32>
    %get3A_586 = arith.constant 0 : i32
    %get3A_587 = arith.index_cast %get3A_586 : i32 to index
    %get3A_588 = arith.constant 1648 : index
    %get3A_589 = tpu.vector_load %arg7[%get3A_587, %get3A_588] {strides = array<i32>} : memref<1x4608xf32, #tpu.memory_space<vmem>>, vector<16xf32>,
    %add3A_590 = arith.addf %add3A_585, %get3A_589 : vector<16xf32>
    %get3A_591 = arith.constant 0 : i32
    %get3A_592 = arith.index_cast %get3A_591 : i32 to index
    %get3A_593 = arith.constant 2160 : index
    %get3A_594 = tpu.vector_load %arg7[%get3A_592, %get3A_593] {strides = array<i32>} : memref<1x4608xf32, #tpu.memory_space<vmem>>, vector<16xf32>,
    %add3A_595 = arith.addf %add3A_590, %get3A_594 : vector<16xf32>
    %get3A_596 = arith.constant 0 : i32
    %get3A_597 = arith.index_cast %get3A_596 : i32 to index
    %get3A_598 = arith.constant 2672 : index
    %get3A_599 = tpu.vector_load %arg7[%get3A_597, %get3A_598] {strides = array<i32>} : memref<1x4608xf32, #tpu.memory_space<vmem>>, vector<16xf32>,
    %add3A_600 = arith.addf %add3A_595, %get3A_599 : vector<16xf32>
    %swap3A_601 = arith.constant 112 : index
    %swap3A_602 = tpu.vector_load %arg8[%swap3A_601] {strides = array<i32>} : memref<512xf32, #tpu.memory_space<vmem>>, vector<16xf32>,
    tpu.vector_store %arg8[%swap3A_601], %add3A_600 {strides = array<i32>} : memref<512xf32, #tpu.memory_space<vmem>>, vector<16xf32>,
    %get3A_603 = arith.constant 0 : i32
    %get3A_604 = arith.index_cast %get3A_603 : i32 to index
    %get3A_605 = arith.constant 128 : index
    %get3A_606 = tpu.vector_load %arg7[%get3A_604, %get3A_605] {strides = array<i32>} : memref<1x4608xf32, #tpu.memory_space<vmem>>, vector<16xf32>,
    %add3A_607 = arith.addf %gather3A, %get3A_606 : vector<16xf32>
    %get3A_608 = arith.constant 0 : i32
    %get3A_609 = arith.index_cast %get3A_608 : i32 to index
    %get3A_610 = arith.constant 640 : index
    %get3A_611 = tpu.vector_load %arg7[%get3A_609, %get3A_610] {strides = array<i32>} : memref<1x4608xf32, #tpu.memory_space<vmem>>, vector<16xf32>,
    %add3A_612 = arith.addf %add3A_607, %get3A_611 : vector<16xf32>
    %get3A_613 = arith.constant 0 : i32
    %get3A_614 = arith.index_cast %get3A_613 : i32 to index
    %get3A_615 = arith.constant 1152 : index
    %get3A_616 = tpu.vector_load %arg7[%get3A_614, %get3A_615] {strides = array<i32>} : memref<1x4608xf32, #tpu.memory_space<vmem>>, vector<16xf32>,
    %add3A_617 = arith.addf %add3A_612, %get3A_616 : vector<16xf32>
    %get3A_618 = arith.constant 0 : i32
    %get3A_619 = arith.index_cast %get3A_618 : i32 to index
    %get3A_620 = arith.constant 1664 : index
    %get3A_621 = tpu.vector_load %arg7[%get3A_619, %get3A_620] {strides = array<i32>} : memref<1x4608xf32, #tpu.memory_space<vmem>>, vector<16xf32>,
    %add3A_622 = arith.addf %add3A_617, %get3A_621 : vector<16xf32>
    %get3A_623 = arith.constant 0 : i32
    %get3A_624 = arith.index_cast %get3A_623 : i32 to index
    %get3A_625 = arith.constant 2176 : index
    %get3A_626 = tpu.vector_load %arg7[%get3A_624, %get3A_625] {strides = array<i32>} : memref<1x4608xf32, #tpu.memory_space<vmem>>, vector<16xf32>,
    %add3A_627 = arith.addf %add3A_622, %get3A_626 : vector<16xf32>
    %get3A_628 = arith.constant 0 : i32
    %get3A_629 = arith.index_cast %get3A_628 : i32 to index
    %get3A_630 = arith.constant 2688 : index
    %get3A_631 = tpu.vector_load %arg7[%get3A_629, %get3A_630] {strides = array<i32>} : memref<1x4608xf32, #tpu.memory_space<vmem>>, vector<16xf32>,
    %add3A_632 = arith.addf %add3A_627, %get3A_631 : vector<16xf32>
    %swap3A_633 = arith.constant 128 : index
    %swap3A_634 = tpu.vector_load %arg8[%swap3A_633] {strides = array<i32>} : memref<512xf32, #tpu.memory_space<vmem>>, vector<16xf32>,
    tpu.vector_store %arg8[%swap3A_633], %add3A_632 {strides = array<i32>} : memref<512xf32, #tpu.memory_space<vmem>>, vector<16xf32>,
    %get3A_635 = arith.constant 0 : i32
    %get3A_636 = arith.index_cast %get3A_635 : i32 to index
    %get3A_637 = arith.constant 144 : index
    %get3A_638 = tpu.vector_load %arg7[%get3A_636, %get3A_637] {strides = array<i32>} : memref<1x4608xf32, #tpu.memory_space<vmem>>, vector<16xf32>,
    %add3A_639 = arith.addf %gather3A, %get3A_638 : vector<16xf32>
    %get3A_640 = arith.constant 0 : i32
    %get3A_641 = arith.index_cast %get3A_640 : i32 to index
    %get3A_642 = arith.constant 656 : index
    %get3A_643 = tpu.vector_load %arg7[%get3A_641, %get3A_642] {strides = array<i32>} : memref<1x4608xf32, #tpu.memory_space<vmem>>, vector<16xf32>,
    %add3A_644 = arith.addf %add3A_639, %get3A_643 : vector<16xf32>
    %get3A_645 = arith.constant 0 : i32
    %get3A_646 = arith.index_cast %get3A_645 : i32 to index
    %get3A_647 = arith.constant 1168 : index
    %get3A_648 = tpu.vector_load %arg7[%get3A_646, %get3A_647] {strides = array<i32>} : memref<1x4608xf32, #tpu.memory_space<vmem>>, vector<16xf32>,
    %add3A_649 = arith.addf %add3A_644, %get3A_648 : vector<16xf32>
    %get3A_650 = arith.constant 0 : i32
    %get3A_651 = arith.index_cast %get3A_650 : i32 to index
    %get3A_652 = arith.constant 1680 : index
    %get3A_653 = tpu.vector_load %arg7[%get3A_651, %get3A_652] {strides = array<i32>} : memref<1x4608xf32, #tpu.memory_space<vmem>>, vector<16xf32>,
    %add3A_654 = arith.addf %add3A_649, %get3A_653 : vector<16xf32>
    %get3A_655 = arith.constant 0 : i32
    %get3A_656 = arith.index_cast %get3A_655 : i32 to index
    %get3A_657 = arith.constant 2192 : index
    %get3A_658 = tpu.vector_load %arg7[%get3A_656, %get3A_657] {strides = array<i32>} : memref<1x4608xf32, #tpu.memory_space<vmem>>, vector<16xf32>,
    %add3A_659 = arith.addf %add3A_654, %get3A_658 : vector<16xf32>
    %get3A_660 = arith.constant 0 : i32
    %get3A_661 = arith.index_cast %get3A_660 : i32 to index
    %get3A_662 = arith.constant 2704 : index
    %get3A_663 = tpu.vector_load %arg7[%get3A_661, %get3A_662] {strides = array<i32>} : memref<1x4608xf32, #tpu.memory_space<vmem>>, vector<16xf32>,
    %add3A_664 = arith.addf %add3A_659, %get3A_663 : vector<16xf32>
    %swap3A_665 = arith.constant 144 : index
    %swap3A_666 = tpu.vector_load %arg8[%swap3A_665] {strides = array<i32>} : memref<512xf32, #tpu.memory_space<vmem>>, vector<16xf32>,
    tpu.vector_store %arg8[%swap3A_665], %add3A_664 {strides = array<i32>} : memref<512xf32, #tpu.memory_space<vmem>>, vector<16xf32>,
    %get3A_667 = arith.constant 0 : i32
    %get3A_668 = arith.index_cast %get3A_667 : i32 to index
    %get3A_669 = arith.constant 160 : index
    %get3A_670 = tpu.vector_load %arg7[%get3A_668, %get3A_669] {strides = array<i32>} : memref<1x4608xf32, #tpu.memory_space<vmem>>, vector<16xf32>,
    %add3A_671 = arith.addf %gather3A, %get3A_670 : vector<16xf32>
    %get3A_672 = arith.constant 0 : i32
    %get3A_673 = arith.index_cast %get3A_672 : i32 to index
    %get3A_674 = arith.constant 672 : index
    %get3A_675 = tpu.vector_load %arg7[%get3A_673, %get3A_674] {strides = array<i32>} : memref<1x4608xf32, #tpu.memory_space<vmem>>, vector<16xf32>,
    %add3A_676 = arith.addf %add3A_671, %get3A_675 : vector<16xf32>
    %get3A_677 = arith.constant 0 : i32
    %get3A_678 = arith.index_cast %get3A_677 : i32 to index
    %get3A_679 = arith.constant 1184 : index
    %get3A_680 = tpu.vector_load %arg7[%get3A_678, %get3A_679] {strides = array<i32>} : memref<1x4608xf32, #tpu.memory_space<vmem>>, vector<16xf32>,
    %add3A_681 = arith.addf %add3A_676, %get3A_680 : vector<16xf32>
    %get3A_682 = arith.constant 0 : i32
    %get3A_683 = arith.index_cast %get3A_682 : i32 to index
    %get3A_684 = arith.constant 1696 : index
    %get3A_685 = tpu.vector_load %arg7[%get3A_683, %get3A_684] {strides = array<i32>} : memref<1x4608xf32, #tpu.memory_space<vmem>>, vector<16xf32>,
    %add3A_686 = arith.addf %add3A_681, %get3A_685 : vector<16xf32>
    %get3A_687 = arith.constant 0 : i32
    %get3A_688 = arith.index_cast %get3A_687 : i32 to index
    %get3A_689 = arith.constant 2208 : index
    %get3A_690 = tpu.vector_load %arg7[%get3A_688, %get3A_689] {strides = array<i32>} : memref<1x4608xf32, #tpu.memory_space<vmem>>, vector<16xf32>,
    %add3A_691 = arith.addf %add3A_686, %get3A_690 : vector<16xf32>
    %get3A_692 = arith.constant 0 : i32
    %get3A_693 = arith.index_cast %get3A_692 : i32 to index
    %get3A_694 = arith.constant 2720 : index
    %get3A_695 = tpu.vector_load %arg7[%get3A_693, %get3A_694] {strides = array<i32>} : memref<1x4608xf32, #tpu.memory_space<vmem>>, vector<16xf32>,
    %add3A_696 = arith.addf %add3A_691, %get3A_695 : vector<16xf32>
    %swap3A_697 = arith.constant 160 : index
    %swap3A_698 = tpu.vector_load %arg8[%swap3A_697] {strides = array<i32>} : memref<512xf32, #tpu.memory_space<vmem>>, vector<16xf32>,
    tpu.vector_store %arg8[%swap3A_697], %add3A_696 {strides = array<i32>} : memref<512xf32, #tpu.memory_space<vmem>>, vector<16xf32>,
    %get3A_699 = arith.constant 0 : i32
    %get3A_700 = arith.index_cast %get3A_699 : i32 to index
    %get3A_701 = arith.constant 176 : index
    %get3A_702 = tpu.vector_load %arg7[%get3A_700, %get3A_701] {strides = array<i32>} : memref<1x4608xf32, #tpu.memory_space<vmem>>, vector<16xf32>,
    %add3A_703 = arith.addf %gather3A, %get3A_702 : vector<16xf32>
    %get3A_704 = arith.constant 0 : i32
    %get3A_705 = arith.index_cast %get3A_704 : i32 to index
    %get3A_706 = arith.constant 688 : index
    %get3A_707 = tpu.vector_load %arg7[%get3A_705, %get3A_706] {strides = array<i32>} : memref<1x4608xf32, #tpu.memory_space<vmem>>, vector<16xf32>,
    %add3A_708 = arith.addf %add3A_703, %get3A_707 : vector<16xf32>
    %get3A_709 = arith.constant 0 : i32
    %get3A_710 = arith.index_cast %get3A_709 : i32 to index
    %get3A_711 = arith.constant 1200 : index
    %get3A_712 = tpu.vector_load %arg7[%get3A_710, %get3A_711] {strides = array<i32>} : memref<1x4608xf32, #tpu.memory_space<vmem>>, vector<16xf32>,
    %add3A_713 = arith.addf %add3A_708, %get3A_712 : vector<16xf32>
    %get3A_714 = arith.constant 0 : i32
    %get3A_715 = arith.index_cast %get3A_714 : i32 to index
    %get3A_716 = arith.constant 1712 : index
    %get3A_717 = tpu.vector_load %arg7[%get3A_715, %get3A_716] {strides = array<i32>} : memref<1x4608xf32, #tpu.memory_space<vmem>>, vector<16xf32>,
    %add3A_718 = arith.addf %add3A_713, %get3A_717 : vector<16xf32>
    %get3A_719 = arith.constant 0 : i32
    %get3A_720 = arith.index_cast %get3A_719 : i32 to index
    %get3A_721 = arith.constant 2224 : index
    %get3A_722 = tpu.vector_load %arg7[%get3A_720, %get3A_721] {strides = array<i32>} : memref<1x4608xf32, #tpu.memory_space<vmem>>, vector<16xf32>,
    %add3A_723 = arith.addf %add3A_718, %get3A_722 : vector<16xf32>
    %get3A_724 = arith.constant 0 : i32
    %get3A_725 = arith.index_cast %get3A_724 : i32 to index
    %get3A_726 = arith.constant 2736 : index
    %get3A_727 = tpu.vector_load %arg7[%get3A_725, %get3A_726] {strides = array<i32>} : memref<1x4608xf32, #tpu.memory_space<vmem>>, vector<16xf32>,
    %add3A_728 = arith.addf %add3A_723, %get3A_727 : vector<16xf32>
    %swap3A_729 = arith.constant 176 : index
    %swap3A_730 = tpu.vector_load %arg8[%swap3A_729] {strides = array<i32>} : memref<512xf32, #tpu.memory_space<vmem>>, vector<16xf32>,
    tpu.vector_store %arg8[%swap3A_729], %add3A_728 {strides = array<i32>} : memref<512xf32, #tpu.memory_space<vmem>>, vector<16xf32>,
    %get3A_731 = arith.constant 0 : i32
    %get3A_732 = arith.index_cast %get3A_731 : i32 to index
    %get3A_733 = arith.constant 192 : index
    %get3A_734 = tpu.vector_load %arg7[%get3A_732, %get3A_733] {strides = array<i32>} : memref<1x4608xf32, #tpu.memory_space<vmem>>, vector<16xf32>,
    %add3A_735 = arith.addf %gather3A, %get3A_734 : vector<16xf32>
    %get3A_736 = arith.constant 0 : i32
    %get3A_737 = arith.index_cast %get3A_736 : i32 to index
    %get3A_738 = arith.constant 704 : index
    %get3A_739 = tpu.vector_load %arg7[%get3A_737, %get3A_738] {strides = array<i32>} : memref<1x4608xf32, #tpu.memory_space<vmem>>, vector<16xf32>,
    %add3A_740 = arith.addf %add3A_735, %get3A_739 : vector<16xf32>
    %get3A_741 = arith.constant 0 : i32
    %get3A_742 = arith.index_cast %get3A_741 : i32 to index
    %get3A_743 = arith.constant 1216 : index
    %get3A_744 = tpu.vector_load %arg7[%get3A_742, %get3A_743] {strides = array<i32>} : memref<1x4608xf32, #tpu.memory_space<vmem>>, vector<16xf32>,
    %add3A_745 = arith.addf %add3A_740, %get3A_744 : vector<16xf32>
    %get3A_746 = arith.constant 0 : i32
    %get3A_747 = arith.index_cast %get3A_746 : i32 to index
    %get3A_748 = arith.constant 1728 : index
    %get3A_749 = tpu.vector_load %arg7[%get3A_747, %get3A_748] {strides = array<i32>} : memref<1x4608xf32, #tpu.memory_space<vmem>>, vector<16xf32>,
    %add3A_750 = arith.addf %add3A_745, %get3A_749 : vector<16xf32>
    %get3A_751 = arith.constant 0 : i32
    %get3A_752 = arith.index_cast %get3A_751 : i32 to index
    %get3A_753 = arith.constant 2240 : index
    %get3A_754 = tpu.vector_load %arg7[%get3A_752, %get3A_753] {strides = array<i32>} : memref<1x4608xf32, #tpu.memory_space<vmem>>, vector<16xf32>,
    %add3A_755 = arith.addf %add3A_750, %get3A_754 : vector<16xf32>
    %get3A_756 = arith.constant 0 : i32
    %get3A_757 = arith.index_cast %get3A_756 : i32 to index
    %get3A_758 = arith.constant 2752 : index
    %get3A_759 = tpu.vector_load %arg7[%get3A_757, %get3A_758] {strides = array<i32>} : memref<1x4608xf32, #tpu.memory_space<vmem>>, vector<16xf32>,
    %add3A_760 = arith.addf %add3A_755, %get3A_759 : vector<16xf32>
    %swap3A_761 = arith.constant 192 : index
    %swap3A_762 = tpu.vector_load %arg8[%swap3A_761] {strides = array<i32>} : memref<512xf32, #tpu.memory_space<vmem>>, vector<16xf32>,
    tpu.vector_store %arg8[%swap3A_761], %add3A_760 {strides = array<i32>} : memref<512xf32, #tpu.memory_space<vmem>>, vector<16xf32>,
    %get3A_763 = arith.constant 0 : i32
    %get3A_764 = arith.index_cast %get3A_763 : i32 to index
    %get3A_765 = arith.constant 208 : index
    %get3A_766 = tpu.vector_load %arg7[%get3A_764, %get3A_765] {strides = array<i32>} : memref<1x4608xf32, #tpu.memory_space<vmem>>, vector<16xf32>,
    %add3A_767 = arith.addf %gather3A, %get3A_766 : vector<16xf32>
    %get3A_768 = arith.constant 0 : i32
    %get3A_769 = arith.index_cast %get3A_768 : i32 to index
    %get3A_770 = arith.constant 720 : index
    %get3A_771 = tpu.vector_load %arg7[%get3A_769, %get3A_770] {strides = array<i32>} : memref<1x4608xf32, #tpu.memory_space<vmem>>, vector<16xf32>,
    %add3A_772 = arith.addf %add3A_767, %get3A_771 : vector<16xf32>
    %get3A_773 = arith.constant 0 : i32
    %get3A_774 = arith.index_cast %get3A_773 : i32 to index
    %get3A_775 = arith.constant 1232 : index
    %get3A_776 = tpu.vector_load %arg7[%get3A_774, %get3A_775] {strides = array<i32>} : memref<1x4608xf32, #tpu.memory_space<vmem>>, vector<16xf32>,
    %add3A_777 = arith.addf %add3A_772, %get3A_776 : vector<16xf32>
    %get3A_778 = arith.constant 0 : i32
    %get3A_779 = arith.index_cast %get3A_778 : i32 to index
    %get3A_780 = arith.constant 1744 : index
    %get3A_781 = tpu.vector_load %arg7[%get3A_779, %get3A_780] {strides = array<i32>} : memref<1x4608xf32, #tpu.memory_space<vmem>>, vector<16xf32>,
    %add3A_782 = arith.addf %add3A_777, %get3A_781 : vector<16xf32>
    %get3A_783 = arith.constant 0 : i32
    %get3A_784 = arith.index_cast %get3A_783 : i32 to index
    %get3A_785 = arith.constant 2256 : index
    %get3A_786 = tpu.vector_load %arg7[%get3A_784, %get3A_785] {strides = array<i32>} : memref<1x4608xf32, #tpu.memory_space<vmem>>, vector<16xf32>,
    %add3A_787 = arith.addf %add3A_782, %get3A_786 : vector<16xf32>
    %get3A_788 = arith.constant 0 : i32
    %get3A_789 = arith.index_cast %get3A_788 : i32 to index
    %get3A_790 = arith.constant 2768 : index
    %get3A_791 = tpu.vector_load %arg7[%get3A_789, %get3A_790] {strides = array<i32>} : memref<1x4608xf32, #tpu.memory_space<vmem>>, vector<16xf32>,
    %add3A_792 = arith.addf %add3A_787, %get3A_791 : vector<16xf32>
    %swap3A_793 = arith.constant 208 : index
    %swap3A_794 = tpu.vector_load %arg8[%swap3A_793] {strides = array<i32>} : memref<512xf32, #tpu.memory_space<vmem>>, vector<16xf32>,
    tpu.vector_store %arg8[%swap3A_793], %add3A_792 {strides = array<i32>} : memref<512xf32, #tpu.memory_space<vmem>>, vector<16xf32>,
    %get3A_795 = arith.constant 0 : i32
    %get3A_796 = arith.index_cast %get3A_795 : i32 to index
    %get3A_797 = arith.constant 224 : index
    %get3A_798 = tpu.vector_load %arg7[%get3A_796, %get3A_797] {strides = array<i32>} : memref<1x4608xf32, #tpu.memory_space<vmem>>, vector<16xf32>,
    %add3A_799 = arith.addf %gather3A, %get3A_798 : vector<16xf32>
    %get3A_800 = arith.constant 0 : i32
    %get3A_801 = arith.index_cast %get3A_800 : i32 to index
    %get3A_802 = arith.constant 736 : index
    %get3A_803 = tpu.vector_load %arg7[%get3A_801, %get3A_802] {strides = array<i32>} : memref<1x4608xf32, #tpu.memory_space<vmem>>, vector<16xf32>,
    %add3A_804 = arith.addf %add3A_799, %get3A_803 : vector<16xf32>
    %get3A_805 = arith.constant 0 : i32
    %get3A_806 = arith.index_cast %get3A_805 : i32 to index
    %get3A_807 = arith.constant 1248 : index
    %get3A_808 = tpu.vector_load %arg7[%get3A_806, %get3A_807] {strides = array<i32>} : memref<1x4608xf32, #tpu.memory_space<vmem>>, vector<16xf32>,
    %add3A_809 = arith.addf %add3A_804, %get3A_808 : vector<16xf32>
    %get3A_810 = arith.constant 0 : i32
    %get3A_811 = arith.index_cast %get3A_810 : i32 to index
    %get3A_812 = arith.constant 1760 : index
    %get3A_813 = tpu.vector_load %arg7[%get3A_811, %get3A_812] {strides = array<i32>} : memref<1x4608xf32, #tpu.memory_space<vmem>>, vector<16xf32>,
    %add3A_814 = arith.addf %add3A_809, %get3A_813 : vector<16xf32>
    %get3A_815 = arith.constant 0 : i32
    %get3A_816 = arith.index_cast %get3A_815 : i32 to index
    %get3A_817 = arith.constant 2272 : index
    %get3A_818 = tpu.vector_load %arg7[%get3A_816, %get3A_817] {strides = array<i32>} : memref<1x4608xf32, #tpu.memory_space<vmem>>, vector<16xf32>,
    %add3A_819 = arith.addf %add3A_814, %get3A_818 : vector<16xf32>
    %get3A_820 = arith.constant 0 : i32
    %get3A_821 = arith.index_cast %get3A_820 : i32 to index
    %get3A_822 = arith.constant 2784 : index
    %get3A_823 = tpu.vector_load %arg7[%get3A_821, %get3A_822] {strides = array<i32>} : memref<1x4608xf32, #tpu.memory_space<vmem>>, vector<16xf32>,
    %add3A_824 = arith.addf %add3A_819, %get3A_823 : vector<16xf32>
    %swap3A_825 = arith.constant 224 : index
    %swap3A_826 = tpu.vector_load %arg8[%swap3A_825] {strides = array<i32>} : memref<512xf32, #tpu.memory_space<vmem>>, vector<16xf32>,
    tpu.vector_store %arg8[%swap3A_825], %add3A_824 {strides = array<i32>} : memref<512xf32, #tpu.memory_space<vmem>>, vector<16xf32>,
    %get3A_827 = arith.constant 0 : i32
    %get3A_828 = arith.index_cast %get3A_827 : i32 to index
    %get3A_829 = arith.constant 240 : index
    %get3A_830 = tpu.vector_load %arg7[%get3A_828, %get3A_829] {strides = array<i32>} : memref<1x4608xf32, #tpu.memory_space<vmem>>, vector<16xf32>,
    %add3A_831 = arith.addf %gather3A, %get3A_830 : vector<16xf32>
    %get3A_832 = arith.constant 0 : i32
    %get3A_833 = arith.index_cast %get3A_832 : i32 to index
    %get3A_834 = arith.constant 752 : index
    %get3A_835 = tpu.vector_load %arg7[%get3A_833, %get3A_834] {strides = array<i32>} : memref<1x4608xf32, #tpu.memory_space<vmem>>, vector<16xf32>,
    %add3A_836 = arith.addf %add3A_831, %get3A_835 : vector<16xf32>
    %get3A_837 = arith.constant 0 : i32
    %get3A_838 = arith.index_cast %get3A_837 : i32 to index
    %get3A_839 = arith.constant 1264 : index
    %get3A_840 = tpu.vector_load %arg7[%get3A_838, %get3A_839] {strides = array<i32>} : memref<1x4608xf32, #tpu.memory_space<vmem>>, vector<16xf32>,
    %add3A_841 = arith.addf %add3A_836, %get3A_840 : vector<16xf32>
    %get3A_842 = arith.constant 0 : i32
    %get3A_843 = arith.index_cast %get3A_842 : i32 to index
    %get3A_844 = arith.constant 1776 : index
    %get3A_845 = tpu.vector_load %arg7[%get3A_843, %get3A_844] {strides = array<i32>} : memref<1x4608xf32, #tpu.memory_space<vmem>>, vector<16xf32>,
    %add3A_846 = arith.addf %add3A_841, %get3A_845 : vector<16xf32>
    %get3A_847 = arith.constant 0 : i32
    %get3A_848 = arith.index_cast %get3A_847 : i32 to index
    %get3A_849 = arith.constant 2288 : index
    %get3A_850 = tpu.vector_load %arg7[%get3A_848, %get3A_849] {strides = array<i32>} : memref<1x4608xf32, #tpu.memory_space<vmem>>, vector<16xf32>,
    %add3A_851 = arith.addf %add3A_846, %get3A_850 : vector<16xf32>
    %get3A_852 = arith.constant 0 : i32
    %get3A_853 = arith.index_cast %get3A_852 : i32 to index
    %get3A_854 = arith.constant 2800 : index
    %get3A_855 = tpu.vector_load %arg7[%get3A_853, %get3A_854] {strides = array<i32>} : memref<1x4608xf32, #tpu.memory_space<vmem>>, vector<16xf32>,
    %add3A_856 = arith.addf %add3A_851, %get3A_855 : vector<16xf32>
    %swap3A_857 = arith.constant 240 : index
    %swap3A_858 = tpu.vector_load %arg8[%swap3A_857] {strides = array<i32>} : memref<512xf32, #tpu.memory_space<vmem>>, vector<16xf32>,
    tpu.vector_store %arg8[%swap3A_857], %add3A_856 {strides = array<i32>} : memref<512xf32, #tpu.memory_space<vmem>>, vector<16xf32>,
    %get3A_859 = arith.constant 0 : i32
    %get3A_860 = arith.index_cast %get3A_859 : i32 to index
    %get3A_861 = arith.constant 256 : index
    %get3A_862 = tpu.vector_load %arg7[%get3A_860, %get3A_861] {strides = array<i32>} : memref<1x4608xf32, #tpu.memory_space<vmem>>, vector<16xf32>,
    %add3A_863 = arith.addf %gather3A, %get3A_862 : vector<16xf32>
    %get3A_864 = arith.constant 0 : i32
    %get3A_865 = arith.index_cast %get3A_864 : i32 to index
    %get3A_866 = arith.constant 768 : index
    %get3A_867 = tpu.vector_load %arg7[%get3A_865, %get3A_866] {strides = array<i32>} : memref<1x4608xf32, #tpu.memory_space<vmem>>, vector<16xf32>,
    %add3A_868 = arith.addf %add3A_863, %get3A_867 : vector<16xf32>
    %get3A_869 = arith.constant 0 : i32
    %get3A_870 = arith.index_cast %get3A_869 : i32 to index
    %get3A_871 = arith.constant 1280 : index
    %get3A_872 = tpu.vector_load %arg7[%get3A_870, %get3A_871] {strides = array<i32>} : memref<1x4608xf32, #tpu.memory_space<vmem>>, vector<16xf32>,
    %add3A_873 = arith.addf %add3A_868, %get3A_872 : vector<16xf32>
    %get3A_874 = arith.constant 0 : i32
    %get3A_875 = arith.index_cast %get3A_874 : i32 to index
    %get3A_876 = arith.constant 1792 : index
    %get3A_877 = tpu.vector_load %arg7[%get3A_875, %get3A_876] {strides = array<i32>} : memref<1x4608xf32, #tpu.memory_space<vmem>>, vector<16xf32>,
    %add3A_878 = arith.addf %add3A_873, %get3A_877 : vector<16xf32>
    %get3A_879 = arith.constant 0 : i32
    %get3A_880 = arith.index_cast %get3A_879 : i32 to index
    %get3A_881 = arith.constant 2304 : index
    %get3A_882 = tpu.vector_load %arg7[%get3A_880, %get3A_881] {strides = array<i32>} : memref<1x4608xf32, #tpu.memory_space<vmem>>, vector<16xf32>,
    %add3A_883 = arith.addf %add3A_878, %get3A_882 : vector<16xf32>
    %get3A_884 = arith.constant 0 : i32
    %get3A_885 = arith.index_cast %get3A_884 : i32 to index
    %get3A_886 = arith.constant 2816 : index
    %get3A_887 = tpu.vector_load %arg7[%get3A_885, %get3A_886] {strides = array<i32>} : memref<1x4608xf32, #tpu.memory_space<vmem>>, vector<16xf32>,
    %add3A_888 = arith.addf %add3A_883, %get3A_887 : vector<16xf32>
    %swap3A_889 = arith.constant 256 : index
    %swap3A_890 = tpu.vector_load %arg8[%swap3A_889] {strides = array<i32>} : memref<512xf32, #tpu.memory_space<vmem>>, vector<16xf32>,
    tpu.vector_store %arg8[%swap3A_889], %add3A_888 {strides = array<i32>} : memref<512xf32, #tpu.memory_space<vmem>>, vector<16xf32>,
    %get3A_891 = arith.constant 0 : i32
    %get3A_892 = arith.index_cast %get3A_891 : i32 to index
    %get3A_893 = arith.constant 272 : index
    %get3A_894 = tpu.vector_load %arg7[%get3A_892, %get3A_893] {strides = array<i32>} : memref<1x4608xf32, #tpu.memory_space<vmem>>, vector<16xf32>,
    %add3A_895 = arith.addf %gather3A, %get3A_894 : vector<16xf32>
    %get3A_896 = arith.constant 0 : i32
    %get3A_897 = arith.index_cast %get3A_896 : i32 to index
    %get3A_898 = arith.constant 784 : index
    %get3A_899 = tpu.vector_load %arg7[%get3A_897, %get3A_898] {strides = array<i32>} : memref<1x4608xf32, #tpu.memory_space<vmem>>, vector<16xf32>,
    %add3A_900 = arith.addf %add3A_895, %get3A_899 : vector<16xf32>
    %get3A_901 = arith.constant 0 : i32
    %get3A_902 = arith.index_cast %get3A_901 : i32 to index
    %get3A_903 = arith.constant 1296 : index
    %get3A_904 = tpu.vector_load %arg7[%get3A_902, %get3A_903] {strides = array<i32>} : memref<1x4608xf32, #tpu.memory_space<vmem>>, vector<16xf32>,
    %add3A_905 = arith.addf %add3A_900, %get3A_904 : vector<16xf32>
    %get3A_906 = arith.constant 0 : i32
    %get3A_907 = arith.index_cast %get3A_906 : i32 to index
    %get3A_908 = arith.constant 1808 : index
    %get3A_909 = tpu.vector_load %arg7[%get3A_907, %get3A_908] {strides = array<i32>} : memref<1x4608xf32, #tpu.memory_space<vmem>>, vector<16xf32>,
    %add3A_910 = arith.addf %add3A_905, %get3A_909 : vector<16xf32>
    %get3A_911 = arith.constant 0 : i32
    %get3A_912 = arith.index_cast %get3A_911 : i32 to index
    %get3A_913 = arith.constant 2320 : index
    %get3A_914 = tpu.vector_load %arg7[%get3A_912, %get3A_913] {strides = array<i32>} : memref<1x4608xf32, #tpu.memory_space<vmem>>, vector<16xf32>,
    %add3A_915 = arith.addf %add3A_910, %get3A_914 : vector<16xf32>
    %get3A_916 = arith.constant 0 : i32
    %get3A_917 = arith.index_cast %get3A_916 : i32 to index
    %get3A_918 = arith.constant 2832 : index
    %get3A_919 = tpu.vector_load %arg7[%get3A_917, %get3A_918] {strides = array<i32>} : memref<1x4608xf32, #tpu.memory_space<vmem>>, vector<16xf32>,
    %add3A_920 = arith.addf %add3A_915, %get3A_919 : vector<16xf32>
    %swap3A_921 = arith.constant 272 : index
    %swap3A_922 = tpu.vector_load %arg8[%swap3A_921] {strides = array<i32>} : memref<512xf32, #tpu.memory_space<vmem>>, vector<16xf32>,
    tpu.vector_store %arg8[%swap3A_921], %add3A_920 {strides = array<i32>} : memref<512xf32, #tpu.memory_space<vmem>>, vector<16xf32>,
    %get3A_923 = arith.constant 0 : i32
    %get3A_924 = arith.index_cast %get3A_923 : i32 to index
    %get3A_925 = arith.constant 288 : index
    %get3A_926 = tpu.vector_load %arg7[%get3A_924, %get3A_925] {strides = array<i32>} : memref<1x4608xf32, #tpu.memory_space<vmem>>, vector<16xf32>,
    %add3A_927 = arith.addf %gather3A, %get3A_926 : vector<16xf32>
    %get3A_928 = arith.constant 0 : i32
    %get3A_929 = arith.index_cast %get3A_928 : i32 to index
    %get3A_930 = arith.constant 800 : index
    %get3A_931 = tpu.vector_load %arg7[%get3A_929, %get3A_930] {strides = array<i32>} : memref<1x4608xf32, #tpu.memory_space<vmem>>, vector<16xf32>,
    %add3A_932 = arith.addf %add3A_927, %get3A_931 : vector<16xf32>
    %get3A_933 = arith.constant 0 : i32
    %get3A_934 = arith.index_cast %get3A_933 : i32 to index
    %get3A_935 = arith.constant 1312 : index
    %get3A_936 = tpu.vector_load %arg7[%get3A_934, %get3A_935] {strides = array<i32>} : memref<1x4608xf32, #tpu.memory_space<vmem>>, vector<16xf32>,
    %add3A_937 = arith.addf %add3A_932, %get3A_936 : vector<16xf32>
    %get3A_938 = arith.constant 0 : i32
    %get3A_939 = arith.index_cast %get3A_938 : i32 to index
    %get3A_940 = arith.constant 1824 : index
    %get3A_941 = tpu.vector_load %arg7[%get3A_939, %get3A_940] {strides = array<i32>} : memref<1x4608xf32, #tpu.memory_space<vmem>>, vector<16xf32>,
    %add3A_942 = arith.addf %add3A_937, %get3A_941 : vector<16xf32>
    %get3A_943 = arith.constant 0 : i32
    %get3A_944 = arith.index_cast %get3A_943 : i32 to index
    %get3A_945 = arith.constant 2336 : index
    %get3A_946 = tpu.vector_load %arg7[%get3A_944, %get3A_945] {strides = array<i32>} : memref<1x4608xf32, #tpu.memory_space<vmem>>, vector<16xf32>,
    %add3A_947 = arith.addf %add3A_942, %get3A_946 : vector<16xf32>
    %get3A_948 = arith.constant 0 : i32
    %get3A_949 = arith.index_cast %get3A_948 : i32 to index
    %get3A_950 = arith.constant 2848 : index
    %get3A_951 = tpu.vector_load %arg7[%get3A_949, %get3A_950] {strides = array<i32>} : memref<1x4608xf32, #tpu.memory_space<vmem>>, vector<16xf32>,
    %add3A_952 = arith.addf %add3A_947, %get3A_951 : vector<16xf32>
    %swap3A_953 = arith.constant 288 : index
    %swap3A_954 = tpu.vector_load %arg8[%swap3A_953] {strides = array<i32>} : memref<512xf32, #tpu.memory_space<vmem>>, vector<16xf32>,
    tpu.vector_store %arg8[%swap3A_953], %add3A_952 {strides = array<i32>} : memref<512xf32, #tpu.memory_space<vmem>>, vector<16xf32>,
    %get3A_955 = arith.constant 0 : i32
    %get3A_956 = arith.index_cast %get3A_955 : i32 to index
    %get3A_957 = arith.constant 304 : index
    %get3A_958 = tpu.vector_load %arg7[%get3A_956, %get3A_957] {strides = array<i32>} : memref<1x4608xf32, #tpu.memory_space<vmem>>, vector<16xf32>,
    %add3A_959 = arith.addf %gather3A, %get3A_958 : vector<16xf32>
    %get3A_960 = arith.constant 0 : i32
    %get3A_961 = arith.index_cast %get3A_960 : i32 to index
    %get3A_962 = arith.constant 816 : index
    %get3A_963 = tpu.vector_load %arg7[%get3A_961, %get3A_962] {strides = array<i32>} : memref<1x4608xf32, #tpu.memory_space<vmem>>, vector<16xf32>,
    %add3A_964 = arith.addf %add3A_959, %get3A_963 : vector<16xf32>
    %get3A_965 = arith.constant 0 : i32
    %get3A_966 = arith.index_cast %get3A_965 : i32 to index
    %get3A_967 = arith.constant 1328 : index
    %get3A_968 = tpu.vector_load %arg7[%get3A_966, %get3A_967] {strides = array<i32>} : memref<1x4608xf32, #tpu.memory_space<vmem>>, vector<16xf32>,
    %add3A_969 = arith.addf %add3A_964, %get3A_968 : vector<16xf32>
    %get3A_970 = arith.constant 0 : i32
    %get3A_971 = arith.index_cast %get3A_970 : i32 to index
    %get3A_972 = arith.constant 1840 : index
    %get3A_973 = tpu.vector_load %arg7[%get3A_971, %get3A_972] {strides = array<i32>} : memref<1x4608xf32, #tpu.memory_space<vmem>>, vector<16xf32>,
    %add3A_974 = arith.addf %add3A_969, %get3A_973 : vector<16xf32>
    %get3A_975 = arith.constant 0 : i32
    %get3A_976 = arith.index_cast %get3A_975 : i32 to index
    %get3A_977 = arith.constant 2352 : index
    %get3A_978 = tpu.vector_load %arg7[%get3A_976, %get3A_977] {strides = array<i32>} : memref<1x4608xf32, #tpu.memory_space<vmem>>, vector<16xf32>,
    %add3A_979 = arith.addf %add3A_974, %get3A_978 : vector<16xf32>
    %get3A_980 = arith.constant 0 : i32
    %get3A_981 = arith.index_cast %get3A_980 : i32 to index
    %get3A_982 = arith.constant 2864 : index
    %get3A_983 = tpu.vector_load %arg7[%get3A_981, %get3A_982] {strides = array<i32>} : memref<1x4608xf32, #tpu.memory_space<vmem>>, vector<16xf32>,
    %add3A_984 = arith.addf %add3A_979, %get3A_983 : vector<16xf32>
    %swap3A_985 = arith.constant 304 : index
    %swap3A_986 = tpu.vector_load %arg8[%swap3A_985] {strides = array<i32>} : memref<512xf32, #tpu.memory_space<vmem>>, vector<16xf32>,
    tpu.vector_store %arg8[%swap3A_985], %add3A_984 {strides = array<i32>} : memref<512xf32, #tpu.memory_space<vmem>>, vector<16xf32>,
    %get3A_987 = arith.constant 0 : i32
    %get3A_988 = arith.index_cast %get3A_987 : i32 to index
    %get3A_989 = arith.constant 320 : index
    %get3A_990 = tpu.vector_load %arg7[%get3A_988, %get3A_989] {strides = array<i32>} : memref<1x4608xf32, #tpu.memory_space<vmem>>, vector<16xf32>,
    %add3A_991 = arith.addf %gather3A, %get3A_990 : vector<16xf32>
    %get3A_992 = arith.constant 0 : i32
    %get3A_993 = arith.index_cast %get3A_992 : i32 to index
    %get3A_994 = arith.constant 832 : index
    %get3A_995 = tpu.vector_load %arg7[%get3A_993, %get3A_994] {strides = array<i32>} : memref<1x4608xf32, #tpu.memory_space<vmem>>, vector<16xf32>,
    %add3A_996 = arith.addf %add3A_991, %get3A_995 : vector<16xf32>
    %get3A_997 = arith.constant 0 : i32
    %get3A_998 = arith.index_cast %get3A_997 : i32 to index
    %get3A_999 = arith.constant 1344 : index
    %get3A_1000 = tpu.vector_load %arg7[%get3A_998, %get3A_999] {strides = array<i32>} : memref<1x4608xf32, #tpu.memory_space<vmem>>, vector<16xf32>,
    %add3A_1001 = arith.addf %add3A_996, %get3A_1000 : vector<16xf32>
    %get3A_1002 = arith.constant 0 : i32
    %get3A_1003 = arith.index_cast %get3A_1002 : i32 to index
    %get3A_1004 = arith.constant 1856 : index
    %get3A_1005 = tpu.vector_load %arg7[%get3A_1003, %get3A_1004] {strides = array<i32>} : memref<1x4608xf32, #tpu.memory_space<vmem>>, vector<16xf32>,
    %add3A_1006 = arith.addf %add3A_1001, %get3A_1005 : vector<16xf32>
    %get3A_1007 = arith.constant 0 : i32
    %get3A_1008 = arith.index_cast %get3A_1007 : i32 to index
    %get3A_1009 = arith.constant 2368 : index
    %get3A_1010 = tpu.vector_load %arg7[%get3A_1008, %get3A_1009] {strides = array<i32>} : memref<1x4608xf32, #tpu.memory_space<vmem>>, vector<16xf32>,
    %add3A_1011 = arith.addf %add3A_1006, %get3A_1010 : vector<16xf32>
    %get3A_1012 = arith.constant 0 : i32
    %get3A_1013 = arith.index_cast %get3A_1012 : i32 to index
    %get3A_1014 = arith.constant 2880 : index
    %get3A_1015 = tpu.vector_load %arg7[%get3A_1013, %get3A_1014] {strides = array<i32>} : memref<1x4608xf32, #tpu.memory_space<vmem>>, vector<16xf32>,
    %add3A_1016 = arith.addf %add3A_1011, %get3A_1015 : vector<16xf32>
    %swap3A_1017 = arith.constant 320 : index
    %swap3A_1018 = tpu.vector_load %arg8[%swap3A_1017] {strides = array<i32>} : memref<512xf32, #tpu.memory_space<vmem>>, vector<16xf32>,
    tpu.vector_store %arg8[%swap3A_1017], %add3A_1016 {strides = array<i32>} : memref<512xf32, #tpu.memory_space<vmem>>, vector<16xf32>,
    %get3A_1019 = arith.constant 0 : i32
    %get3A_1020 = arith.index_cast %get3A_1019 : i32 to index
    %get3A_1021 = arith.constant 336 : index
    %get3A_1022 = tpu.vector_load %arg7[%get3A_1020, %get3A_1021] {strides = array<i32>} : memref<1x4608xf32, #tpu.memory_space<vmem>>, vector<16xf32>,
    %add3A_1023 = arith.addf %gather3A, %get3A_1022 : vector<16xf32>
    %get3A_1024 = arith.constant 0 : i32
    %get3A_1025 = arith.index_cast %get3A_1024 : i32 to index
    %get3A_1026 = arith.constant 848 : index
    %get3A_1027 = tpu.vector_load %arg7[%get3A_1025, %get3A_1026] {strides = array<i32>} : memref<1x4608xf32, #tpu.memory_space<vmem>>, vector<16xf32>,
    %add3A_1028 = arith.addf %add3A_1023, %get3A_1027 : vector<16xf32>
    %get3A_1029 = arith.constant 0 : i32
    %get3A_1030 = arith.index_cast %get3A_1029 : i32 to index
    %get3A_1031 = arith.constant 1360 : index
    %get3A_1032 = tpu.vector_load %arg7[%get3A_1030, %get3A_1031] {strides = array<i32>} : memref<1x4608xf32, #tpu.memory_space<vmem>>, vector<16xf32>,
    %add3A_1033 = arith.addf %add3A_1028, %get3A_1032 : vector<16xf32>
    %get3A_1034 = arith.constant 0 : i32
    %get3A_1035 = arith.index_cast %get3A_1034 : i32 to index
    %get3A_1036 = arith.constant 1872 : index
    %get3A_1037 = tpu.vector_load %arg7[%get3A_1035, %get3A_1036] {strides = array<i32>} : memref<1x4608xf32, #tpu.memory_space<vmem>>, vector<16xf32>,
    %add3A_1038 = arith.addf %add3A_1033, %get3A_1037 : vector<16xf32>
    %get3A_1039 = arith.constant 0 : i32
    %get3A_1040 = arith.index_cast %get3A_1039 : i32 to index
    %get3A_1041 = arith.constant 2384 : index
    %get3A_1042 = tpu.vector_load %arg7[%get3A_1040, %get3A_1041] {strides = array<i32>} : memref<1x4608xf32, #tpu.memory_space<vmem>>, vector<16xf32>,
    %add3A_1043 = arith.addf %add3A_1038, %get3A_1042 : vector<16xf32>
    %get3A_1044 = arith.constant 0 : i32
    %get3A_1045 = arith.index_cast %get3A_1044 : i32 to index
    %get3A_1046 = arith.constant 2896 : index
    %get3A_1047 = tpu.vector_load %arg7[%get3A_1045, %get3A_1046] {strides = array<i32>} : memref<1x4608xf32, #tpu.memory_space<vmem>>, vector<16xf32>,
    %add3A_1048 = arith.addf %add3A_1043, %get3A_1047 : vector<16xf32>
    %swap3A_1049 = arith.constant 336 : index
    %swap3A_1050 = tpu.vector_load %arg8[%swap3A_1049] {strides = array<i32>} : memref<512xf32, #tpu.memory_space<vmem>>, vector<16xf32>,
    tpu.vector_store %arg8[%swap3A_1049], %add3A_1048 {strides = array<i32>} : memref<512xf32, #tpu.memory_space<vmem>>, vector<16xf32>,
    %get3A_1051 = arith.constant 0 : i32
    %get3A_1052 = arith.index_cast %get3A_1051 : i32 to index
    %get3A_1053 = arith.constant 352 : index
    %get3A_1054 = tpu.vector_load %arg7[%get3A_1052, %get3A_1053] {strides = array<i32>} : memref<1x4608xf32, #tpu.memory_space<vmem>>, vector<16xf32>,
    %add3A_1055 = arith.addf %gather3A, %get3A_1054 : vector<16xf32>
    %get3A_1056 = arith.constant 0 : i32
    %get3A_1057 = arith.index_cast %get3A_1056 : i32 to index
    %get3A_1058 = arith.constant 864 : index
    %get3A_1059 = tpu.vector_load %arg7[%get3A_1057, %get3A_1058] {strides = array<i32>} : memref<1x4608xf32, #tpu.memory_space<vmem>>, vector<16xf32>,
    %add3A_1060 = arith.addf %add3A_1055, %get3A_1059 : vector<16xf32>
    %get3A_1061 = arith.constant 0 : i32
    %get3A_1062 = arith.index_cast %get3A_1061 : i32 to index
    %get3A_1063 = arith.constant 1376 : index
    %get3A_1064 = tpu.vector_load %arg7[%get3A_1062, %get3A_1063] {strides = array<i32>} : memref<1x4608xf32, #tpu.memory_space<vmem>>, vector<16xf32>,
    %add3A_1065 = arith.addf %add3A_1060, %get3A_1064 : vector<16xf32>
    %get3A_1066 = arith.constant 0 : i32
    %get3A_1067 = arith.index_cast %get3A_1066 : i32 to index
    %get3A_1068 = arith.constant 1888 : index
    %get3A_1069 = tpu.vector_load %arg7[%get3A_1067, %get3A_1068] {strides = array<i32>} : memref<1x4608xf32, #tpu.memory_space<vmem>>, vector<16xf32>,
    %add3A_1070 = arith.addf %add3A_1065, %get3A_1069 : vector<16xf32>
    %get3A_1071 = arith.constant 0 : i32
    %get3A_1072 = arith.index_cast %get3A_1071 : i32 to index
    %get3A_1073 = arith.constant 2400 : index
    %get3A_1074 = tpu.vector_load %arg7[%get3A_1072, %get3A_1073] {strides = array<i32>} : memref<1x4608xf32, #tpu.memory_space<vmem>>, vector<16xf32>,
    %add3A_1075 = arith.addf %add3A_1070, %get3A_1074 : vector<16xf32>
    %get3A_1076 = arith.constant 0 : i32
    %get3A_1077 = arith.index_cast %get3A_1076 : i32 to index
    %get3A_1078 = arith.constant 2912 : index
    %get3A_1079 = tpu.vector_load %arg7[%get3A_1077, %get3A_1078] {strides = array<i32>} : memref<1x4608xf32, #tpu.memory_space<vmem>>, vector<16xf32>,
    %add3A_1080 = arith.addf %add3A_1075, %get3A_1079 : vector<16xf32>
    %swap3A_1081 = arith.constant 352 : index
    %swap3A_1082 = tpu.vector_load %arg8[%swap3A_1081] {strides = array<i32>} : memref<512xf32, #tpu.memory_space<vmem>>, vector<16xf32>,
    tpu.vector_store %arg8[%swap3A_1081], %add3A_1080 {strides = array<i32>} : memref<512xf32, #tpu.memory_space<vmem>>, vector<16xf32>,
    %get3A_1083 = arith.constant 0 : i32
    %get3A_1084 = arith.index_cast %get3A_1083 : i32 to index
    %get3A_1085 = arith.constant 368 : index
    %get3A_1086 = tpu.vector_load %arg7[%get3A_1084, %get3A_1085] {strides = array<i32>} : memref<1x4608xf32, #tpu.memory_space<vmem>>, vector<16xf32>,
    %add3A_1087 = arith.addf %gather3A, %get3A_1086 : vector<16xf32>
    %get3A_1088 = arith.constant 0 : i32
    %get3A_1089 = arith.index_cast %get3A_1088 : i32 to index
    %get3A_1090 = arith.constant 880 : index
    %get3A_1091 = tpu.vector_load %arg7[%get3A_1089, %get3A_1090] {strides = array<i32>} : memref<1x4608xf32, #tpu.memory_space<vmem>>, vector<16xf32>,
    %add3A_1092 = arith.addf %add3A_1087, %get3A_1091 : vector<16xf32>
    %get3A_1093 = arith.constant 0 : i32
    %get3A_1094 = arith.index_cast %get3A_1093 : i32 to index
    %get3A_1095 = arith.constant 1392 : index
    %get3A_1096 = tpu.vector_load %arg7[%get3A_1094, %get3A_1095] {strides = array<i32>} : memref<1x4608xf32, #tpu.memory_space<vmem>>, vector<16xf32>,
    %add3A_1097 = arith.addf %add3A_1092, %get3A_1096 : vector<16xf32>
    %get3A_1098 = arith.constant 0 : i32
    %get3A_1099 = arith.index_cast %get3A_1098 : i32 to index
    %get3A_1100 = arith.constant 1904 : index
    %get3A_1101 = tpu.vector_load %arg7[%get3A_1099, %get3A_1100] {strides = array<i32>} : memref<1x4608xf32, #tpu.memory_space<vmem>>, vector<16xf32>,
    %add3A_1102 = arith.addf %add3A_1097, %get3A_1101 : vector<16xf32>
    %get3A_1103 = arith.constant 0 : i32
    %get3A_1104 = arith.index_cast %get3A_1103 : i32 to index
    %get3A_1105 = arith.constant 2416 : index
    %get3A_1106 = tpu.vector_load %arg7[%get3A_1104, %get3A_1105] {strides = array<i32>} : memref<1x4608xf32, #tpu.memory_space<vmem>>, vector<16xf32>,
    %add3A_1107 = arith.addf %add3A_1102, %get3A_1106 : vector<16xf32>
    %get3A_1108 = arith.constant 0 : i32
    %get3A_1109 = arith.index_cast %get3A_1108 : i32 to index
    %get3A_1110 = arith.constant 2928 : index
    %get3A_1111 = tpu.vector_load %arg7[%get3A_1109, %get3A_1110] {strides = array<i32>} : memref<1x4608xf32, #tpu.memory_space<vmem>>, vector<16xf32>,
    %add3A_1112 = arith.addf %add3A_1107, %get3A_1111 : vector<16xf32>
    %swap3A_1113 = arith.constant 368 : index
    %swap3A_1114 = tpu.vector_load %arg8[%swap3A_1113] {strides = array<i32>} : memref<512xf32, #tpu.memory_space<vmem>>, vector<16xf32>,
    tpu.vector_store %arg8[%swap3A_1113], %add3A_1112 {strides = array<i32>} : memref<512xf32, #tpu.memory_space<vmem>>, vector<16xf32>,
    %get3A_1115 = arith.constant 0 : i32
    %get3A_1116 = arith.index_cast %get3A_1115 : i32 to index
    %get3A_1117 = arith.constant 384 : index
    %get3A_1118 = tpu.vector_load %arg7[%get3A_1116, %get3A_1117] {strides = array<i32>} : memref<1x4608xf32, #tpu.memory_space<vmem>>, vector<16xf32>,
    %add3A_1119 = arith.addf %gather3A, %get3A_1118 : vector<16xf32>
    %get3A_1120 = arith.constant 0 : i32
    %get3A_1121 = arith.index_cast %get3A_1120 : i32 to index
    %get3A_1122 = arith.constant 896 : index
    %get3A_1123 = tpu.vector_load %arg7[%get3A_1121, %get3A_1122] {strides = array<i32>} : memref<1x4608xf32, #tpu.memory_space<vmem>>, vector<16xf32>,
    %add3A_1124 = arith.addf %add3A_1119, %get3A_1123 : vector<16xf32>
    %get3A_1125 = arith.constant 0 : i32
    %get3A_1126 = arith.index_cast %get3A_1125 : i32 to index
    %get3A_1127 = arith.constant 1408 : index
    %get3A_1128 = tpu.vector_load %arg7[%get3A_1126, %get3A_1127] {strides = array<i32>} : memref<1x4608xf32, #tpu.memory_space<vmem>>, vector<16xf32>,
    %add3A_1129 = arith.addf %add3A_1124, %get3A_1128 : vector<16xf32>
    %get3A_1130 = arith.constant 0 : i32
    %get3A_1131 = arith.index_cast %get3A_1130 : i32 to index
    %get3A_1132 = arith.constant 1920 : index
    %get3A_1133 = tpu.vector_load %arg7[%get3A_1131, %get3A_1132] {strides = array<i32>} : memref<1x4608xf32, #tpu.memory_space<vmem>>, vector<16xf32>,
    %add3A_1134 = arith.addf %add3A_1129, %get3A_1133 : vector<16xf32>
    %get3A_1135 = arith.constant 0 : i32
    %get3A_1136 = arith.index_cast %get3A_1135 : i32 to index
    %get3A_1137 = arith.constant 2432 : index
    %get3A_1138 = tpu.vector_load %arg7[%get3A_1136, %get3A_1137] {strides = array<i32>} : memref<1x4608xf32, #tpu.memory_space<vmem>>, vector<16xf32>,
    %add3A_1139 = arith.addf %add3A_1134, %get3A_1138 : vector<16xf32>
    %get3A_1140 = arith.constant 0 : i32
    %get3A_1141 = arith.index_cast %get3A_1140 : i32 to index
    %get3A_1142 = arith.constant 2944 : index
    %get3A_1143 = tpu.vector_load %arg7[%get3A_1141, %get3A_1142] {strides = array<i32>} : memref<1x4608xf32, #tpu.memory_space<vmem>>, vector<16xf32>,
    %add3A_1144 = arith.addf %add3A_1139, %get3A_1143 : vector<16xf32>
    %swap3A_1145 = arith.constant 384 : index
    %swap3A_1146 = tpu.vector_load %arg8[%swap3A_1145] {strides = array<i32>} : memref<512xf32, #tpu.memory_space<vmem>>, vector<16xf32>,
    tpu.vector_store %arg8[%swap3A_1145], %add3A_1144 {strides = array<i32>} : memref<512xf32, #tpu.memory_space<vmem>>, vector<16xf32>,
    %get3A_1147 = arith.constant 0 : i32
    %get3A_1148 = arith.index_cast %get3A_1147 : i32 to index
    %get3A_1149 = arith.constant 400 : index
    %get3A_1150 = tpu.vector_load %arg7[%get3A_1148, %get3A_1149] {strides = array<i32>} : memref<1x4608xf32, #tpu.memory_space<vmem>>, vector<16xf32>,
    %add3A_1151 = arith.addf %gather3A, %get3A_1150 : vector<16xf32>
    %get3A_1152 = arith.constant 0 : i32
    %get3A_1153 = arith.index_cast %get3A_1152 : i32 to index
    %get3A_1154 = arith.constant 912 : index
    %get3A_1155 = tpu.vector_load %arg7[%get3A_1153, %get3A_1154] {strides = array<i32>} : memref<1x4608xf32, #tpu.memory_space<vmem>>, vector<16xf32>,
    %add3A_1156 = arith.addf %add3A_1151, %get3A_1155 : vector<16xf32>
    %get3A_1157 = arith.constant 0 : i32
    %get3A_1158 = arith.index_cast %get3A_1157 : i32 to index
    %get3A_1159 = arith.constant 1424 : index
    %get3A_1160 = tpu.vector_load %arg7[%get3A_1158, %get3A_1159] {strides = array<i32>} : memref<1x4608xf32, #tpu.memory_space<vmem>>, vector<16xf32>,
    %add3A_1161 = arith.addf %add3A_1156, %get3A_1160 : vector<16xf32>
    %get3A_1162 = arith.constant 0 : i32
    %get3A_1163 = arith.index_cast %get3A_1162 : i32 to index
    %get3A_1164 = arith.constant 1936 : index
    %get3A_1165 = tpu.vector_load %arg7[%get3A_1163, %get3A_1164] {strides = array<i32>} : memref<1x4608xf32, #tpu.memory_space<vmem>>, vector<16xf32>,
    %add3A_1166 = arith.addf %add3A_1161, %get3A_1165 : vector<16xf32>
    %get3A_1167 = arith.constant 0 : i32
    %get3A_1168 = arith.index_cast %get3A_1167 : i32 to index
    %get3A_1169 = arith.constant 2448 : index
    %get3A_1170 = tpu.vector_load %arg7[%get3A_1168, %get3A_1169] {strides = array<i32>} : memref<1x4608xf32, #tpu.memory_space<vmem>>, vector<16xf32>,
    %add3A_1171 = arith.addf %add3A_1166, %get3A_1170 : vector<16xf32>
    %get3A_1172 = arith.constant 0 : i32
    %get3A_1173 = arith.index_cast %get3A_1172 : i32 to index
    %get3A_1174 = arith.constant 2960 : index
    %get3A_1175 = tpu.vector_load %arg7[%get3A_1173, %get3A_1174] {strides = array<i32>} : memref<1x4608xf32, #tpu.memory_space<vmem>>, vector<16xf32>,
    %add3A_1176 = arith.addf %add3A_1171, %get3A_1175 : vector<16xf32>
    %swap3A_1177 = arith.constant 400 : index
    %swap3A_1178 = tpu.vector_load %arg8[%swap3A_1177] {strides = array<i32>} : memref<512xf32, #tpu.memory_space<vmem>>, vector<16xf32>,
    tpu.vector_store %arg8[%swap3A_1177], %add3A_1176 {strides = array<i32>} : memref<512xf32, #tpu.memory_space<vmem>>, vector<16xf32>,
    %get3A_1179 = arith.constant 0 : i32
    %get3A_1180 = arith.index_cast %get3A_1179 : i32 to index
    %get3A_1181 = arith.constant 416 : index
    %get3A_1182 = tpu.vector_load %arg7[%get3A_1180, %get3A_1181] {strides = array<i32>} : memref<1x4608xf32, #tpu.memory_space<vmem>>, vector<16xf32>,
    %add3A_1183 = arith.addf %gather3A, %get3A_1182 : vector<16xf32>
    %get3A_1184 = arith.constant 0 : i32
    %get3A_1185 = arith.index_cast %get3A_1184 : i32 to index
    %get3A_1186 = arith.constant 928 : index
    %get3A_1187 = tpu.vector_load %arg7[%get3A_1185, %get3A_1186] {strides = array<i32>} : memref<1x4608xf32, #tpu.memory_space<vmem>>, vector<16xf32>,
    %add3A_1188 = arith.addf %add3A_1183, %get3A_1187 : vector<16xf32>
    %get3A_1189 = arith.constant 0 : i32
    %get3A_1190 = arith.index_cast %get3A_1189 : i32 to index
    %get3A_1191 = arith.constant 1440 : index
    %get3A_1192 = tpu.vector_load %arg7[%get3A_1190, %get3A_1191] {strides = array<i32>} : memref<1x4608xf32, #tpu.memory_space<vmem>>, vector<16xf32>,
    %add3A_1193 = arith.addf %add3A_1188, %get3A_1192 : vector<16xf32>
    %get3A_1194 = arith.constant 0 : i32
    %get3A_1195 = arith.index_cast %get3A_1194 : i32 to index
    %get3A_1196 = arith.constant 1952 : index
    %get3A_1197 = tpu.vector_load %arg7[%get3A_1195, %get3A_1196] {strides = array<i32>} : memref<1x4608xf32, #tpu.memory_space<vmem>>, vector<16xf32>,
    %add3A_1198 = arith.addf %add3A_1193, %get3A_1197 : vector<16xf32>
    %get3A_1199 = arith.constant 0 : i32
    %get3A_1200 = arith.index_cast %get3A_1199 : i32 to index
    %get3A_1201 = arith.constant 2464 : index
    %get3A_1202 = tpu.vector_load %arg7[%get3A_1200, %get3A_1201] {strides = array<i32>} : memref<1x4608xf32, #tpu.memory_space<vmem>>, vector<16xf32>,
    %add3A_1203 = arith.addf %add3A_1198, %get3A_1202 : vector<16xf32>
    %get3A_1204 = arith.constant 0 : i32
    %get3A_1205 = arith.index_cast %get3A_1204 : i32 to index
    %get3A_1206 = arith.constant 2976 : index
    %get3A_1207 = tpu.vector_load %arg7[%get3A_1205, %get3A_1206] {strides = array<i32>} : memref<1x4608xf32, #tpu.memory_space<vmem>>, vector<16xf32>,
    %add3A_1208 = arith.addf %add3A_1203, %get3A_1207 : vector<16xf32>
    %swap3A_1209 = arith.constant 416 : index
    %swap3A_1210 = tpu.vector_load %arg8[%swap3A_1209] {strides = array<i32>} : memref<512xf32, #tpu.memory_space<vmem>>, vector<16xf32>,
    tpu.vector_store %arg8[%swap3A_1209], %add3A_1208 {strides = array<i32>} : memref<512xf32, #tpu.memory_space<vmem>>, vector<16xf32>,
    %get3A_1211 = arith.constant 0 : i32
    %get3A_1212 = arith.index_cast %get3A_1211 : i32 to index
    %get3A_1213 = arith.constant 432 : index
    %get3A_1214 = tpu.vector_load %arg7[%get3A_1212, %get3A_1213] {strides = array<i32>} : memref<1x4608xf32, #tpu.memory_space<vmem>>, vector<16xf32>,
    %add3A_1215 = arith.addf %gather3A, %get3A_1214 : vector<16xf32>
    %get3A_1216 = arith.constant 0 : i32
    %get3A_1217 = arith.index_cast %get3A_1216 : i32 to index
    %get3A_1218 = arith.constant 944 : index
    %get3A_1219 = tpu.vector_load %arg7[%get3A_1217, %get3A_1218] {strides = array<i32>} : memref<1x4608xf32, #tpu.memory_space<vmem>>, vector<16xf32>,
    %add3A_1220 = arith.addf %add3A_1215, %get3A_1219 : vector<16xf32>
    %get3A_1221 = arith.constant 0 : i32
    %get3A_1222 = arith.index_cast %get3A_1221 : i32 to index
    %get3A_1223 = arith.constant 1456 : index
    %get3A_1224 = tpu.vector_load %arg7[%get3A_1222, %get3A_1223] {strides = array<i32>} : memref<1x4608xf32, #tpu.memory_space<vmem>>, vector<16xf32>,
    %add3A_1225 = arith.addf %add3A_1220, %get3A_1224 : vector<16xf32>
    %get3A_1226 = arith.constant 0 : i32
    %get3A_1227 = arith.index_cast %get3A_1226 : i32 to index
    %get3A_1228 = arith.constant 1968 : index
    %get3A_1229 = tpu.vector_load %arg7[%get3A_1227, %get3A_1228] {strides = array<i32>} : memref<1x4608xf32, #tpu.memory_space<vmem>>, vector<16xf32>,
    %add3A_1230 = arith.addf %add3A_1225, %get3A_1229 : vector<16xf32>
    %get3A_1231 = arith.constant 0 : i32
    %get3A_1232 = arith.index_cast %get3A_1231 : i32 to index
    %get3A_1233 = arith.constant 2480 : index
    %get3A_1234 = tpu.vector_load %arg7[%get3A_1232, %get3A_1233] {strides = array<i32>} : memref<1x4608xf32, #tpu.memory_space<vmem>>, vector<16xf32>,
    %add3A_1235 = arith.addf %add3A_1230, %get3A_1234 : vector<16xf32>
    %get3A_1236 = arith.constant 0 : i32
    %get3A_1237 = arith.index_cast %get3A_1236 : i32 to index
    %get3A_1238 = arith.constant 2992 : index
    %get3A_1239 = tpu.vector_load %arg7[%get3A_1237, %get3A_1238] {strides = array<i32>} : memref<1x4608xf32, #tpu.memory_space<vmem>>, vector<16xf32>,
    %add3A_1240 = arith.addf %add3A_1235, %get3A_1239 : vector<16xf32>
    %swap3A_1241 = arith.constant 432 : index
    %swap3A_1242 = tpu.vector_load %arg8[%swap3A_1241] {strides = array<i32>} : memref<512xf32, #tpu.memory_space<vmem>>, vector<16xf32>,
    tpu.vector_store %arg8[%swap3A_1241], %add3A_1240 {strides = array<i32>} : memref<512xf32, #tpu.memory_space<vmem>>, vector<16xf32>,
    %get3A_1243 = arith.constant 0 : i32
    %get3A_1244 = arith.index_cast %get3A_1243 : i32 to index
    %get3A_1245 = arith.constant 448 : index
    %get3A_1246 = tpu.vector_load %arg7[%get3A_1244, %get3A_1245] {strides = array<i32>} : memref<1x4608xf32, #tpu.memory_space<vmem>>, vector<16xf32>,
    %add3A_1247 = arith.addf %gather3A, %get3A_1246 : vector<16xf32>
    %get3A_1248 = arith.constant 0 : i32
    %get3A_1249 = arith.index_cast %get3A_1248 : i32 to index
    %get3A_1250 = arith.constant 960 : index
    %get3A_1251 = tpu.vector_load %arg7[%get3A_1249, %get3A_1250] {strides = array<i32>} : memref<1x4608xf32, #tpu.memory_space<vmem>>, vector<16xf32>,
    %add3A_1252 = arith.addf %add3A_1247, %get3A_1251 : vector<16xf32>
    %get3A_1253 = arith.constant 0 : i32
    %get3A_1254 = arith.index_cast %get3A_1253 : i32 to index
    %get3A_1255 = arith.constant 1472 : index
    %get3A_1256 = tpu.vector_load %arg7[%get3A_1254, %get3A_1255] {strides = array<i32>} : memref<1x4608xf32, #tpu.memory_space<vmem>>, vector<16xf32>,
    %add3A_1257 = arith.addf %add3A_1252, %get3A_1256 : vector<16xf32>
    %get3A_1258 = arith.constant 0 : i32
    %get3A_1259 = arith.index_cast %get3A_1258 : i32 to index
    %get3A_1260 = arith.constant 1984 : index
    %get3A_1261 = tpu.vector_load %arg7[%get3A_1259, %get3A_1260] {strides = array<i32>} : memref<1x4608xf32, #tpu.memory_space<vmem>>, vector<16xf32>,
    %add3A_1262 = arith.addf %add3A_1257, %get3A_1261 : vector<16xf32>
    %get3A_1263 = arith.constant 0 : i32
    %get3A_1264 = arith.index_cast %get3A_1263 : i32 to index
    %get3A_1265 = arith.constant 2496 : index
    %get3A_1266 = tpu.vector_load %arg7[%get3A_1264, %get3A_1265] {strides = array<i32>} : memref<1x4608xf32, #tpu.memory_space<vmem>>, vector<16xf32>,
    %add3A_1267 = arith.addf %add3A_1262, %get3A_1266 : vector<16xf32>
    %get3A_1268 = arith.constant 0 : i32
    %get3A_1269 = arith.index_cast %get3A_1268 : i32 to index
    %get3A_1270 = arith.constant 3008 : index
    %get3A_1271 = tpu.vector_load %arg7[%get3A_1269, %get3A_1270] {strides = array<i32>} : memref<1x4608xf32, #tpu.memory_space<vmem>>, vector<16xf32>,
    %add3A_1272 = arith.addf %add3A_1267, %get3A_1271 : vector<16xf32>
    %swap3A_1273 = arith.constant 448 : index
    %swap3A_1274 = tpu.vector_load %arg8[%swap3A_1273] {strides = array<i32>} : memref<512xf32, #tpu.memory_space<vmem>>, vector<16xf32>,
    tpu.vector_store %arg8[%swap3A_1273], %add3A_1272 {strides = array<i32>} : memref<512xf32, #tpu.memory_space<vmem>>, vector<16xf32>,
    %get3A_1275 = arith.constant 0 : i32
    %get3A_1276 = arith.index_cast %get3A_1275 : i32 to index
    %get3A_1277 = arith.constant 464 : index
    %get3A_1278 = tpu.vector_load %arg7[%get3A_1276, %get3A_1277] {strides = array<i32>} : memref<1x4608xf32, #tpu.memory_space<vmem>>, vector<16xf32>,
    %add3A_1279 = arith.addf %gather3A, %get3A_1278 : vector<16xf32>
    %get3A_1280 = arith.constant 0 : i32
    %get3A_1281 = arith.index_cast %get3A_1280 : i32 to index
    %get3A_1282 = arith.constant 976 : index
    %get3A_1283 = tpu.vector_load %arg7[%get3A_1281, %get3A_1282] {strides = array<i32>} : memref<1x4608xf32, #tpu.memory_space<vmem>>, vector<16xf32>,
    %add3A_1284 = arith.addf %add3A_1279, %get3A_1283 : vector<16xf32>
    %get3A_1285 = arith.constant 0 : i32
    %get3A_1286 = arith.index_cast %get3A_1285 : i32 to index
    %get3A_1287 = arith.constant 1488 : index
    %get3A_1288 = tpu.vector_load %arg7[%get3A_1286, %get3A_1287] {strides = array<i32>} : memref<1x4608xf32, #tpu.memory_space<vmem>>, vector<16xf32>,
    %add3A_1289 = arith.addf %add3A_1284, %get3A_1288 : vector<16xf32>
    %get3A_1290 = arith.constant 0 : i32
    %get3A_1291 = arith.index_cast %get3A_1290 : i32 to index
    %get3A_1292 = arith.constant 2000 : index
    %get3A_1293 = tpu.vector_load %arg7[%get3A_1291, %get3A_1292] {strides = array<i32>} : memref<1x4608xf32, #tpu.memory_space<vmem>>, vector<16xf32>,
    %add3A_1294 = arith.addf %add3A_1289, %get3A_1293 : vector<16xf32>
    %get3A_1295 = arith.constant 0 : i32
    %get3A_1296 = arith.index_cast %get3A_1295 : i32 to index
    %get3A_1297 = arith.constant 2512 : index
    %get3A_1298 = tpu.vector_load %arg7[%get3A_1296, %get3A_1297] {strides = array<i32>} : memref<1x4608xf32, #tpu.memory_space<vmem>>, vector<16xf32>,
    %add3A_1299 = arith.addf %add3A_1294, %get3A_1298 : vector<16xf32>
    %get3A_1300 = arith.constant 0 : i32
    %get3A_1301 = arith.index_cast %get3A_1300 : i32 to index
    %get3A_1302 = arith.constant 3024 : index
    %get3A_1303 = tpu.vector_load %arg7[%get3A_1301, %get3A_1302] {strides = array<i32>} : memref<1x4608xf32, #tpu.memory_space<vmem>>, vector<16xf32>,
    %add3A_1304 = arith.addf %add3A_1299, %get3A_1303 : vector<16xf32>
    %swap3A_1305 = arith.constant 464 : index
    %swap3A_1306 = tpu.vector_load %arg8[%swap3A_1305] {strides = array<i32>} : memref<512xf32, #tpu.memory_space<vmem>>, vector<16xf32>,
    tpu.vector_store %arg8[%swap3A_1305], %add3A_1304 {strides = array<i32>} : memref<512xf32, #tpu.memory_space<vmem>>, vector<16xf32>,
    %get3A_1307 = arith.constant 0 : i32
    %get3A_1308 = arith.index_cast %get3A_1307 : i32 to index
    %get3A_1309 = arith.constant 480 : index
    %get3A_1310 = tpu.vector_load %arg7[%get3A_1308, %get3A_1309] {strides = array<i32>} : memref<1x4608xf32, #tpu.memory_space<vmem>>, vector<16xf32>,
    %add3A_1311 = arith.addf %gather3A, %get3A_1310 : vector<16xf32>
    %get3A_1312 = arith.constant 0 : i32
    %get3A_1313 = arith.index_cast %get3A_1312 : i32 to index
    %get3A_1314 = arith.constant 992 : index
    %get3A_1315 = tpu.vector_load %arg7[%get3A_1313, %get3A_1314] {strides = array<i32>} : memref<1x4608xf32, #tpu.memory_space<vmem>>, vector<16xf32>,
    %add3A_1316 = arith.addf %add3A_1311, %get3A_1315 : vector<16xf32>
    %get3A_1317 = arith.constant 0 : i32
    %get3A_1318 = arith.index_cast %get3A_1317 : i32 to index
    %get3A_1319 = arith.constant 1504 : index
    %get3A_1320 = tpu.vector_load %arg7[%get3A_1318, %get3A_1319] {strides = array<i32>} : memref<1x4608xf32, #tpu.memory_space<vmem>>, vector<16xf32>,
    %add3A_1321 = arith.addf %add3A_1316, %get3A_1320 : vector<16xf32>
    %get3A_1322 = arith.constant 0 : i32
    %get3A_1323 = arith.index_cast %get3A_1322 : i32 to index
    %get3A_1324 = arith.constant 2016 : index
    %get3A_1325 = tpu.vector_load %arg7[%get3A_1323, %get3A_1324] {strides = array<i32>} : memref<1x4608xf32, #tpu.memory_space<vmem>>, vector<16xf32>,
    %add3A_1326 = arith.addf %add3A_1321, %get3A_1325 : vector<16xf32>
    %get3A_1327 = arith.constant 0 : i32
    %get3A_1328 = arith.index_cast %get3A_1327 : i32 to index
    %get3A_1329 = arith.constant 2528 : index
    %get3A_1330 = tpu.vector_load %arg7[%get3A_1328, %get3A_1329] {strides = array<i32>} : memref<1x4608xf32, #tpu.memory_space<vmem>>, vector<16xf32>,
    %add3A_1331 = arith.addf %add3A_1326, %get3A_1330 : vector<16xf32>
    %get3A_1332 = arith.constant 0 : i32
    %get3A_1333 = arith.index_cast %get3A_1332 : i32 to index
    %get3A_1334 = arith.constant 3040 : index
    %get3A_1335 = tpu.vector_load %arg7[%get3A_1333, %get3A_1334] {strides = array<i32>} : memref<1x4608xf32, #tpu.memory_space<vmem>>, vector<16xf32>,
    %add3A_1336 = arith.addf %add3A_1331, %get3A_1335 : vector<16xf32>
    %swap3A_1337 = arith.constant 480 : index
    %swap3A_1338 = tpu.vector_load %arg8[%swap3A_1337] {strides = array<i32>} : memref<512xf32, #tpu.memory_space<vmem>>, vector<16xf32>,
    tpu.vector_store %arg8[%swap3A_1337], %add3A_1336 {strides = array<i32>} : memref<512xf32, #tpu.memory_space<vmem>>, vector<16xf32>,
    %get3A_1339 = arith.constant 0 : i32
    %get3A_1340 = arith.index_cast %get3A_1339 : i32 to index
    %get3A_1341 = arith.constant 496 : index
    %get3A_1342 = tpu.vector_load %arg7[%get3A_1340, %get3A_1341] {strides = array<i32>} : memref<1x4608xf32, #tpu.memory_space<vmem>>, vector<16xf32>,
    %add3A_1343 = arith.addf %gather3A, %get3A_1342 : vector<16xf32>
    %get3A_1344 = arith.constant 0 : i32
    %get3A_1345 = arith.index_cast %get3A_1344 : i32 to index
    %get3A_1346 = arith.constant 1008 : index
    %get3A_1347 = tpu.vector_load %arg7[%get3A_1345, %get3A_1346] {strides = array<i32>} : memref<1x4608xf32, #tpu.memory_space<vmem>>, vector<16xf32>,
    %add3A_1348 = arith.addf %add3A_1343, %get3A_1347 : vector<16xf32>
    %get3A_1349 = arith.constant 0 : i32
    %get3A_1350 = arith.index_cast %get3A_1349 : i32 to index
    %get3A_1351 = arith.constant 1520 : index
    %get3A_1352 = tpu.vector_load %arg7[%get3A_1350, %get3A_1351] {strides = array<i32>} : memref<1x4608xf32, #tpu.memory_space<vmem>>, vector<16xf32>,
    %add3A_1353 = arith.addf %add3A_1348, %get3A_1352 : vector<16xf32>
    %get3A_1354 = arith.constant 0 : i32
    %get3A_1355 = arith.index_cast %get3A_1354 : i32 to index
    %get3A_1356 = arith.constant 2032 : index
    %get3A_1357 = tpu.vector_load %arg7[%get3A_1355, %get3A_1356] {strides = array<i32>} : memref<1x4608xf32, #tpu.memory_space<vmem>>, vector<16xf32>,
    %add3A_1358 = arith.addf %add3A_1353, %get3A_1357 : vector<16xf32>
    %get3A_1359 = arith.constant 0 : i32
    %get3A_1360 = arith.index_cast %get3A_1359 : i32 to index
    %get3A_1361 = arith.constant 2544 : index
    %get3A_1362 = tpu.vector_load %arg7[%get3A_1360, %get3A_1361] {strides = array<i32>} : memref<1x4608xf32, #tpu.memory_space<vmem>>, vector<16xf32>,
    %add3A_1363 = arith.addf %add3A_1358, %get3A_1362 : vector<16xf32>
    %get3A_1364 = arith.constant 0 : i32
    %get3A_1365 = arith.index_cast %get3A_1364 : i32 to index
    %get3A_1366 = arith.constant 3056 : index
    %get3A_1367 = tpu.vector_load %arg7[%get3A_1365, %get3A_1366] {strides = array<i32>} : memref<1x4608xf32, #tpu.memory_space<vmem>>, vector<16xf32>,
    %add3A_1368 = arith.addf %add3A_1363, %get3A_1367 : vector<16xf32>
    %swap3A_1369 = arith.constant 496 : index
    %swap3A_1370 = tpu.vector_load %arg8[%swap3A_1369] {strides = array<i32>} : memref<512xf32, #tpu.memory_space<vmem>>, vector<16xf32>,
    tpu.vector_store %arg8[%swap3A_1369], %add3A_1368 {strides = array<i32>} : memref<512xf32, #tpu.memory_space<vmem>>, vector<16xf32>,
    %dma_wait3A_1371 = arith.constant 0 : i32
    %dma_wait3A_1372 = arith.constant 4608 : i32
    %dma_wait3A_1373 = tpu.memref_slice %arg6[%dma_wait3A_1371, %dma_wait3A_1372] : memref<1x6144xi32, #tpu.memory_space<vmem>> -> memref<1x512xi32, #tpu.memory_space<vmem>>
    %dma_wait3A_1374 = arith.constant 9 : i32
    %dma_wait3A_1375 = tpu.memref_slice %arg2[%dma_wait3A_1374, %mul3A_2] : memref<12x16384xi32, #tpu.memory_space<hbm>> -> memref<1x512xi32, #tpu.memory_space<hbm>>
    %dma_wait3A_1376 = arith.constant 0 : i32
    %dma_wait3A_1377 = arith.constant 4608 : i32
    %dma_wait3A_1378 = tpu.memref_slice %arg6[%dma_wait3A_1376, %dma_wait3A_1377] : memref<1x6144xi32, #tpu.memory_space<vmem>> -> memref<1x512xi32, #tpu.memory_space<vmem>>
    %dma_wait3A_1379 = arith.constant 9 : i32
    %dma_wait3A_1380 = tpu.memref_slice %arg2[%dma_wait3A_1379, %mul3A_2] : memref<12x16384xi32, #tpu.memory_space<hbm>> -> memref<1x512xi32, #tpu.memory_space<hbm>>
    tpu.wait_dma2 semaphore(%arg21 : memref<!tpu.dma_semaphore, #tpu.memory_space<semaphore_mem>>) src(%dma_wait3A_1380 : memref<1x512xi32, #tpu.memory_space<hbm>>) dst(%dma_wait3A_1378 : memref<1x512xi32, #tpu.memory_space<vmem>>)
    %dma_wait3A_1381 = arith.constant 0 : i32
    %dma_wait3A_1382 = arith.constant 5120 : i32
    %dma_wait3A_1383 = tpu.memref_slice %arg6[%dma_wait3A_1381, %dma_wait3A_1382] : memref<1x6144xi32, #tpu.memory_space<vmem>> -> memref<1x512xi32, #tpu.memory_space<vmem>>
    %dma_wait3A_1384 = arith.constant 10 : i32
    %dma_wait3A_1385 = tpu.memref_slice %arg2[%dma_wait3A_1384, %mul3A_2] : memref<12x16384xi32, #tpu.memory_space<hbm>> -> memref<1x512xi32, #tpu.memory_space<hbm>>
    %dma_wait3A_1386 = arith.constant 0 : i32
    %dma_wait3A_1387 = arith.constant 5120 : i32
    %dma_wait3A_1388 = tpu.memref_slice %arg6[%dma_wait3A_1386, %dma_wait3A_1387] : memref<1x6144xi32, #tpu.memory_space<vmem>> -> memref<1x512xi32, #tpu.memory_space<vmem>>
    %dma_wait3A_1389 = arith.constant 10 : i32
    %dma_wait3A_1390 = tpu.memref_slice %arg2[%dma_wait3A_1389, %mul3A_2] : memref<12x16384xi32, #tpu.memory_space<hbm>> -> memref<1x512xi32, #tpu.memory_space<hbm>>
    tpu.wait_dma2 semaphore(%arg22 : memref<!tpu.dma_semaphore, #tpu.memory_space<semaphore_mem>>) src(%dma_wait3A_1390 : memref<1x512xi32, #tpu.memory_space<hbm>>) dst(%dma_wait3A_1388 : memref<1x512xi32, #tpu.memory_space<vmem>>)
    %dma_wait3A_1391 = arith.constant 0 : i32
    %dma_wait3A_1392 = arith.constant 5632 : i32
    %dma_wait3A_1393 = tpu.memref_slice %arg6[%dma_wait3A_1391, %dma_wait3A_1392] : memref<1x6144xi32, #tpu.memory_space<vmem>> -> memref<1x512xi32, #tpu.memory_space<vmem>>
    %dma_wait3A_1394 = arith.constant 11 : i32
    %dma_wait3A_1395 = tpu.memref_slice %arg2[%dma_wait3A_1394, %mul3A_2] : memref<12x16384xi32, #tpu.memory_space<hbm>> -> memref<1x512xi32, #tpu.memory_space<hbm>>
    %dma_wait3A_1396 = arith.constant 0 : i32
    %dma_wait3A_1397 = arith.constant 5632 : i32
    %dma_wait3A_1398 = tpu.memref_slice %arg6[%dma_wait3A_1396, %dma_wait3A_1397] : memref<1x6144xi32, #tpu.memory_space<vmem>> -> memref<1x512xi32, #tpu.memory_space<vmem>>
    %dma_wait3A_1399 = arith.constant 11 : i32
    %dma_wait3A_1400 = tpu.memref_slice %arg2[%dma_wait3A_1399, %mul3A_2] : memref<12x16384xi32, #tpu.memory_space<hbm>> -> memref<1x512xi32, #tpu.memory_space<hbm>>
    tpu.wait_dma2 semaphore(%arg23 : memref<!tpu.dma_semaphore, #tpu.memory_space<semaphore_mem>>) src(%dma_wait3A_1400 : memref<1x512xi32, #tpu.memory_space<hbm>>) dst(%dma_wait3A_1398 : memref<1x512xi32, #tpu.memory_space<vmem>>)
    %dma_wait3A_1401 = arith.constant 0 : i32
    %dma_wait3A_1402 = arith.constant 3072 : i32
    %dma_wait3A_1403 = tpu.memref_slice %arg7[%dma_wait3A_1401, %dma_wait3A_1402] : memref<1x4608xf32, #tpu.memory_space<vmem>> -> memref<1x512xf32, #tpu.memory_space<vmem>>
    %dma_wait3A_1404 = arith.constant 0 : i32
    %dma_wait3A_1405 = arith.constant 3072 : i32
    %dma_wait3A_1406 = tpu.memref_slice %arg6[%dma_wait3A_1404, %dma_wait3A_1405] : memref<1x6144xi32, #tpu.memory_space<vmem>> -> memref<1x512xi32, #tpu.memory_space<vmem>>
    %dma_wait3A_1407 = arith.constant 0 : i32
    %dma_wait3A_1408 = arith.constant 0 : i32
    %dma_wait3A_1409 = tpu.memref_slice %arg3[%dma_wait3A_1407, %dma_wait3A_1408] : memref<1x1000000xf32, #tpu.memory_space<hbm>> -> memref<1x1000000xf32, #tpu.memory_space<hbm>>
    tpu.wait_indirect_dma semaphore(%arg11 : memref<!tpu.dma_semaphore, #tpu.memory_space<semaphore_mem>>) src(%dma_wait3A_1409 : memref<1x1000000xf32, #tpu.memory_space<hbm>>) dst(%dma_wait3A_1403 : memref<1x512xf32, #tpu.memory_space<vmem>>)
    %dma_wait3A_1410 = arith.constant 0 : i32
    %dma_wait3A_1411 = arith.constant 3584 : i32
    %dma_wait3A_1412 = tpu.memref_slice %arg7[%dma_wait3A_1410, %dma_wait3A_1411] : memref<1x4608xf32, #tpu.memory_space<vmem>> -> memref<1x512xf32, #tpu.memory_space<vmem>>
    %dma_wait3A_1413 = arith.constant 0 : i32
    %dma_wait3A_1414 = arith.constant 3584 : i32
    %dma_wait3A_1415 = tpu.memref_slice %arg6[%dma_wait3A_1413, %dma_wait3A_1414] : memref<1x6144xi32, #tpu.memory_space<vmem>> -> memref<1x512xi32, #tpu.memory_space<vmem>>
    %dma_wait3A_1416 = arith.constant 0 : i32
    %dma_wait3A_1417 = arith.constant 0 : i32
    %dma_wait3A_1418 = tpu.memref_slice %arg3[%dma_wait3A_1416, %dma_wait3A_1417] : memref<1x1000000xf32, #tpu.memory_space<hbm>> -> memref<1x1000000xf32, #tpu.memory_space<hbm>>
    tpu.wait_indirect_dma semaphore(%arg11 : memref<!tpu.dma_semaphore, #tpu.memory_space<semaphore_mem>>) src(%dma_wait3A_1418 : memref<1x1000000xf32, #tpu.memory_space<hbm>>) dst(%dma_wait3A_1412 : memref<1x512xf32, #tpu.memory_space<vmem>>)
    %dma_wait3A_1419 = arith.constant 0 : i32
    %dma_wait3A_1420 = arith.constant 4096 : i32
    %dma_wait3A_1421 = tpu.memref_slice %arg7[%dma_wait3A_1419, %dma_wait3A_1420] : memref<1x4608xf32, #tpu.memory_space<vmem>> -> memref<1x512xf32, #tpu.memory_space<vmem>>
    %dma_wait3A_1422 = arith.constant 0 : i32
    %dma_wait3A_1423 = arith.constant 4096 : i32
    %dma_wait3A_1424 = tpu.memref_slice %arg6[%dma_wait3A_1422, %dma_wait3A_1423] : memref<1x6144xi32, #tpu.memory_space<vmem>> -> memref<1x512xi32, #tpu.memory_space<vmem>>
    %dma_wait3A_1425 = arith.constant 0 : i32
    %dma_wait3A_1426 = arith.constant 0 : i32
    %dma_wait3A_1427 = tpu.memref_slice %arg3[%dma_wait3A_1425, %dma_wait3A_1426] : memref<1x1000000xf32, #tpu.memory_space<hbm>> -> memref<1x1000000xf32, #tpu.memory_space<hbm>>
    tpu.wait_indirect_dma semaphore(%arg11 : memref<!tpu.dma_semaphore, #tpu.memory_space<semaphore_mem>>) src(%dma_wait3A_1427 : memref<1x1000000xf32, #tpu.memory_space<hbm>>) dst(%dma_wait3A_1421 : memref<1x512xf32, #tpu.memory_space<vmem>>)
    %get3A_1428 = arith.constant 0 : index
    %get3A_1429 = tpu.vector_load %arg8[%get3A_1428] {strides = array<i32>} : memref<512xf32, #tpu.memory_space<vmem>>, vector<16xf32>,
    %get3A_1430 = arith.constant 0 : i32
    %get3A_1431 = arith.index_cast %get3A_1430 : i32 to index
    %get3A_1432 = arith.constant 3072 : index
    %get3A_1433 = tpu.vector_load %arg7[%get3A_1431, %get3A_1432] {strides = array<i32>} : memref<1x4608xf32, #tpu.memory_space<vmem>>, vector<16xf32>,
    %get3A_1434 = arith.constant 0 : i32
    %get3A_1435 = arith.index_cast %get3A_1434 : i32 to index
    %get3A_1436 = arith.constant 4608 : index
    %get3A_1437 = tpu.vector_load %arg6[%get3A_1435, %get3A_1436] {strides = array<i32>} : memref<1x6144xi32, #tpu.memory_space<vmem>>, vector<16xi32>,
    %convert_element_type3A = arith.sitofp %get3A_1437 : vector<16xi32> to vector<16xf32>
    %mul3A_1438 = arith.mulf %get3A_1433, %convert_element_type3A : vector<16xf32>
    %add3A_1439 = arith.addf %get3A_1429, %mul3A_1438 : vector<16xf32>
    %get3A_1440 = arith.constant 0 : i32
    %get3A_1441 = arith.index_cast %get3A_1440 : i32 to index
    %get3A_1442 = arith.constant 3584 : index
    %get3A_1443 = tpu.vector_load %arg7[%get3A_1441, %get3A_1442] {strides = array<i32>} : memref<1x4608xf32, #tpu.memory_space<vmem>>, vector<16xf32>,
    %get3A_1444 = arith.constant 0 : i32
    %get3A_1445 = arith.index_cast %get3A_1444 : i32 to index
    %get3A_1446 = arith.constant 5120 : index
    %get3A_1447 = tpu.vector_load %arg6[%get3A_1445, %get3A_1446] {strides = array<i32>} : memref<1x6144xi32, #tpu.memory_space<vmem>>, vector<16xi32>,
    %convert_element_type3A_1448 = arith.sitofp %get3A_1447 : vector<16xi32> to vector<16xf32>
    %mul3A_1449 = arith.mulf %get3A_1443, %convert_element_type3A_1448 : vector<16xf32>
    %add3A_1450 = arith.addf %add3A_1439, %mul3A_1449 : vector<16xf32>
    %get3A_1451 = arith.constant 0 : i32
    %get3A_1452 = arith.index_cast %get3A_1451 : i32 to index
    %get3A_1453 = arith.constant 4096 : index
    %get3A_1454 = tpu.vector_load %arg7[%get3A_1452, %get3A_1453] {strides = array<i32>} : memref<1x4608xf32, #tpu.memory_space<vmem>>, vector<16xf32>,
    %get3A_1455 = arith.constant 0 : i32
    %get3A_1456 = arith.index_cast %get3A_1455 : i32 to index
    %get3A_1457 = arith.constant 5632 : index
    %get3A_1458 = tpu.vector_load %arg6[%get3A_1456, %get3A_1457] {strides = array<i32>} : memref<1x6144xi32, #tpu.memory_space<vmem>>, vector<16xi32>,
    %convert_element_type3A_1459 = arith.sitofp %get3A_1458 : vector<16xi32> to vector<16xf32>
    %mul3A_1460 = arith.mulf %get3A_1454, %convert_element_type3A_1459 : vector<16xf32>
    %add3A_1461 = arith.addf %add3A_1450, %mul3A_1460 : vector<16xf32>
    %swap3A_1462 = arith.constant 0 : index
    %swap3A_1463 = tpu.vector_load %arg8[%swap3A_1462] {strides = array<i32>} : memref<512xf32, #tpu.memory_space<vmem>>, vector<16xf32>,
    tpu.vector_store %arg8[%swap3A_1462], %add3A_1461 {strides = array<i32>} : memref<512xf32, #tpu.memory_space<vmem>>, vector<16xf32>,
    %get3A_1464 = arith.constant 16 : index
    %get3A_1465 = tpu.vector_load %arg8[%get3A_1464] {strides = array<i32>} : memref<512xf32, #tpu.memory_space<vmem>>, vector<16xf32>,
    %get3A_1466 = arith.constant 0 : i32
    %get3A_1467 = arith.index_cast %get3A_1466 : i32 to index
    %get3A_1468 = arith.constant 3088 : index
    %get3A_1469 = tpu.vector_load %arg7[%get3A_1467, %get3A_1468] {strides = array<i32>} : memref<1x4608xf32, #tpu.memory_space<vmem>>, vector<16xf32>,
    %get3A_1470 = arith.constant 0 : i32
    %get3A_1471 = arith.index_cast %get3A_1470 : i32 to index
    %get3A_1472 = arith.constant 4624 : index
    %get3A_1473 = tpu.vector_load %arg6[%get3A_1471, %get3A_1472] {strides = array<i32>} : memref<1x6144xi32, #tpu.memory_space<vmem>>, vector<16xi32>,
    %convert_element_type3A_1474 = arith.sitofp %get3A_1473 : vector<16xi32> to vector<16xf32>
    %mul3A_1475 = arith.mulf %get3A_1469, %convert_element_type3A_1474 : vector<16xf32>
    %add3A_1476 = arith.addf %get3A_1465, %mul3A_1475 : vector<16xf32>
    %get3A_1477 = arith.constant 0 : i32
    %get3A_1478 = arith.index_cast %get3A_1477 : i32 to index
    %get3A_1479 = arith.constant 3600 : index
    %get3A_1480 = tpu.vector_load %arg7[%get3A_1478, %get3A_1479] {strides = array<i32>} : memref<1x4608xf32, #tpu.memory_space<vmem>>, vector<16xf32>,
    %get3A_1481 = arith.constant 0 : i32
    %get3A_1482 = arith.index_cast %get3A_1481 : i32 to index
    %get3A_1483 = arith.constant 5136 : index
    %get3A_1484 = tpu.vector_load %arg6[%get3A_1482, %get3A_1483] {strides = array<i32>} : memref<1x6144xi32, #tpu.memory_space<vmem>>, vector<16xi32>,
    %convert_element_type3A_1485 = arith.sitofp %get3A_1484 : vector<16xi32> to vector<16xf32>
    %mul3A_1486 = arith.mulf %get3A_1480, %convert_element_type3A_1485 : vector<16xf32>
    %add3A_1487 = arith.addf %add3A_1476, %mul3A_1486 : vector<16xf32>
    %get3A_1488 = arith.constant 0 : i32
    %get3A_1489 = arith.index_cast %get3A_1488 : i32 to index
    %get3A_1490 = arith.constant 4112 : index
    %get3A_1491 = tpu.vector_load %arg7[%get3A_1489, %get3A_1490] {strides = array<i32>} : memref<1x4608xf32, #tpu.memory_space<vmem>>, vector<16xf32>,
    %get3A_1492 = arith.constant 0 : i32
    %get3A_1493 = arith.index_cast %get3A_1492 : i32 to index
    %get3A_1494 = arith.constant 5648 : index
    %get3A_1495 = tpu.vector_load %arg6[%get3A_1493, %get3A_1494] {strides = array<i32>} : memref<1x6144xi32, #tpu.memory_space<vmem>>, vector<16xi32>,
    %convert_element_type3A_1496 = arith.sitofp %get3A_1495 : vector<16xi32> to vector<16xf32>
    %mul3A_1497 = arith.mulf %get3A_1491, %convert_element_type3A_1496 : vector<16xf32>
    %add3A_1498 = arith.addf %add3A_1487, %mul3A_1497 : vector<16xf32>
    %swap3A_1499 = arith.constant 16 : index
    %swap3A_1500 = tpu.vector_load %arg8[%swap3A_1499] {strides = array<i32>} : memref<512xf32, #tpu.memory_space<vmem>>, vector<16xf32>,
    tpu.vector_store %arg8[%swap3A_1499], %add3A_1498 {strides = array<i32>} : memref<512xf32, #tpu.memory_space<vmem>>, vector<16xf32>,
    %get3A_1501 = arith.constant 32 : index
    %get3A_1502 = tpu.vector_load %arg8[%get3A_1501] {strides = array<i32>} : memref<512xf32, #tpu.memory_space<vmem>>, vector<16xf32>,
    %get3A_1503 = arith.constant 0 : i32
    %get3A_1504 = arith.index_cast %get3A_1503 : i32 to index
    %get3A_1505 = arith.constant 3104 : index
    %get3A_1506 = tpu.vector_load %arg7[%get3A_1504, %get3A_1505] {strides = array<i32>} : memref<1x4608xf32, #tpu.memory_space<vmem>>, vector<16xf32>,
    %get3A_1507 = arith.constant 0 : i32
    %get3A_1508 = arith.index_cast %get3A_1507 : i32 to index
    %get3A_1509 = arith.constant 4640 : index
    %get3A_1510 = tpu.vector_load %arg6[%get3A_1508, %get3A_1509] {strides = array<i32>} : memref<1x6144xi32, #tpu.memory_space<vmem>>, vector<16xi32>,
    %convert_element_type3A_1511 = arith.sitofp %get3A_1510 : vector<16xi32> to vector<16xf32>
    %mul3A_1512 = arith.mulf %get3A_1506, %convert_element_type3A_1511 : vector<16xf32>
    %add3A_1513 = arith.addf %get3A_1502, %mul3A_1512 : vector<16xf32>
    %get3A_1514 = arith.constant 0 : i32
    %get3A_1515 = arith.index_cast %get3A_1514 : i32 to index
    %get3A_1516 = arith.constant 3616 : index
    %get3A_1517 = tpu.vector_load %arg7[%get3A_1515, %get3A_1516] {strides = array<i32>} : memref<1x4608xf32, #tpu.memory_space<vmem>>, vector<16xf32>,
    %get3A_1518 = arith.constant 0 : i32
    %get3A_1519 = arith.index_cast %get3A_1518 : i32 to index
    %get3A_1520 = arith.constant 5152 : index
    %get3A_1521 = tpu.vector_load %arg6[%get3A_1519, %get3A_1520] {strides = array<i32>} : memref<1x6144xi32, #tpu.memory_space<vmem>>, vector<16xi32>,
    %convert_element_type3A_1522 = arith.sitofp %get3A_1521 : vector<16xi32> to vector<16xf32>
    %mul3A_1523 = arith.mulf %get3A_1517, %convert_element_type3A_1522 : vector<16xf32>
    %add3A_1524 = arith.addf %add3A_1513, %mul3A_1523 : vector<16xf32>
    %get3A_1525 = arith.constant 0 : i32
    %get3A_1526 = arith.index_cast %get3A_1525 : i32 to index
    %get3A_1527 = arith.constant 4128 : index
    %get3A_1528 = tpu.vector_load %arg7[%get3A_1526, %get3A_1527] {strides = array<i32>} : memref<1x4608xf32, #tpu.memory_space<vmem>>, vector<16xf32>,
    %get3A_1529 = arith.constant 0 : i32
    %get3A_1530 = arith.index_cast %get3A_1529 : i32 to index
    %get3A_1531 = arith.constant 5664 : index
    %get3A_1532 = tpu.vector_load %arg6[%get3A_1530, %get3A_1531] {strides = array<i32>} : memref<1x6144xi32, #tpu.memory_space<vmem>>, vector<16xi32>,
    %convert_element_type3A_1533 = arith.sitofp %get3A_1532 : vector<16xi32> to vector<16xf32>
    %mul3A_1534 = arith.mulf %get3A_1528, %convert_element_type3A_1533 : vector<16xf32>
    %add3A_1535 = arith.addf %add3A_1524, %mul3A_1534 : vector<16xf32>
    %swap3A_1536 = arith.constant 32 : index
    %swap3A_1537 = tpu.vector_load %arg8[%swap3A_1536] {strides = array<i32>} : memref<512xf32, #tpu.memory_space<vmem>>, vector<16xf32>,
    tpu.vector_store %arg8[%swap3A_1536], %add3A_1535 {strides = array<i32>} : memref<512xf32, #tpu.memory_space<vmem>>, vector<16xf32>,
    %get3A_1538 = arith.constant 48 : index
    %get3A_1539 = tpu.vector_load %arg8[%get3A_1538] {strides = array<i32>} : memref<512xf32, #tpu.memory_space<vmem>>, vector<16xf32>,
    %get3A_1540 = arith.constant 0 : i32
    %get3A_1541 = arith.index_cast %get3A_1540 : i32 to index
    %get3A_1542 = arith.constant 3120 : index
    %get3A_1543 = tpu.vector_load %arg7[%get3A_1541, %get3A_1542] {strides = array<i32>} : memref<1x4608xf32, #tpu.memory_space<vmem>>, vector<16xf32>,
    %get3A_1544 = arith.constant 0 : i32
    %get3A_1545 = arith.index_cast %get3A_1544 : i32 to index
    %get3A_1546 = arith.constant 4656 : index
    %get3A_1547 = tpu.vector_load %arg6[%get3A_1545, %get3A_1546] {strides = array<i32>} : memref<1x6144xi32, #tpu.memory_space<vmem>>, vector<16xi32>,
    %convert_element_type3A_1548 = arith.sitofp %get3A_1547 : vector<16xi32> to vector<16xf32>
    %mul3A_1549 = arith.mulf %get3A_1543, %convert_element_type3A_1548 : vector<16xf32>
    %add3A_1550 = arith.addf %get3A_1539, %mul3A_1549 : vector<16xf32>
    %get3A_1551 = arith.constant 0 : i32
    %get3A_1552 = arith.index_cast %get3A_1551 : i32 to index
    %get3A_1553 = arith.constant 3632 : index
    %get3A_1554 = tpu.vector_load %arg7[%get3A_1552, %get3A_1553] {strides = array<i32>} : memref<1x4608xf32, #tpu.memory_space<vmem>>, vector<16xf32>,
    %get3A_1555 = arith.constant 0 : i32
    %get3A_1556 = arith.index_cast %get3A_1555 : i32 to index
    %get3A_1557 = arith.constant 5168 : index
    %get3A_1558 = tpu.vector_load %arg6[%get3A_1556, %get3A_1557] {strides = array<i32>} : memref<1x6144xi32, #tpu.memory_space<vmem>>, vector<16xi32>,
    %convert_element_type3A_1559 = arith.sitofp %get3A_1558 : vector<16xi32> to vector<16xf32>
    %mul3A_1560 = arith.mulf %get3A_1554, %convert_element_type3A_1559 : vector<16xf32>
    %add3A_1561 = arith.addf %add3A_1550, %mul3A_1560 : vector<16xf32>
    %get3A_1562 = arith.constant 0 : i32
    %get3A_1563 = arith.index_cast %get3A_1562 : i32 to index
    %get3A_1564 = arith.constant 4144 : index
    %get3A_1565 = tpu.vector_load %arg7[%get3A_1563, %get3A_1564] {strides = array<i32>} : memref<1x4608xf32, #tpu.memory_space<vmem>>, vector<16xf32>,
    %get3A_1566 = arith.constant 0 : i32
    %get3A_1567 = arith.index_cast %get3A_1566 : i32 to index
    %get3A_1568 = arith.constant 5680 : index
    %get3A_1569 = tpu.vector_load %arg6[%get3A_1567, %get3A_1568] {strides = array<i32>} : memref<1x6144xi32, #tpu.memory_space<vmem>>, vector<16xi32>,
    %convert_element_type3A_1570 = arith.sitofp %get3A_1569 : vector<16xi32> to vector<16xf32>
    %mul3A_1571 = arith.mulf %get3A_1565, %convert_element_type3A_1570 : vector<16xf32>
    %add3A_1572 = arith.addf %add3A_1561, %mul3A_1571 : vector<16xf32>
    %swap3A_1573 = arith.constant 48 : index
    %swap3A_1574 = tpu.vector_load %arg8[%swap3A_1573] {strides = array<i32>} : memref<512xf32, #tpu.memory_space<vmem>>, vector<16xf32>,
    tpu.vector_store %arg8[%swap3A_1573], %add3A_1572 {strides = array<i32>} : memref<512xf32, #tpu.memory_space<vmem>>, vector<16xf32>,
    %get3A_1575 = arith.constant 64 : index
    %get3A_1576 = tpu.vector_load %arg8[%get3A_1575] {strides = array<i32>} : memref<512xf32, #tpu.memory_space<vmem>>, vector<16xf32>,
    %get3A_1577 = arith.constant 0 : i32
    %get3A_1578 = arith.index_cast %get3A_1577 : i32 to index
    %get3A_1579 = arith.constant 3136 : index
    %get3A_1580 = tpu.vector_load %arg7[%get3A_1578, %get3A_1579] {strides = array<i32>} : memref<1x4608xf32, #tpu.memory_space<vmem>>, vector<16xf32>,
    %get3A_1581 = arith.constant 0 : i32
    %get3A_1582 = arith.index_cast %get3A_1581 : i32 to index
    %get3A_1583 = arith.constant 4672 : index
    %get3A_1584 = tpu.vector_load %arg6[%get3A_1582, %get3A_1583] {strides = array<i32>} : memref<1x6144xi32, #tpu.memory_space<vmem>>, vector<16xi32>,
    %convert_element_type3A_1585 = arith.sitofp %get3A_1584 : vector<16xi32> to vector<16xf32>
    %mul3A_1586 = arith.mulf %get3A_1580, %convert_element_type3A_1585 : vector<16xf32>
    %add3A_1587 = arith.addf %get3A_1576, %mul3A_1586 : vector<16xf32>
    %get3A_1588 = arith.constant 0 : i32
    %get3A_1589 = arith.index_cast %get3A_1588 : i32 to index
    %get3A_1590 = arith.constant 3648 : index
    %get3A_1591 = tpu.vector_load %arg7[%get3A_1589, %get3A_1590] {strides = array<i32>} : memref<1x4608xf32, #tpu.memory_space<vmem>>, vector<16xf32>,
    %get3A_1592 = arith.constant 0 : i32
    %get3A_1593 = arith.index_cast %get3A_1592 : i32 to index
    %get3A_1594 = arith.constant 5184 : index
    %get3A_1595 = tpu.vector_load %arg6[%get3A_1593, %get3A_1594] {strides = array<i32>} : memref<1x6144xi32, #tpu.memory_space<vmem>>, vector<16xi32>,
    %convert_element_type3A_1596 = arith.sitofp %get3A_1595 : vector<16xi32> to vector<16xf32>
    %mul3A_1597 = arith.mulf %get3A_1591, %convert_element_type3A_1596 : vector<16xf32>
    %add3A_1598 = arith.addf %add3A_1587, %mul3A_1597 : vector<16xf32>
    %get3A_1599 = arith.constant 0 : i32
    %get3A_1600 = arith.index_cast %get3A_1599 : i32 to index
    %get3A_1601 = arith.constant 4160 : index
    %get3A_1602 = tpu.vector_load %arg7[%get3A_1600, %get3A_1601] {strides = array<i32>} : memref<1x4608xf32, #tpu.memory_space<vmem>>, vector<16xf32>,
    %get3A_1603 = arith.constant 0 : i32
    %get3A_1604 = arith.index_cast %get3A_1603 : i32 to index
    %get3A_1605 = arith.constant 5696 : index
    %get3A_1606 = tpu.vector_load %arg6[%get3A_1604, %get3A_1605] {strides = array<i32>} : memref<1x6144xi32, #tpu.memory_space<vmem>>, vector<16xi32>,
    %convert_element_type3A_1607 = arith.sitofp %get3A_1606 : vector<16xi32> to vector<16xf32>
    %mul3A_1608 = arith.mulf %get3A_1602, %convert_element_type3A_1607 : vector<16xf32>
    %add3A_1609 = arith.addf %add3A_1598, %mul3A_1608 : vector<16xf32>
    %swap3A_1610 = arith.constant 64 : index
    %swap3A_1611 = tpu.vector_load %arg8[%swap3A_1610] {strides = array<i32>} : memref<512xf32, #tpu.memory_space<vmem>>, vector<16xf32>,
    tpu.vector_store %arg8[%swap3A_1610], %add3A_1609 {strides = array<i32>} : memref<512xf32, #tpu.memory_space<vmem>>, vector<16xf32>,
    %get3A_1612 = arith.constant 80 : index
    %get3A_1613 = tpu.vector_load %arg8[%get3A_1612] {strides = array<i32>} : memref<512xf32, #tpu.memory_space<vmem>>, vector<16xf32>,
    %get3A_1614 = arith.constant 0 : i32
    %get3A_1615 = arith.index_cast %get3A_1614 : i32 to index
    %get3A_1616 = arith.constant 3152 : index
    %get3A_1617 = tpu.vector_load %arg7[%get3A_1615, %get3A_1616] {strides = array<i32>} : memref<1x4608xf32, #tpu.memory_space<vmem>>, vector<16xf32>,
    %get3A_1618 = arith.constant 0 : i32
    %get3A_1619 = arith.index_cast %get3A_1618 : i32 to index
    %get3A_1620 = arith.constant 4688 : index
    %get3A_1621 = tpu.vector_load %arg6[%get3A_1619, %get3A_1620] {strides = array<i32>} : memref<1x6144xi32, #tpu.memory_space<vmem>>, vector<16xi32>,
    %convert_element_type3A_1622 = arith.sitofp %get3A_1621 : vector<16xi32> to vector<16xf32>
    %mul3A_1623 = arith.mulf %get3A_1617, %convert_element_type3A_1622 : vector<16xf32>
    %add3A_1624 = arith.addf %get3A_1613, %mul3A_1623 : vector<16xf32>
    %get3A_1625 = arith.constant 0 : i32
    %get3A_1626 = arith.index_cast %get3A_1625 : i32 to index
    %get3A_1627 = arith.constant 3664 : index
    %get3A_1628 = tpu.vector_load %arg7[%get3A_1626, %get3A_1627] {strides = array<i32>} : memref<1x4608xf32, #tpu.memory_space<vmem>>, vector<16xf32>,
    %get3A_1629 = arith.constant 0 : i32
    %get3A_1630 = arith.index_cast %get3A_1629 : i32 to index
    %get3A_1631 = arith.constant 5200 : index
    %get3A_1632 = tpu.vector_load %arg6[%get3A_1630, %get3A_1631] {strides = array<i32>} : memref<1x6144xi32, #tpu.memory_space<vmem>>, vector<16xi32>,
    %convert_element_type3A_1633 = arith.sitofp %get3A_1632 : vector<16xi32> to vector<16xf32>
    %mul3A_1634 = arith.mulf %get3A_1628, %convert_element_type3A_1633 : vector<16xf32>
    %add3A_1635 = arith.addf %add3A_1624, %mul3A_1634 : vector<16xf32>
    %get3A_1636 = arith.constant 0 : i32
    %get3A_1637 = arith.index_cast %get3A_1636 : i32 to index
    %get3A_1638 = arith.constant 4176 : index
    %get3A_1639 = tpu.vector_load %arg7[%get3A_1637, %get3A_1638] {strides = array<i32>} : memref<1x4608xf32, #tpu.memory_space<vmem>>, vector<16xf32>,
    %get3A_1640 = arith.constant 0 : i32
    %get3A_1641 = arith.index_cast %get3A_1640 : i32 to index
    %get3A_1642 = arith.constant 5712 : index
    %get3A_1643 = tpu.vector_load %arg6[%get3A_1641, %get3A_1642] {strides = array<i32>} : memref<1x6144xi32, #tpu.memory_space<vmem>>, vector<16xi32>,
    %convert_element_type3A_1644 = arith.sitofp %get3A_1643 : vector<16xi32> to vector<16xf32>
    %mul3A_1645 = arith.mulf %get3A_1639, %convert_element_type3A_1644 : vector<16xf32>
    %add3A_1646 = arith.addf %add3A_1635, %mul3A_1645 : vector<16xf32>
    %swap3A_1647 = arith.constant 80 : index
    %swap3A_1648 = tpu.vector_load %arg8[%swap3A_1647] {strides = array<i32>} : memref<512xf32, #tpu.memory_space<vmem>>, vector<16xf32>,
    tpu.vector_store %arg8[%swap3A_1647], %add3A_1646 {strides = array<i32>} : memref<512xf32, #tpu.memory_space<vmem>>, vector<16xf32>,
    %get3A_1649 = arith.constant 96 : index
    %get3A_1650 = tpu.vector_load %arg8[%get3A_1649] {strides = array<i32>} : memref<512xf32, #tpu.memory_space<vmem>>, vector<16xf32>,
    %get3A_1651 = arith.constant 0 : i32
    %get3A_1652 = arith.index_cast %get3A_1651 : i32 to index
    %get3A_1653 = arith.constant 3168 : index
    %get3A_1654 = tpu.vector_load %arg7[%get3A_1652, %get3A_1653] {strides = array<i32>} : memref<1x4608xf32, #tpu.memory_space<vmem>>, vector<16xf32>,
    %get3A_1655 = arith.constant 0 : i32
    %get3A_1656 = arith.index_cast %get3A_1655 : i32 to index
    %get3A_1657 = arith.constant 4704 : index
    %get3A_1658 = tpu.vector_load %arg6[%get3A_1656, %get3A_1657] {strides = array<i32>} : memref<1x6144xi32, #tpu.memory_space<vmem>>, vector<16xi32>,
    %convert_element_type3A_1659 = arith.sitofp %get3A_1658 : vector<16xi32> to vector<16xf32>
    %mul3A_1660 = arith.mulf %get3A_1654, %convert_element_type3A_1659 : vector<16xf32>
    %add3A_1661 = arith.addf %get3A_1650, %mul3A_1660 : vector<16xf32>
    %get3A_1662 = arith.constant 0 : i32
    %get3A_1663 = arith.index_cast %get3A_1662 : i32 to index
    %get3A_1664 = arith.constant 3680 : index
    %get3A_1665 = tpu.vector_load %arg7[%get3A_1663, %get3A_1664] {strides = array<i32>} : memref<1x4608xf32, #tpu.memory_space<vmem>>, vector<16xf32>,
    %get3A_1666 = arith.constant 0 : i32
    %get3A_1667 = arith.index_cast %get3A_1666 : i32 to index
    %get3A_1668 = arith.constant 5216 : index
    %get3A_1669 = tpu.vector_load %arg6[%get3A_1667, %get3A_1668] {strides = array<i32>} : memref<1x6144xi32, #tpu.memory_space<vmem>>, vector<16xi32>,
    %convert_element_type3A_1670 = arith.sitofp %get3A_1669 : vector<16xi32> to vector<16xf32>
    %mul3A_1671 = arith.mulf %get3A_1665, %convert_element_type3A_1670 : vector<16xf32>
    %add3A_1672 = arith.addf %add3A_1661, %mul3A_1671 : vector<16xf32>
    %get3A_1673 = arith.constant 0 : i32
    %get3A_1674 = arith.index_cast %get3A_1673 : i32 to index
    %get3A_1675 = arith.constant 4192 : index
    %get3A_1676 = tpu.vector_load %arg7[%get3A_1674, %get3A_1675] {strides = array<i32>} : memref<1x4608xf32, #tpu.memory_space<vmem>>, vector<16xf32>,
    %get3A_1677 = arith.constant 0 : i32
    %get3A_1678 = arith.index_cast %get3A_1677 : i32 to index
    %get3A_1679 = arith.constant 5728 : index
    %get3A_1680 = tpu.vector_load %arg6[%get3A_1678, %get3A_1679] {strides = array<i32>} : memref<1x6144xi32, #tpu.memory_space<vmem>>, vector<16xi32>,
    %convert_element_type3A_1681 = arith.sitofp %get3A_1680 : vector<16xi32> to vector<16xf32>
    %mul3A_1682 = arith.mulf %get3A_1676, %convert_element_type3A_1681 : vector<16xf32>
    %add3A_1683 = arith.addf %add3A_1672, %mul3A_1682 : vector<16xf32>
    %swap3A_1684 = arith.constant 96 : index
    %swap3A_1685 = tpu.vector_load %arg8[%swap3A_1684] {strides = array<i32>} : memref<512xf32, #tpu.memory_space<vmem>>, vector<16xf32>,
    tpu.vector_store %arg8[%swap3A_1684], %add3A_1683 {strides = array<i32>} : memref<512xf32, #tpu.memory_space<vmem>>, vector<16xf32>,
    %get3A_1686 = arith.constant 112 : index
    %get3A_1687 = tpu.vector_load %arg8[%get3A_1686] {strides = array<i32>} : memref<512xf32, #tpu.memory_space<vmem>>, vector<16xf32>,
    %get3A_1688 = arith.constant 0 : i32
    %get3A_1689 = arith.index_cast %get3A_1688 : i32 to index
    %get3A_1690 = arith.constant 3184 : index
    %get3A_1691 = tpu.vector_load %arg7[%get3A_1689, %get3A_1690] {strides = array<i32>} : memref<1x4608xf32, #tpu.memory_space<vmem>>, vector<16xf32>,
    %get3A_1692 = arith.constant 0 : i32
    %get3A_1693 = arith.index_cast %get3A_1692 : i32 to index
    %get3A_1694 = arith.constant 4720 : index
    %get3A_1695 = tpu.vector_load %arg6[%get3A_1693, %get3A_1694] {strides = array<i32>} : memref<1x6144xi32, #tpu.memory_space<vmem>>, vector<16xi32>,
    %convert_element_type3A_1696 = arith.sitofp %get3A_1695 : vector<16xi32> to vector<16xf32>
    %mul3A_1697 = arith.mulf %get3A_1691, %convert_element_type3A_1696 : vector<16xf32>
    %add3A_1698 = arith.addf %get3A_1687, %mul3A_1697 : vector<16xf32>
    %get3A_1699 = arith.constant 0 : i32
    %get3A_1700 = arith.index_cast %get3A_1699 : i32 to index
    %get3A_1701 = arith.constant 3696 : index
    %get3A_1702 = tpu.vector_load %arg7[%get3A_1700, %get3A_1701] {strides = array<i32>} : memref<1x4608xf32, #tpu.memory_space<vmem>>, vector<16xf32>,
    %get3A_1703 = arith.constant 0 : i32
    %get3A_1704 = arith.index_cast %get3A_1703 : i32 to index
    %get3A_1705 = arith.constant 5232 : index
    %get3A_1706 = tpu.vector_load %arg6[%get3A_1704, %get3A_1705] {strides = array<i32>} : memref<1x6144xi32, #tpu.memory_space<vmem>>, vector<16xi32>,
    %convert_element_type3A_1707 = arith.sitofp %get3A_1706 : vector<16xi32> to vector<16xf32>
    %mul3A_1708 = arith.mulf %get3A_1702, %convert_element_type3A_1707 : vector<16xf32>
    %add3A_1709 = arith.addf %add3A_1698, %mul3A_1708 : vector<16xf32>
    %get3A_1710 = arith.constant 0 : i32
    %get3A_1711 = arith.index_cast %get3A_1710 : i32 to index
    %get3A_1712 = arith.constant 4208 : index
    %get3A_1713 = tpu.vector_load %arg7[%get3A_1711, %get3A_1712] {strides = array<i32>} : memref<1x4608xf32, #tpu.memory_space<vmem>>, vector<16xf32>,
    %get3A_1714 = arith.constant 0 : i32
    %get3A_1715 = arith.index_cast %get3A_1714 : i32 to index
    %get3A_1716 = arith.constant 5744 : index
    %get3A_1717 = tpu.vector_load %arg6[%get3A_1715, %get3A_1716] {strides = array<i32>} : memref<1x6144xi32, #tpu.memory_space<vmem>>, vector<16xi32>,
    %convert_element_type3A_1718 = arith.sitofp %get3A_1717 : vector<16xi32> to vector<16xf32>
    %mul3A_1719 = arith.mulf %get3A_1713, %convert_element_type3A_1718 : vector<16xf32>
    %add3A_1720 = arith.addf %add3A_1709, %mul3A_1719 : vector<16xf32>
    %swap3A_1721 = arith.constant 112 : index
    %swap3A_1722 = tpu.vector_load %arg8[%swap3A_1721] {strides = array<i32>} : memref<512xf32, #tpu.memory_space<vmem>>, vector<16xf32>,
    tpu.vector_store %arg8[%swap3A_1721], %add3A_1720 {strides = array<i32>} : memref<512xf32, #tpu.memory_space<vmem>>, vector<16xf32>,
    %get3A_1723 = arith.constant 128 : index
    %get3A_1724 = tpu.vector_load %arg8[%get3A_1723] {strides = array<i32>} : memref<512xf32, #tpu.memory_space<vmem>>, vector<16xf32>,
    %get3A_1725 = arith.constant 0 : i32
    %get3A_1726 = arith.index_cast %get3A_1725 : i32 to index
    %get3A_1727 = arith.constant 3200 : index
    %get3A_1728 = tpu.vector_load %arg7[%get3A_1726, %get3A_1727] {strides = array<i32>} : memref<1x4608xf32, #tpu.memory_space<vmem>>, vector<16xf32>,
    %get3A_1729 = arith.constant 0 : i32
    %get3A_1730 = arith.index_cast %get3A_1729 : i32 to index
    %get3A_1731 = arith.constant 4736 : index
    %get3A_1732 = tpu.vector_load %arg6[%get3A_1730, %get3A_1731] {strides = array<i32>} : memref<1x6144xi32, #tpu.memory_space<vmem>>, vector<16xi32>,
    %convert_element_type3A_1733 = arith.sitofp %get3A_1732 : vector<16xi32> to vector<16xf32>
    %mul3A_1734 = arith.mulf %get3A_1728, %convert_element_type3A_1733 : vector<16xf32>
    %add3A_1735 = arith.addf %get3A_1724, %mul3A_1734 : vector<16xf32>
    %get3A_1736 = arith.constant 0 : i32
    %get3A_1737 = arith.index_cast %get3A_1736 : i32 to index
    %get3A_1738 = arith.constant 3712 : index
    %get3A_1739 = tpu.vector_load %arg7[%get3A_1737, %get3A_1738] {strides = array<i32>} : memref<1x4608xf32, #tpu.memory_space<vmem>>, vector<16xf32>,
    %get3A_1740 = arith.constant 0 : i32
    %get3A_1741 = arith.index_cast %get3A_1740 : i32 to index
    %get3A_1742 = arith.constant 5248 : index
    %get3A_1743 = tpu.vector_load %arg6[%get3A_1741, %get3A_1742] {strides = array<i32>} : memref<1x6144xi32, #tpu.memory_space<vmem>>, vector<16xi32>,
    %convert_element_type3A_1744 = arith.sitofp %get3A_1743 : vector<16xi32> to vector<16xf32>
    %mul3A_1745 = arith.mulf %get3A_1739, %convert_element_type3A_1744 : vector<16xf32>
    %add3A_1746 = arith.addf %add3A_1735, %mul3A_1745 : vector<16xf32>
    %get3A_1747 = arith.constant 0 : i32
    %get3A_1748 = arith.index_cast %get3A_1747 : i32 to index
    %get3A_1749 = arith.constant 4224 : index
    %get3A_1750 = tpu.vector_load %arg7[%get3A_1748, %get3A_1749] {strides = array<i32>} : memref<1x4608xf32, #tpu.memory_space<vmem>>, vector<16xf32>,
    %get3A_1751 = arith.constant 0 : i32
    %get3A_1752 = arith.index_cast %get3A_1751 : i32 to index
    %get3A_1753 = arith.constant 5760 : index
    %get3A_1754 = tpu.vector_load %arg6[%get3A_1752, %get3A_1753] {strides = array<i32>} : memref<1x6144xi32, #tpu.memory_space<vmem>>, vector<16xi32>,
    %convert_element_type3A_1755 = arith.sitofp %get3A_1754 : vector<16xi32> to vector<16xf32>
    %mul3A_1756 = arith.mulf %get3A_1750, %convert_element_type3A_1755 : vector<16xf32>
    %add3A_1757 = arith.addf %add3A_1746, %mul3A_1756 : vector<16xf32>
    %swap3A_1758 = arith.constant 128 : index
    %swap3A_1759 = tpu.vector_load %arg8[%swap3A_1758] {strides = array<i32>} : memref<512xf32, #tpu.memory_space<vmem>>, vector<16xf32>,
    tpu.vector_store %arg8[%swap3A_1758], %add3A_1757 {strides = array<i32>} : memref<512xf32, #tpu.memory_space<vmem>>, vector<16xf32>,
    %get3A_1760 = arith.constant 144 : index
    %get3A_1761 = tpu.vector_load %arg8[%get3A_1760] {strides = array<i32>} : memref<512xf32, #tpu.memory_space<vmem>>, vector<16xf32>,
    %get3A_1762 = arith.constant 0 : i32
    %get3A_1763 = arith.index_cast %get3A_1762 : i32 to index
    %get3A_1764 = arith.constant 3216 : index
    %get3A_1765 = tpu.vector_load %arg7[%get3A_1763, %get3A_1764] {strides = array<i32>} : memref<1x4608xf32, #tpu.memory_space<vmem>>, vector<16xf32>,
    %get3A_1766 = arith.constant 0 : i32
    %get3A_1767 = arith.index_cast %get3A_1766 : i32 to index
    %get3A_1768 = arith.constant 4752 : index
    %get3A_1769 = tpu.vector_load %arg6[%get3A_1767, %get3A_1768] {strides = array<i32>} : memref<1x6144xi32, #tpu.memory_space<vmem>>, vector<16xi32>,
    %convert_element_type3A_1770 = arith.sitofp %get3A_1769 : vector<16xi32> to vector<16xf32>
    %mul3A_1771 = arith.mulf %get3A_1765, %convert_element_type3A_1770 : vector<16xf32>
    %add3A_1772 = arith.addf %get3A_1761, %mul3A_1771 : vector<16xf32>
    %get3A_1773 = arith.constant 0 : i32
    %get3A_1774 = arith.index_cast %get3A_1773 : i32 to index
    %get3A_1775 = arith.constant 3728 : index
    %get3A_1776 = tpu.vector_load %arg7[%get3A_1774, %get3A_1775] {strides = array<i32>} : memref<1x4608xf32, #tpu.memory_space<vmem>>, vector<16xf32>,
    %get3A_1777 = arith.constant 0 : i32
    %get3A_1778 = arith.index_cast %get3A_1777 : i32 to index
    %get3A_1779 = arith.constant 5264 : index
    %get3A_1780 = tpu.vector_load %arg6[%get3A_1778, %get3A_1779] {strides = array<i32>} : memref<1x6144xi32, #tpu.memory_space<vmem>>, vector<16xi32>,
    %convert_element_type3A_1781 = arith.sitofp %get3A_1780 : vector<16xi32> to vector<16xf32>
    %mul3A_1782 = arith.mulf %get3A_1776, %convert_element_type3A_1781 : vector<16xf32>
    %add3A_1783 = arith.addf %add3A_1772, %mul3A_1782 : vector<16xf32>
    %get3A_1784 = arith.constant 0 : i32
    %get3A_1785 = arith.index_cast %get3A_1784 : i32 to index
    %get3A_1786 = arith.constant 4240 : index
    %get3A_1787 = tpu.vector_load %arg7[%get3A_1785, %get3A_1786] {strides = array<i32>} : memref<1x4608xf32, #tpu.memory_space<vmem>>, vector<16xf32>,
    %get3A_1788 = arith.constant 0 : i32
    %get3A_1789 = arith.index_cast %get3A_1788 : i32 to index
    %get3A_1790 = arith.constant 5776 : index
    %get3A_1791 = tpu.vector_load %arg6[%get3A_1789, %get3A_1790] {strides = array<i32>} : memref<1x6144xi32, #tpu.memory_space<vmem>>, vector<16xi32>,
    %convert_element_type3A_1792 = arith.sitofp %get3A_1791 : vector<16xi32> to vector<16xf32>
    %mul3A_1793 = arith.mulf %get3A_1787, %convert_element_type3A_1792 : vector<16xf32>
    %add3A_1794 = arith.addf %add3A_1783, %mul3A_1793 : vector<16xf32>
    %swap3A_1795 = arith.constant 144 : index
    %swap3A_1796 = tpu.vector_load %arg8[%swap3A_1795] {strides = array<i32>} : memref<512xf32, #tpu.memory_space<vmem>>, vector<16xf32>,
    tpu.vector_store %arg8[%swap3A_1795], %add3A_1794 {strides = array<i32>} : memref<512xf32, #tpu.memory_space<vmem>>, vector<16xf32>,
    %get3A_1797 = arith.constant 160 : index
    %get3A_1798 = tpu.vector_load %arg8[%get3A_1797] {strides = array<i32>} : memref<512xf32, #tpu.memory_space<vmem>>, vector<16xf32>,
    %get3A_1799 = arith.constant 0 : i32
    %get3A_1800 = arith.index_cast %get3A_1799 : i32 to index
    %get3A_1801 = arith.constant 3232 : index
    %get3A_1802 = tpu.vector_load %arg7[%get3A_1800, %get3A_1801] {strides = array<i32>} : memref<1x4608xf32, #tpu.memory_space<vmem>>, vector<16xf32>,
    %get3A_1803 = arith.constant 0 : i32
    %get3A_1804 = arith.index_cast %get3A_1803 : i32 to index
    %get3A_1805 = arith.constant 4768 : index
    %get3A_1806 = tpu.vector_load %arg6[%get3A_1804, %get3A_1805] {strides = array<i32>} : memref<1x6144xi32, #tpu.memory_space<vmem>>, vector<16xi32>,
    %convert_element_type3A_1807 = arith.sitofp %get3A_1806 : vector<16xi32> to vector<16xf32>
    %mul3A_1808 = arith.mulf %get3A_1802, %convert_element_type3A_1807 : vector<16xf32>
    %add3A_1809 = arith.addf %get3A_1798, %mul3A_1808 : vector<16xf32>
    %get3A_1810 = arith.constant 0 : i32
    %get3A_1811 = arith.index_cast %get3A_1810 : i32 to index
    %get3A_1812 = arith.constant 3744 : index
    %get3A_1813 = tpu.vector_load %arg7[%get3A_1811, %get3A_1812] {strides = array<i32>} : memref<1x4608xf32, #tpu.memory_space<vmem>>, vector<16xf32>,
    %get3A_1814 = arith.constant 0 : i32
    %get3A_1815 = arith.index_cast %get3A_1814 : i32 to index
    %get3A_1816 = arith.constant 5280 : index
    %get3A_1817 = tpu.vector_load %arg6[%get3A_1815, %get3A_1816] {strides = array<i32>} : memref<1x6144xi32, #tpu.memory_space<vmem>>, vector<16xi32>,
    %convert_element_type3A_1818 = arith.sitofp %get3A_1817 : vector<16xi32> to vector<16xf32>
    %mul3A_1819 = arith.mulf %get3A_1813, %convert_element_type3A_1818 : vector<16xf32>
    %add3A_1820 = arith.addf %add3A_1809, %mul3A_1819 : vector<16xf32>
    %get3A_1821 = arith.constant 0 : i32
    %get3A_1822 = arith.index_cast %get3A_1821 : i32 to index
    %get3A_1823 = arith.constant 4256 : index
    %get3A_1824 = tpu.vector_load %arg7[%get3A_1822, %get3A_1823] {strides = array<i32>} : memref<1x4608xf32, #tpu.memory_space<vmem>>, vector<16xf32>,
    %get3A_1825 = arith.constant 0 : i32
    %get3A_1826 = arith.index_cast %get3A_1825 : i32 to index
    %get3A_1827 = arith.constant 5792 : index
    %get3A_1828 = tpu.vector_load %arg6[%get3A_1826, %get3A_1827] {strides = array<i32>} : memref<1x6144xi32, #tpu.memory_space<vmem>>, vector<16xi32>,
    %convert_element_type3A_1829 = arith.sitofp %get3A_1828 : vector<16xi32> to vector<16xf32>
    %mul3A_1830 = arith.mulf %get3A_1824, %convert_element_type3A_1829 : vector<16xf32>
    %add3A_1831 = arith.addf %add3A_1820, %mul3A_1830 : vector<16xf32>
    %swap3A_1832 = arith.constant 160 : index
    %swap3A_1833 = tpu.vector_load %arg8[%swap3A_1832] {strides = array<i32>} : memref<512xf32, #tpu.memory_space<vmem>>, vector<16xf32>,
    tpu.vector_store %arg8[%swap3A_1832], %add3A_1831 {strides = array<i32>} : memref<512xf32, #tpu.memory_space<vmem>>, vector<16xf32>,
    %get3A_1834 = arith.constant 176 : index
    %get3A_1835 = tpu.vector_load %arg8[%get3A_1834] {strides = array<i32>} : memref<512xf32, #tpu.memory_space<vmem>>, vector<16xf32>,
    %get3A_1836 = arith.constant 0 : i32
    %get3A_1837 = arith.index_cast %get3A_1836 : i32 to index
    %get3A_1838 = arith.constant 3248 : index
    %get3A_1839 = tpu.vector_load %arg7[%get3A_1837, %get3A_1838] {strides = array<i32>} : memref<1x4608xf32, #tpu.memory_space<vmem>>, vector<16xf32>,
    %get3A_1840 = arith.constant 0 : i32
    %get3A_1841 = arith.index_cast %get3A_1840 : i32 to index
    %get3A_1842 = arith.constant 4784 : index
    %get3A_1843 = tpu.vector_load %arg6[%get3A_1841, %get3A_1842] {strides = array<i32>} : memref<1x6144xi32, #tpu.memory_space<vmem>>, vector<16xi32>,
    %convert_element_type3A_1844 = arith.sitofp %get3A_1843 : vector<16xi32> to vector<16xf32>
    %mul3A_1845 = arith.mulf %get3A_1839, %convert_element_type3A_1844 : vector<16xf32>
    %add3A_1846 = arith.addf %get3A_1835, %mul3A_1845 : vector<16xf32>
    %get3A_1847 = arith.constant 0 : i32
    %get3A_1848 = arith.index_cast %get3A_1847 : i32 to index
    %get3A_1849 = arith.constant 3760 : index
    %get3A_1850 = tpu.vector_load %arg7[%get3A_1848, %get3A_1849] {strides = array<i32>} : memref<1x4608xf32, #tpu.memory_space<vmem>>, vector<16xf32>,
    %get3A_1851 = arith.constant 0 : i32
    %get3A_1852 = arith.index_cast %get3A_1851 : i32 to index
    %get3A_1853 = arith.constant 5296 : index
    %get3A_1854 = tpu.vector_load %arg6[%get3A_1852, %get3A_1853] {strides = array<i32>} : memref<1x6144xi32, #tpu.memory_space<vmem>>, vector<16xi32>,
    %convert_element_type3A_1855 = arith.sitofp %get3A_1854 : vector<16xi32> to vector<16xf32>
    %mul3A_1856 = arith.mulf %get3A_1850, %convert_element_type3A_1855 : vector<16xf32>
    %add3A_1857 = arith.addf %add3A_1846, %mul3A_1856 : vector<16xf32>
    %get3A_1858 = arith.constant 0 : i32
    %get3A_1859 = arith.index_cast %get3A_1858 : i32 to index
    %get3A_1860 = arith.constant 4272 : index
    %get3A_1861 = tpu.vector_load %arg7[%get3A_1859, %get3A_1860] {strides = array<i32>} : memref<1x4608xf32, #tpu.memory_space<vmem>>, vector<16xf32>,
    %get3A_1862 = arith.constant 0 : i32
    %get3A_1863 = arith.index_cast %get3A_1862 : i32 to index
    %get3A_1864 = arith.constant 5808 : index
    %get3A_1865 = tpu.vector_load %arg6[%get3A_1863, %get3A_1864] {strides = array<i32>} : memref<1x6144xi32, #tpu.memory_space<vmem>>, vector<16xi32>,
    %convert_element_type3A_1866 = arith.sitofp %get3A_1865 : vector<16xi32> to vector<16xf32>
    %mul3A_1867 = arith.mulf %get3A_1861, %convert_element_type3A_1866 : vector<16xf32>
    %add3A_1868 = arith.addf %add3A_1857, %mul3A_1867 : vector<16xf32>
    %swap3A_1869 = arith.constant 176 : index
    %swap3A_1870 = tpu.vector_load %arg8[%swap3A_1869] {strides = array<i32>} : memref<512xf32, #tpu.memory_space<vmem>>, vector<16xf32>,
    tpu.vector_store %arg8[%swap3A_1869], %add3A_1868 {strides = array<i32>} : memref<512xf32, #tpu.memory_space<vmem>>, vector<16xf32>,
    %get3A_1871 = arith.constant 192 : index
    %get3A_1872 = tpu.vector_load %arg8[%get3A_1871] {strides = array<i32>} : memref<512xf32, #tpu.memory_space<vmem>>, vector<16xf32>,
    %get3A_1873 = arith.constant 0 : i32
    %get3A_1874 = arith.index_cast %get3A_1873 : i32 to index
    %get3A_1875 = arith.constant 3264 : index
    %get3A_1876 = tpu.vector_load %arg7[%get3A_1874, %get3A_1875] {strides = array<i32>} : memref<1x4608xf32, #tpu.memory_space<vmem>>, vector<16xf32>,
    %get3A_1877 = arith.constant 0 : i32
    %get3A_1878 = arith.index_cast %get3A_1877 : i32 to index
    %get3A_1879 = arith.constant 4800 : index
    %get3A_1880 = tpu.vector_load %arg6[%get3A_1878, %get3A_1879] {strides = array<i32>} : memref<1x6144xi32, #tpu.memory_space<vmem>>, vector<16xi32>,
    %convert_element_type3A_1881 = arith.sitofp %get3A_1880 : vector<16xi32> to vector<16xf32>
    %mul3A_1882 = arith.mulf %get3A_1876, %convert_element_type3A_1881 : vector<16xf32>
    %add3A_1883 = arith.addf %get3A_1872, %mul3A_1882 : vector<16xf32>
    %get3A_1884 = arith.constant 0 : i32
    %get3A_1885 = arith.index_cast %get3A_1884 : i32 to index
    %get3A_1886 = arith.constant 3776 : index
    %get3A_1887 = tpu.vector_load %arg7[%get3A_1885, %get3A_1886] {strides = array<i32>} : memref<1x4608xf32, #tpu.memory_space<vmem>>, vector<16xf32>,
    %get3A_1888 = arith.constant 0 : i32
    %get3A_1889 = arith.index_cast %get3A_1888 : i32 to index
    %get3A_1890 = arith.constant 5312 : index
    %get3A_1891 = tpu.vector_load %arg6[%get3A_1889, %get3A_1890] {strides = array<i32>} : memref<1x6144xi32, #tpu.memory_space<vmem>>, vector<16xi32>,
    %convert_element_type3A_1892 = arith.sitofp %get3A_1891 : vector<16xi32> to vector<16xf32>
    %mul3A_1893 = arith.mulf %get3A_1887, %convert_element_type3A_1892 : vector<16xf32>
    %add3A_1894 = arith.addf %add3A_1883, %mul3A_1893 : vector<16xf32>
    %get3A_1895 = arith.constant 0 : i32
    %get3A_1896 = arith.index_cast %get3A_1895 : i32 to index
    %get3A_1897 = arith.constant 4288 : index
    %get3A_1898 = tpu.vector_load %arg7[%get3A_1896, %get3A_1897] {strides = array<i32>} : memref<1x4608xf32, #tpu.memory_space<vmem>>, vector<16xf32>,
    %get3A_1899 = arith.constant 0 : i32
    %get3A_1900 = arith.index_cast %get3A_1899 : i32 to index
    %get3A_1901 = arith.constant 5824 : index
    %get3A_1902 = tpu.vector_load %arg6[%get3A_1900, %get3A_1901] {strides = array<i32>} : memref<1x6144xi32, #tpu.memory_space<vmem>>, vector<16xi32>,
    %convert_element_type3A_1903 = arith.sitofp %get3A_1902 : vector<16xi32> to vector<16xf32>
    %mul3A_1904 = arith.mulf %get3A_1898, %convert_element_type3A_1903 : vector<16xf32>
    %add3A_1905 = arith.addf %add3A_1894, %mul3A_1904 : vector<16xf32>
    %swap3A_1906 = arith.constant 192 : index
    %swap3A_1907 = tpu.vector_load %arg8[%swap3A_1906] {strides = array<i32>} : memref<512xf32, #tpu.memory_space<vmem>>, vector<16xf32>,
    tpu.vector_store %arg8[%swap3A_1906], %add3A_1905 {strides = array<i32>} : memref<512xf32, #tpu.memory_space<vmem>>, vector<16xf32>,
    %get3A_1908 = arith.constant 208 : index
    %get3A_1909 = tpu.vector_load %arg8[%get3A_1908] {strides = array<i32>} : memref<512xf32, #tpu.memory_space<vmem>>, vector<16xf32>,
    %get3A_1910 = arith.constant 0 : i32
    %get3A_1911 = arith.index_cast %get3A_1910 : i32 to index
    %get3A_1912 = arith.constant 3280 : index
    %get3A_1913 = tpu.vector_load %arg7[%get3A_1911, %get3A_1912] {strides = array<i32>} : memref<1x4608xf32, #tpu.memory_space<vmem>>, vector<16xf32>,
    %get3A_1914 = arith.constant 0 : i32
    %get3A_1915 = arith.index_cast %get3A_1914 : i32 to index
    %get3A_1916 = arith.constant 4816 : index
    %get3A_1917 = tpu.vector_load %arg6[%get3A_1915, %get3A_1916] {strides = array<i32>} : memref<1x6144xi32, #tpu.memory_space<vmem>>, vector<16xi32>,
    %convert_element_type3A_1918 = arith.sitofp %get3A_1917 : vector<16xi32> to vector<16xf32>
    %mul3A_1919 = arith.mulf %get3A_1913, %convert_element_type3A_1918 : vector<16xf32>
    %add3A_1920 = arith.addf %get3A_1909, %mul3A_1919 : vector<16xf32>
    %get3A_1921 = arith.constant 0 : i32
    %get3A_1922 = arith.index_cast %get3A_1921 : i32 to index
    %get3A_1923 = arith.constant 3792 : index
    %get3A_1924 = tpu.vector_load %arg7[%get3A_1922, %get3A_1923] {strides = array<i32>} : memref<1x4608xf32, #tpu.memory_space<vmem>>, vector<16xf32>,
    %get3A_1925 = arith.constant 0 : i32
    %get3A_1926 = arith.index_cast %get3A_1925 : i32 to index
    %get3A_1927 = arith.constant 5328 : index
    %get3A_1928 = tpu.vector_load %arg6[%get3A_1926, %get3A_1927] {strides = array<i32>} : memref<1x6144xi32, #tpu.memory_space<vmem>>, vector<16xi32>,
    %convert_element_type3A_1929 = arith.sitofp %get3A_1928 : vector<16xi32> to vector<16xf32>
    %mul3A_1930 = arith.mulf %get3A_1924, %convert_element_type3A_1929 : vector<16xf32>
    %add3A_1931 = arith.addf %add3A_1920, %mul3A_1930 : vector<16xf32>
    %get3A_1932 = arith.constant 0 : i32
    %get3A_1933 = arith.index_cast %get3A_1932 : i32 to index
    %get3A_1934 = arith.constant 4304 : index
    %get3A_1935 = tpu.vector_load %arg7[%get3A_1933, %get3A_1934] {strides = array<i32>} : memref<1x4608xf32, #tpu.memory_space<vmem>>, vector<16xf32>,
    %get3A_1936 = arith.constant 0 : i32
    %get3A_1937 = arith.index_cast %get3A_1936 : i32 to index
    %get3A_1938 = arith.constant 5840 : index
    %get3A_1939 = tpu.vector_load %arg6[%get3A_1937, %get3A_1938] {strides = array<i32>} : memref<1x6144xi32, #tpu.memory_space<vmem>>, vector<16xi32>,
    %convert_element_type3A_1940 = arith.sitofp %get3A_1939 : vector<16xi32> to vector<16xf32>
    %mul3A_1941 = arith.mulf %get3A_1935, %convert_element_type3A_1940 : vector<16xf32>
    %add3A_1942 = arith.addf %add3A_1931, %mul3A_1941 : vector<16xf32>
    %swap3A_1943 = arith.constant 208 : index
    %swap3A_1944 = tpu.vector_load %arg8[%swap3A_1943] {strides = array<i32>} : memref<512xf32, #tpu.memory_space<vmem>>, vector<16xf32>,
    tpu.vector_store %arg8[%swap3A_1943], %add3A_1942 {strides = array<i32>} : memref<512xf32, #tpu.memory_space<vmem>>, vector<16xf32>,
    %get3A_1945 = arith.constant 224 : index
    %get3A_1946 = tpu.vector_load %arg8[%get3A_1945] {strides = array<i32>} : memref<512xf32, #tpu.memory_space<vmem>>, vector<16xf32>,
    %get3A_1947 = arith.constant 0 : i32
    %get3A_1948 = arith.index_cast %get3A_1947 : i32 to index
    %get3A_1949 = arith.constant 3296 : index
    %get3A_1950 = tpu.vector_load %arg7[%get3A_1948, %get3A_1949] {strides = array<i32>} : memref<1x4608xf32, #tpu.memory_space<vmem>>, vector<16xf32>,
    %get3A_1951 = arith.constant 0 : i32
    %get3A_1952 = arith.index_cast %get3A_1951 : i32 to index
    %get3A_1953 = arith.constant 4832 : index
    %get3A_1954 = tpu.vector_load %arg6[%get3A_1952, %get3A_1953] {strides = array<i32>} : memref<1x6144xi32, #tpu.memory_space<vmem>>, vector<16xi32>,
    %convert_element_type3A_1955 = arith.sitofp %get3A_1954 : vector<16xi32> to vector<16xf32>
    %mul3A_1956 = arith.mulf %get3A_1950, %convert_element_type3A_1955 : vector<16xf32>
    %add3A_1957 = arith.addf %get3A_1946, %mul3A_1956 : vector<16xf32>
    %get3A_1958 = arith.constant 0 : i32
    %get3A_1959 = arith.index_cast %get3A_1958 : i32 to index
    %get3A_1960 = arith.constant 3808 : index
    %get3A_1961 = tpu.vector_load %arg7[%get3A_1959, %get3A_1960] {strides = array<i32>} : memref<1x4608xf32, #tpu.memory_space<vmem>>, vector<16xf32>,
    %get3A_1962 = arith.constant 0 : i32
    %get3A_1963 = arith.index_cast %get3A_1962 : i32 to index
    %get3A_1964 = arith.constant 5344 : index
    %get3A_1965 = tpu.vector_load %arg6[%get3A_1963, %get3A_1964] {strides = array<i32>} : memref<1x6144xi32, #tpu.memory_space<vmem>>, vector<16xi32>,
    %convert_element_type3A_1966 = arith.sitofp %get3A_1965 : vector<16xi32> to vector<16xf32>
    %mul3A_1967 = arith.mulf %get3A_1961, %convert_element_type3A_1966 : vector<16xf32>
    %add3A_1968 = arith.addf %add3A_1957, %mul3A_1967 : vector<16xf32>
    %get3A_1969 = arith.constant 0 : i32
    %get3A_1970 = arith.index_cast %get3A_1969 : i32 to index
    %get3A_1971 = arith.constant 4320 : index
    %get3A_1972 = tpu.vector_load %arg7[%get3A_1970, %get3A_1971] {strides = array<i32>} : memref<1x4608xf32, #tpu.memory_space<vmem>>, vector<16xf32>,
    %get3A_1973 = arith.constant 0 : i32
    %get3A_1974 = arith.index_cast %get3A_1973 : i32 to index
    %get3A_1975 = arith.constant 5856 : index
    %get3A_1976 = tpu.vector_load %arg6[%get3A_1974, %get3A_1975] {strides = array<i32>} : memref<1x6144xi32, #tpu.memory_space<vmem>>, vector<16xi32>,
    %convert_element_type3A_1977 = arith.sitofp %get3A_1976 : vector<16xi32> to vector<16xf32>
    %mul3A_1978 = arith.mulf %get3A_1972, %convert_element_type3A_1977 : vector<16xf32>
    %add3A_1979 = arith.addf %add3A_1968, %mul3A_1978 : vector<16xf32>
    %swap3A_1980 = arith.constant 224 : index
    %swap3A_1981 = tpu.vector_load %arg8[%swap3A_1980] {strides = array<i32>} : memref<512xf32, #tpu.memory_space<vmem>>, vector<16xf32>,
    tpu.vector_store %arg8[%swap3A_1980], %add3A_1979 {strides = array<i32>} : memref<512xf32, #tpu.memory_space<vmem>>, vector<16xf32>,
    %get3A_1982 = arith.constant 240 : index
    %get3A_1983 = tpu.vector_load %arg8[%get3A_1982] {strides = array<i32>} : memref<512xf32, #tpu.memory_space<vmem>>, vector<16xf32>,
    %get3A_1984 = arith.constant 0 : i32
    %get3A_1985 = arith.index_cast %get3A_1984 : i32 to index
    %get3A_1986 = arith.constant 3312 : index
    %get3A_1987 = tpu.vector_load %arg7[%get3A_1985, %get3A_1986] {strides = array<i32>} : memref<1x4608xf32, #tpu.memory_space<vmem>>, vector<16xf32>,
    %get3A_1988 = arith.constant 0 : i32
    %get3A_1989 = arith.index_cast %get3A_1988 : i32 to index
    %get3A_1990 = arith.constant 4848 : index
    %get3A_1991 = tpu.vector_load %arg6[%get3A_1989, %get3A_1990] {strides = array<i32>} : memref<1x6144xi32, #tpu.memory_space<vmem>>, vector<16xi32>,
    %convert_element_type3A_1992 = arith.sitofp %get3A_1991 : vector<16xi32> to vector<16xf32>
    %mul3A_1993 = arith.mulf %get3A_1987, %convert_element_type3A_1992 : vector<16xf32>
    %add3A_1994 = arith.addf %get3A_1983, %mul3A_1993 : vector<16xf32>
    %get3A_1995 = arith.constant 0 : i32
    %get3A_1996 = arith.index_cast %get3A_1995 : i32 to index
    %get3A_1997 = arith.constant 3824 : index
    %get3A_1998 = tpu.vector_load %arg7[%get3A_1996, %get3A_1997] {strides = array<i32>} : memref<1x4608xf32, #tpu.memory_space<vmem>>, vector<16xf32>,
    %get3A_1999 = arith.constant 0 : i32
    %get3A_2000 = arith.index_cast %get3A_1999 : i32 to index
    %get3A_2001 = arith.constant 5360 : index
    %get3A_2002 = tpu.vector_load %arg6[%get3A_2000, %get3A_2001] {strides = array<i32>} : memref<1x6144xi32, #tpu.memory_space<vmem>>, vector<16xi32>,
    %convert_element_type3A_2003 = arith.sitofp %get3A_2002 : vector<16xi32> to vector<16xf32>
    %mul3A_2004 = arith.mulf %get3A_1998, %convert_element_type3A_2003 : vector<16xf32>
    %add3A_2005 = arith.addf %add3A_1994, %mul3A_2004 : vector<16xf32>
    %get3A_2006 = arith.constant 0 : i32
    %get3A_2007 = arith.index_cast %get3A_2006 : i32 to index
    %get3A_2008 = arith.constant 4336 : index
    %get3A_2009 = tpu.vector_load %arg7[%get3A_2007, %get3A_2008] {strides = array<i32>} : memref<1x4608xf32, #tpu.memory_space<vmem>>, vector<16xf32>,
    %get3A_2010 = arith.constant 0 : i32
    %get3A_2011 = arith.index_cast %get3A_2010 : i32 to index
    %get3A_2012 = arith.constant 5872 : index
    %get3A_2013 = tpu.vector_load %arg6[%get3A_2011, %get3A_2012] {strides = array<i32>} : memref<1x6144xi32, #tpu.memory_space<vmem>>, vector<16xi32>,
    %convert_element_type3A_2014 = arith.sitofp %get3A_2013 : vector<16xi32> to vector<16xf32>
    %mul3A_2015 = arith.mulf %get3A_2009, %convert_element_type3A_2014 : vector<16xf32>
    %add3A_2016 = arith.addf %add3A_2005, %mul3A_2015 : vector<16xf32>
    %swap3A_2017 = arith.constant 240 : index
    %swap3A_2018 = tpu.vector_load %arg8[%swap3A_2017] {strides = array<i32>} : memref<512xf32, #tpu.memory_space<vmem>>, vector<16xf32>,
    tpu.vector_store %arg8[%swap3A_2017], %add3A_2016 {strides = array<i32>} : memref<512xf32, #tpu.memory_space<vmem>>, vector<16xf32>,
    %add3A_2019 = arith.constant 0 : i32
    %add3A_2020 = arith.addi %mul3A_2, %add3A_2019 : i32
    %dma_start3A_2021 = arith.constant 0 : i32
    %dma_start3A_2022 = tpu.memref_slice %arg8[%dma_start3A_2021] : memref<512xf32, #tpu.memory_space<vmem>> -> memref<256xf32, #tpu.memory_space<vmem>>
    %dma_start3A_2023 = tpu.memref_slice %arg5[%add3A_2020] : memref<16384xf32, #tpu.memory_space<hbm>> -> memref<256xf32, #tpu.memory_space<hbm>>
    %dma_start3A_2024 = tpu.memref_slice %arg5[%add3A_2020] : memref<16384xf32, #tpu.memory_space<hbm>> -> memref<256xf32, #tpu.memory_space<hbm>>
    %dma_start3A_2025 = arith.constant 0 : i32
    %dma_start3A_2026 = tpu.memref_slice %arg8[%dma_start3A_2025] : memref<512xf32, #tpu.memory_space<vmem>> -> memref<256xf32, #tpu.memory_space<vmem>>
    tpu.enqueue_dma source(%dma_start3A_2026 : memref<256xf32, #tpu.memory_space<vmem>>) target(%dma_start3A_2024 : memref<256xf32, #tpu.memory_space<hbm>>) target_semaphore(%arg11 : memref<!tpu.dma_semaphore, #tpu.memory_space<semaphore_mem>>)
    %get3A_2027 = arith.constant 256 : index
    %get3A_2028 = tpu.vector_load %arg8[%get3A_2027] {strides = array<i32>} : memref<512xf32, #tpu.memory_space<vmem>>, vector<16xf32>,
    %get3A_2029 = arith.constant 0 : i32
    %get3A_2030 = arith.index_cast %get3A_2029 : i32 to index
    %get3A_2031 = arith.constant 3328 : index
    %get3A_2032 = tpu.vector_load %arg7[%get3A_2030, %get3A_2031] {strides = array<i32>} : memref<1x4608xf32, #tpu.memory_space<vmem>>, vector<16xf32>,
    %get3A_2033 = arith.constant 0 : i32
    %get3A_2034 = arith.index_cast %get3A_2033 : i32 to index
    %get3A_2035 = arith.constant 4864 : index
    %get3A_2036 = tpu.vector_load %arg6[%get3A_2034, %get3A_2035] {strides = array<i32>} : memref<1x6144xi32, #tpu.memory_space<vmem>>, vector<16xi32>,
    %convert_element_type3A_2037 = arith.sitofp %get3A_2036 : vector<16xi32> to vector<16xf32>
    %mul3A_2038 = arith.mulf %get3A_2032, %convert_element_type3A_2037 : vector<16xf32>
    %add3A_2039 = arith.addf %get3A_2028, %mul3A_2038 : vector<16xf32>
    %get3A_2040 = arith.constant 0 : i32
    %get3A_2041 = arith.index_cast %get3A_2040 : i32 to index
    %get3A_2042 = arith.constant 3840 : index
    %get3A_2043 = tpu.vector_load %arg7[%get3A_2041, %get3A_2042] {strides = array<i32>} : memref<1x4608xf32, #tpu.memory_space<vmem>>, vector<16xf32>,
    %get3A_2044 = arith.constant 0 : i32
    %get3A_2045 = arith.index_cast %get3A_2044 : i32 to index
    %get3A_2046 = arith.constant 5376 : index
    %get3A_2047 = tpu.vector_load %arg6[%get3A_2045, %get3A_2046] {strides = array<i32>} : memref<1x6144xi32, #tpu.memory_space<vmem>>, vector<16xi32>,
    %convert_element_type3A_2048 = arith.sitofp %get3A_2047 : vector<16xi32> to vector<16xf32>
    %mul3A_2049 = arith.mulf %get3A_2043, %convert_element_type3A_2048 : vector<16xf32>
    %add3A_2050 = arith.addf %add3A_2039, %mul3A_2049 : vector<16xf32>
    %get3A_2051 = arith.constant 0 : i32
    %get3A_2052 = arith.index_cast %get3A_2051 : i32 to index
    %get3A_2053 = arith.constant 4352 : index
    %get3A_2054 = tpu.vector_load %arg7[%get3A_2052, %get3A_2053] {strides = array<i32>} : memref<1x4608xf32, #tpu.memory_space<vmem>>, vector<16xf32>,
    %get3A_2055 = arith.constant 0 : i32
    %get3A_2056 = arith.index_cast %get3A_2055 : i32 to index
    %get3A_2057 = arith.constant 5888 : index
    %get3A_2058 = tpu.vector_load %arg6[%get3A_2056, %get3A_2057] {strides = array<i32>} : memref<1x6144xi32, #tpu.memory_space<vmem>>, vector<16xi32>,
    %convert_element_type3A_2059 = arith.sitofp %get3A_2058 : vector<16xi32> to vector<16xf32>
    %mul3A_2060 = arith.mulf %get3A_2054, %convert_element_type3A_2059 : vector<16xf32>
    %add3A_2061 = arith.addf %add3A_2050, %mul3A_2060 : vector<16xf32>
    %swap3A_2062 = arith.constant 256 : index
    %swap3A_2063 = tpu.vector_load %arg8[%swap3A_2062] {strides = array<i32>} : memref<512xf32, #tpu.memory_space<vmem>>, vector<16xf32>,
    tpu.vector_store %arg8[%swap3A_2062], %add3A_2061 {strides = array<i32>} : memref<512xf32, #tpu.memory_space<vmem>>, vector<16xf32>,
    %get3A_2064 = arith.constant 272 : index
    %get3A_2065 = tpu.vector_load %arg8[%get3A_2064] {strides = array<i32>} : memref<512xf32, #tpu.memory_space<vmem>>, vector<16xf32>,
    %get3A_2066 = arith.constant 0 : i32
    %get3A_2067 = arith.index_cast %get3A_2066 : i32 to index
    %get3A_2068 = arith.constant 3344 : index
    %get3A_2069 = tpu.vector_load %arg7[%get3A_2067, %get3A_2068] {strides = array<i32>} : memref<1x4608xf32, #tpu.memory_space<vmem>>, vector<16xf32>,
    %get3A_2070 = arith.constant 0 : i32
    %get3A_2071 = arith.index_cast %get3A_2070 : i32 to index
    %get3A_2072 = arith.constant 4880 : index
    %get3A_2073 = tpu.vector_load %arg6[%get3A_2071, %get3A_2072] {strides = array<i32>} : memref<1x6144xi32, #tpu.memory_space<vmem>>, vector<16xi32>,
    %convert_element_type3A_2074 = arith.sitofp %get3A_2073 : vector<16xi32> to vector<16xf32>
    %mul3A_2075 = arith.mulf %get3A_2069, %convert_element_type3A_2074 : vector<16xf32>
    %add3A_2076 = arith.addf %get3A_2065, %mul3A_2075 : vector<16xf32>
    %get3A_2077 = arith.constant 0 : i32
    %get3A_2078 = arith.index_cast %get3A_2077 : i32 to index
    %get3A_2079 = arith.constant 3856 : index
    %get3A_2080 = tpu.vector_load %arg7[%get3A_2078, %get3A_2079] {strides = array<i32>} : memref<1x4608xf32, #tpu.memory_space<vmem>>, vector<16xf32>,
    %get3A_2081 = arith.constant 0 : i32
    %get3A_2082 = arith.index_cast %get3A_2081 : i32 to index
    %get3A_2083 = arith.constant 5392 : index
    %get3A_2084 = tpu.vector_load %arg6[%get3A_2082, %get3A_2083] {strides = array<i32>} : memref<1x6144xi32, #tpu.memory_space<vmem>>, vector<16xi32>,
    %convert_element_type3A_2085 = arith.sitofp %get3A_2084 : vector<16xi32> to vector<16xf32>
    %mul3A_2086 = arith.mulf %get3A_2080, %convert_element_type3A_2085 : vector<16xf32>
    %add3A_2087 = arith.addf %add3A_2076, %mul3A_2086 : vector<16xf32>
    %get3A_2088 = arith.constant 0 : i32
    %get3A_2089 = arith.index_cast %get3A_2088 : i32 to index
    %get3A_2090 = arith.constant 4368 : index
    %get3A_2091 = tpu.vector_load %arg7[%get3A_2089, %get3A_2090] {strides = array<i32>} : memref<1x4608xf32, #tpu.memory_space<vmem>>, vector<16xf32>,
    %get3A_2092 = arith.constant 0 : i32
    %get3A_2093 = arith.index_cast %get3A_2092 : i32 to index
    %get3A_2094 = arith.constant 5904 : index
    %get3A_2095 = tpu.vector_load %arg6[%get3A_2093, %get3A_2094] {strides = array<i32>} : memref<1x6144xi32, #tpu.memory_space<vmem>>, vector<16xi32>,
    %convert_element_type3A_2096 = arith.sitofp %get3A_2095 : vector<16xi32> to vector<16xf32>
    %mul3A_2097 = arith.mulf %get3A_2091, %convert_element_type3A_2096 : vector<16xf32>
    %add3A_2098 = arith.addf %add3A_2087, %mul3A_2097 : vector<16xf32>
    %swap3A_2099 = arith.constant 272 : index
    %swap3A_2100 = tpu.vector_load %arg8[%swap3A_2099] {strides = array<i32>} : memref<512xf32, #tpu.memory_space<vmem>>, vector<16xf32>,
    tpu.vector_store %arg8[%swap3A_2099], %add3A_2098 {strides = array<i32>} : memref<512xf32, #tpu.memory_space<vmem>>, vector<16xf32>,
    %get3A_2101 = arith.constant 288 : index
    %get3A_2102 = tpu.vector_load %arg8[%get3A_2101] {strides = array<i32>} : memref<512xf32, #tpu.memory_space<vmem>>, vector<16xf32>,
    %get3A_2103 = arith.constant 0 : i32
    %get3A_2104 = arith.index_cast %get3A_2103 : i32 to index
    %get3A_2105 = arith.constant 3360 : index
    %get3A_2106 = tpu.vector_load %arg7[%get3A_2104, %get3A_2105] {strides = array<i32>} : memref<1x4608xf32, #tpu.memory_space<vmem>>, vector<16xf32>,
    %get3A_2107 = arith.constant 0 : i32
    %get3A_2108 = arith.index_cast %get3A_2107 : i32 to index
    %get3A_2109 = arith.constant 4896 : index
    %get3A_2110 = tpu.vector_load %arg6[%get3A_2108, %get3A_2109] {strides = array<i32>} : memref<1x6144xi32, #tpu.memory_space<vmem>>, vector<16xi32>,
    %convert_element_type3A_2111 = arith.sitofp %get3A_2110 : vector<16xi32> to vector<16xf32>
    %mul3A_2112 = arith.mulf %get3A_2106, %convert_element_type3A_2111 : vector<16xf32>
    %add3A_2113 = arith.addf %get3A_2102, %mul3A_2112 : vector<16xf32>
    %get3A_2114 = arith.constant 0 : i32
    %get3A_2115 = arith.index_cast %get3A_2114 : i32 to index
    %get3A_2116 = arith.constant 3872 : index
    %get3A_2117 = tpu.vector_load %arg7[%get3A_2115, %get3A_2116] {strides = array<i32>} : memref<1x4608xf32, #tpu.memory_space<vmem>>, vector<16xf32>,
    %get3A_2118 = arith.constant 0 : i32
    %get3A_2119 = arith.index_cast %get3A_2118 : i32 to index
    %get3A_2120 = arith.constant 5408 : index
    %get3A_2121 = tpu.vector_load %arg6[%get3A_2119, %get3A_2120] {strides = array<i32>} : memref<1x6144xi32, #tpu.memory_space<vmem>>, vector<16xi32>,
    %convert_element_type3A_2122 = arith.sitofp %get3A_2121 : vector<16xi32> to vector<16xf32>
    %mul3A_2123 = arith.mulf %get3A_2117, %convert_element_type3A_2122 : vector<16xf32>
    %add3A_2124 = arith.addf %add3A_2113, %mul3A_2123 : vector<16xf32>
    %get3A_2125 = arith.constant 0 : i32
    %get3A_2126 = arith.index_cast %get3A_2125 : i32 to index
    %get3A_2127 = arith.constant 4384 : index
    %get3A_2128 = tpu.vector_load %arg7[%get3A_2126, %get3A_2127] {strides = array<i32>} : memref<1x4608xf32, #tpu.memory_space<vmem>>, vector<16xf32>,
    %get3A_2129 = arith.constant 0 : i32
    %get3A_2130 = arith.index_cast %get3A_2129 : i32 to index
    %get3A_2131 = arith.constant 5920 : index
    %get3A_2132 = tpu.vector_load %arg6[%get3A_2130, %get3A_2131] {strides = array<i32>} : memref<1x6144xi32, #tpu.memory_space<vmem>>, vector<16xi32>,
    %convert_element_type3A_2133 = arith.sitofp %get3A_2132 : vector<16xi32> to vector<16xf32>
    %mul3A_2134 = arith.mulf %get3A_2128, %convert_element_type3A_2133 : vector<16xf32>
    %add3A_2135 = arith.addf %add3A_2124, %mul3A_2134 : vector<16xf32>
    %swap3A_2136 = arith.constant 288 : index
    %swap3A_2137 = tpu.vector_load %arg8[%swap3A_2136] {strides = array<i32>} : memref<512xf32, #tpu.memory_space<vmem>>, vector<16xf32>,
    tpu.vector_store %arg8[%swap3A_2136], %add3A_2135 {strides = array<i32>} : memref<512xf32, #tpu.memory_space<vmem>>, vector<16xf32>,
    %get3A_2138 = arith.constant 304 : index
    %get3A_2139 = tpu.vector_load %arg8[%get3A_2138] {strides = array<i32>} : memref<512xf32, #tpu.memory_space<vmem>>, vector<16xf32>,
    %get3A_2140 = arith.constant 0 : i32
    %get3A_2141 = arith.index_cast %get3A_2140 : i32 to index
    %get3A_2142 = arith.constant 3376 : index
    %get3A_2143 = tpu.vector_load %arg7[%get3A_2141, %get3A_2142] {strides = array<i32>} : memref<1x4608xf32, #tpu.memory_space<vmem>>, vector<16xf32>,
    %get3A_2144 = arith.constant 0 : i32
    %get3A_2145 = arith.index_cast %get3A_2144 : i32 to index
    %get3A_2146 = arith.constant 4912 : index
    %get3A_2147 = tpu.vector_load %arg6[%get3A_2145, %get3A_2146] {strides = array<i32>} : memref<1x6144xi32, #tpu.memory_space<vmem>>, vector<16xi32>,
    %convert_element_type3A_2148 = arith.sitofp %get3A_2147 : vector<16xi32> to vector<16xf32>
    %mul3A_2149 = arith.mulf %get3A_2143, %convert_element_type3A_2148 : vector<16xf32>
    %add3A_2150 = arith.addf %get3A_2139, %mul3A_2149 : vector<16xf32>
    %get3A_2151 = arith.constant 0 : i32
    %get3A_2152 = arith.index_cast %get3A_2151 : i32 to index
    %get3A_2153 = arith.constant 3888 : index
    %get3A_2154 = tpu.vector_load %arg7[%get3A_2152, %get3A_2153] {strides = array<i32>} : memref<1x4608xf32, #tpu.memory_space<vmem>>, vector<16xf32>,
    %get3A_2155 = arith.constant 0 : i32
    %get3A_2156 = arith.index_cast %get3A_2155 : i32 to index
    %get3A_2157 = arith.constant 5424 : index
    %get3A_2158 = tpu.vector_load %arg6[%get3A_2156, %get3A_2157] {strides = array<i32>} : memref<1x6144xi32, #tpu.memory_space<vmem>>, vector<16xi32>,
    %convert_element_type3A_2159 = arith.sitofp %get3A_2158 : vector<16xi32> to vector<16xf32>
    %mul3A_2160 = arith.mulf %get3A_2154, %convert_element_type3A_2159 : vector<16xf32>
    %add3A_2161 = arith.addf %add3A_2150, %mul3A_2160 : vector<16xf32>
    %get3A_2162 = arith.constant 0 : i32
    %get3A_2163 = arith.index_cast %get3A_2162 : i32 to index
    %get3A_2164 = arith.constant 4400 : index
    %get3A_2165 = tpu.vector_load %arg7[%get3A_2163, %get3A_2164] {strides = array<i32>} : memref<1x4608xf32, #tpu.memory_space<vmem>>, vector<16xf32>,
    %get3A_2166 = arith.constant 0 : i32
    %get3A_2167 = arith.index_cast %get3A_2166 : i32 to index
    %get3A_2168 = arith.constant 5936 : index
    %get3A_2169 = tpu.vector_load %arg6[%get3A_2167, %get3A_2168] {strides = array<i32>} : memref<1x6144xi32, #tpu.memory_space<vmem>>, vector<16xi32>,
    %convert_element_type3A_2170 = arith.sitofp %get3A_2169 : vector<16xi32> to vector<16xf32>
    %mul3A_2171 = arith.mulf %get3A_2165, %convert_element_type3A_2170 : vector<16xf32>
    %add3A_2172 = arith.addf %add3A_2161, %mul3A_2171 : vector<16xf32>
    %swap3A_2173 = arith.constant 304 : index
    %swap3A_2174 = tpu.vector_load %arg8[%swap3A_2173] {strides = array<i32>} : memref<512xf32, #tpu.memory_space<vmem>>, vector<16xf32>,
    tpu.vector_store %arg8[%swap3A_2173], %add3A_2172 {strides = array<i32>} : memref<512xf32, #tpu.memory_space<vmem>>, vector<16xf32>,
    %get3A_2175 = arith.constant 320 : index
    %get3A_2176 = tpu.vector_load %arg8[%get3A_2175] {strides = array<i32>} : memref<512xf32, #tpu.memory_space<vmem>>, vector<16xf32>,
    %get3A_2177 = arith.constant 0 : i32
    %get3A_2178 = arith.index_cast %get3A_2177 : i32 to index
    %get3A_2179 = arith.constant 3392 : index
    %get3A_2180 = tpu.vector_load %arg7[%get3A_2178, %get3A_2179] {strides = array<i32>} : memref<1x4608xf32, #tpu.memory_space<vmem>>, vector<16xf32>,
    %get3A_2181 = arith.constant 0 : i32
    %get3A_2182 = arith.index_cast %get3A_2181 : i32 to index
    %get3A_2183 = arith.constant 4928 : index
    %get3A_2184 = tpu.vector_load %arg6[%get3A_2182, %get3A_2183] {strides = array<i32>} : memref<1x6144xi32, #tpu.memory_space<vmem>>, vector<16xi32>,
    %convert_element_type3A_2185 = arith.sitofp %get3A_2184 : vector<16xi32> to vector<16xf32>
    %mul3A_2186 = arith.mulf %get3A_2180, %convert_element_type3A_2185 : vector<16xf32>
    %add3A_2187 = arith.addf %get3A_2176, %mul3A_2186 : vector<16xf32>
    %get3A_2188 = arith.constant 0 : i32
    %get3A_2189 = arith.index_cast %get3A_2188 : i32 to index
    %get3A_2190 = arith.constant 3904 : index
    %get3A_2191 = tpu.vector_load %arg7[%get3A_2189, %get3A_2190] {strides = array<i32>} : memref<1x4608xf32, #tpu.memory_space<vmem>>, vector<16xf32>,
    %get3A_2192 = arith.constant 0 : i32
    %get3A_2193 = arith.index_cast %get3A_2192 : i32 to index
    %get3A_2194 = arith.constant 5440 : index
    %get3A_2195 = tpu.vector_load %arg6[%get3A_2193, %get3A_2194] {strides = array<i32>} : memref<1x6144xi32, #tpu.memory_space<vmem>>, vector<16xi32>,
    %convert_element_type3A_2196 = arith.sitofp %get3A_2195 : vector<16xi32> to vector<16xf32>
    %mul3A_2197 = arith.mulf %get3A_2191, %convert_element_type3A_2196 : vector<16xf32>
    %add3A_2198 = arith.addf %add3A_2187, %mul3A_2197 : vector<16xf32>
    %get3A_2199 = arith.constant 0 : i32
    %get3A_2200 = arith.index_cast %get3A_2199 : i32 to index
    %get3A_2201 = arith.constant 4416 : index
    %get3A_2202 = tpu.vector_load %arg7[%get3A_2200, %get3A_2201] {strides = array<i32>} : memref<1x4608xf32, #tpu.memory_space<vmem>>, vector<16xf32>,
    %get3A_2203 = arith.constant 0 : i32
    %get3A_2204 = arith.index_cast %get3A_2203 : i32 to index
    %get3A_2205 = arith.constant 5952 : index
    %get3A_2206 = tpu.vector_load %arg6[%get3A_2204, %get3A_2205] {strides = array<i32>} : memref<1x6144xi32, #tpu.memory_space<vmem>>, vector<16xi32>,
    %convert_element_type3A_2207 = arith.sitofp %get3A_2206 : vector<16xi32> to vector<16xf32>
    %mul3A_2208 = arith.mulf %get3A_2202, %convert_element_type3A_2207 : vector<16xf32>
    %add3A_2209 = arith.addf %add3A_2198, %mul3A_2208 : vector<16xf32>
    %swap3A_2210 = arith.constant 320 : index
    %swap3A_2211 = tpu.vector_load %arg8[%swap3A_2210] {strides = array<i32>} : memref<512xf32, #tpu.memory_space<vmem>>, vector<16xf32>,
    tpu.vector_store %arg8[%swap3A_2210], %add3A_2209 {strides = array<i32>} : memref<512xf32, #tpu.memory_space<vmem>>, vector<16xf32>,
    %get3A_2212 = arith.constant 336 : index
    %get3A_2213 = tpu.vector_load %arg8[%get3A_2212] {strides = array<i32>} : memref<512xf32, #tpu.memory_space<vmem>>, vector<16xf32>,
    %get3A_2214 = arith.constant 0 : i32
    %get3A_2215 = arith.index_cast %get3A_2214 : i32 to index
    %get3A_2216 = arith.constant 3408 : index
    %get3A_2217 = tpu.vector_load %arg7[%get3A_2215, %get3A_2216] {strides = array<i32>} : memref<1x4608xf32, #tpu.memory_space<vmem>>, vector<16xf32>,
    %get3A_2218 = arith.constant 0 : i32
    %get3A_2219 = arith.index_cast %get3A_2218 : i32 to index
    %get3A_2220 = arith.constant 4944 : index
    %get3A_2221 = tpu.vector_load %arg6[%get3A_2219, %get3A_2220] {strides = array<i32>} : memref<1x6144xi32, #tpu.memory_space<vmem>>, vector<16xi32>,
    %convert_element_type3A_2222 = arith.sitofp %get3A_2221 : vector<16xi32> to vector<16xf32>
    %mul3A_2223 = arith.mulf %get3A_2217, %convert_element_type3A_2222 : vector<16xf32>
    %add3A_2224 = arith.addf %get3A_2213, %mul3A_2223 : vector<16xf32>
    %get3A_2225 = arith.constant 0 : i32
    %get3A_2226 = arith.index_cast %get3A_2225 : i32 to index
    %get3A_2227 = arith.constant 3920 : index
    %get3A_2228 = tpu.vector_load %arg7[%get3A_2226, %get3A_2227] {strides = array<i32>} : memref<1x4608xf32, #tpu.memory_space<vmem>>, vector<16xf32>,
    %get3A_2229 = arith.constant 0 : i32
    %get3A_2230 = arith.index_cast %get3A_2229 : i32 to index
    %get3A_2231 = arith.constant 5456 : index
    %get3A_2232 = tpu.vector_load %arg6[%get3A_2230, %get3A_2231] {strides = array<i32>} : memref<1x6144xi32, #tpu.memory_space<vmem>>, vector<16xi32>,
    %convert_element_type3A_2233 = arith.sitofp %get3A_2232 : vector<16xi32> to vector<16xf32>
    %mul3A_2234 = arith.mulf %get3A_2228, %convert_element_type3A_2233 : vector<16xf32>
    %add3A_2235 = arith.addf %add3A_2224, %mul3A_2234 : vector<16xf32>
    %get3A_2236 = arith.constant 0 : i32
    %get3A_2237 = arith.index_cast %get3A_2236 : i32 to index
    %get3A_2238 = arith.constant 4432 : index
    %get3A_2239 = tpu.vector_load %arg7[%get3A_2237, %get3A_2238] {strides = array<i32>} : memref<1x4608xf32, #tpu.memory_space<vmem>>, vector<16xf32>,
    %get3A_2240 = arith.constant 0 : i32
    %get3A_2241 = arith.index_cast %get3A_2240 : i32 to index
    %get3A_2242 = arith.constant 5968 : index
    %get3A_2243 = tpu.vector_load %arg6[%get3A_2241, %get3A_2242] {strides = array<i32>} : memref<1x6144xi32, #tpu.memory_space<vmem>>, vector<16xi32>,
    %convert_element_type3A_2244 = arith.sitofp %get3A_2243 : vector<16xi32> to vector<16xf32>
    %mul3A_2245 = arith.mulf %get3A_2239, %convert_element_type3A_2244 : vector<16xf32>
    %add3A_2246 = arith.addf %add3A_2235, %mul3A_2245 : vector<16xf32>
    %swap3A_2247 = arith.constant 336 : index
    %swap3A_2248 = tpu.vector_load %arg8[%swap3A_2247] {strides = array<i32>} : memref<512xf32, #tpu.memory_space<vmem>>, vector<16xf32>,
    tpu.vector_store %arg8[%swap3A_2247], %add3A_2246 {strides = array<i32>} : memref<512xf32, #tpu.memory_space<vmem>>, vector<16xf32>,
    %get3A_2249 = arith.constant 352 : index
    %get3A_2250 = tpu.vector_load %arg8[%get3A_2249] {strides = array<i32>} : memref<512xf32, #tpu.memory_space<vmem>>, vector<16xf32>,
    %get3A_2251 = arith.constant 0 : i32
    %get3A_2252 = arith.index_cast %get3A_2251 : i32 to index
    %get3A_2253 = arith.constant 3424 : index
    %get3A_2254 = tpu.vector_load %arg7[%get3A_2252, %get3A_2253] {strides = array<i32>} : memref<1x4608xf32, #tpu.memory_space<vmem>>, vector<16xf32>,
    %get3A_2255 = arith.constant 0 : i32
    %get3A_2256 = arith.index_cast %get3A_2255 : i32 to index
    %get3A_2257 = arith.constant 4960 : index
    %get3A_2258 = tpu.vector_load %arg6[%get3A_2256, %get3A_2257] {strides = array<i32>} : memref<1x6144xi32, #tpu.memory_space<vmem>>, vector<16xi32>,
    %convert_element_type3A_2259 = arith.sitofp %get3A_2258 : vector<16xi32> to vector<16xf32>
    %mul3A_2260 = arith.mulf %get3A_2254, %convert_element_type3A_2259 : vector<16xf32>
    %add3A_2261 = arith.addf %get3A_2250, %mul3A_2260 : vector<16xf32>
    %get3A_2262 = arith.constant 0 : i32
    %get3A_2263 = arith.index_cast %get3A_2262 : i32 to index
    %get3A_2264 = arith.constant 3936 : index
    %get3A_2265 = tpu.vector_load %arg7[%get3A_2263, %get3A_2264] {strides = array<i32>} : memref<1x4608xf32, #tpu.memory_space<vmem>>, vector<16xf32>,
    %get3A_2266 = arith.constant 0 : i32
    %get3A_2267 = arith.index_cast %get3A_2266 : i32 to index
    %get3A_2268 = arith.constant 5472 : index
    %get3A_2269 = tpu.vector_load %arg6[%get3A_2267, %get3A_2268] {strides = array<i32>} : memref<1x6144xi32, #tpu.memory_space<vmem>>, vector<16xi32>,
    %convert_element_type3A_2270 = arith.sitofp %get3A_2269 : vector<16xi32> to vector<16xf32>
    %mul3A_2271 = arith.mulf %get3A_2265, %convert_element_type3A_2270 : vector<16xf32>
    %add3A_2272 = arith.addf %add3A_2261, %mul3A_2271 : vector<16xf32>
    %get3A_2273 = arith.constant 0 : i32
    %get3A_2274 = arith.index_cast %get3A_2273 : i32 to index
    %get3A_2275 = arith.constant 4448 : index
    %get3A_2276 = tpu.vector_load %arg7[%get3A_2274, %get3A_2275] {strides = array<i32>} : memref<1x4608xf32, #tpu.memory_space<vmem>>, vector<16xf32>,
    %get3A_2277 = arith.constant 0 : i32
    %get3A_2278 = arith.index_cast %get3A_2277 : i32 to index
    %get3A_2279 = arith.constant 5984 : index
    %get3A_2280 = tpu.vector_load %arg6[%get3A_2278, %get3A_2279] {strides = array<i32>} : memref<1x6144xi32, #tpu.memory_space<vmem>>, vector<16xi32>,
    %convert_element_type3A_2281 = arith.sitofp %get3A_2280 : vector<16xi32> to vector<16xf32>
    %mul3A_2282 = arith.mulf %get3A_2276, %convert_element_type3A_2281 : vector<16xf32>
    %add3A_2283 = arith.addf %add3A_2272, %mul3A_2282 : vector<16xf32>
    %swap3A_2284 = arith.constant 352 : index
    %swap3A_2285 = tpu.vector_load %arg8[%swap3A_2284] {strides = array<i32>} : memref<512xf32, #tpu.memory_space<vmem>>, vector<16xf32>,
    tpu.vector_store %arg8[%swap3A_2284], %add3A_2283 {strides = array<i32>} : memref<512xf32, #tpu.memory_space<vmem>>, vector<16xf32>,
    %get3A_2286 = arith.constant 368 : index
    %get3A_2287 = tpu.vector_load %arg8[%get3A_2286] {strides = array<i32>} : memref<512xf32, #tpu.memory_space<vmem>>, vector<16xf32>,
    %get3A_2288 = arith.constant 0 : i32
    %get3A_2289 = arith.index_cast %get3A_2288 : i32 to index
    %get3A_2290 = arith.constant 3440 : index
    %get3A_2291 = tpu.vector_load %arg7[%get3A_2289, %get3A_2290] {strides = array<i32>} : memref<1x4608xf32, #tpu.memory_space<vmem>>, vector<16xf32>,
    %get3A_2292 = arith.constant 0 : i32
    %get3A_2293 = arith.index_cast %get3A_2292 : i32 to index
    %get3A_2294 = arith.constant 4976 : index
    %get3A_2295 = tpu.vector_load %arg6[%get3A_2293, %get3A_2294] {strides = array<i32>} : memref<1x6144xi32, #tpu.memory_space<vmem>>, vector<16xi32>,
    %convert_element_type3A_2296 = arith.sitofp %get3A_2295 : vector<16xi32> to vector<16xf32>
    %mul3A_2297 = arith.mulf %get3A_2291, %convert_element_type3A_2296 : vector<16xf32>
    %add3A_2298 = arith.addf %get3A_2287, %mul3A_2297 : vector<16xf32>
    %get3A_2299 = arith.constant 0 : i32
    %get3A_2300 = arith.index_cast %get3A_2299 : i32 to index
    %get3A_2301 = arith.constant 3952 : index
    %get3A_2302 = tpu.vector_load %arg7[%get3A_2300, %get3A_2301] {strides = array<i32>} : memref<1x4608xf32, #tpu.memory_space<vmem>>, vector<16xf32>,
    %get3A_2303 = arith.constant 0 : i32
    %get3A_2304 = arith.index_cast %get3A_2303 : i32 to index
    %get3A_2305 = arith.constant 5488 : index
    %get3A_2306 = tpu.vector_load %arg6[%get3A_2304, %get3A_2305] {strides = array<i32>} : memref<1x6144xi32, #tpu.memory_space<vmem>>, vector<16xi32>,
    %convert_element_type3A_2307 = arith.sitofp %get3A_2306 : vector<16xi32> to vector<16xf32>
    %mul3A_2308 = arith.mulf %get3A_2302, %convert_element_type3A_2307 : vector<16xf32>
    %add3A_2309 = arith.addf %add3A_2298, %mul3A_2308 : vector<16xf32>
    %get3A_2310 = arith.constant 0 : i32
    %get3A_2311 = arith.index_cast %get3A_2310 : i32 to index
    %get3A_2312 = arith.constant 4464 : index
    %get3A_2313 = tpu.vector_load %arg7[%get3A_2311, %get3A_2312] {strides = array<i32>} : memref<1x4608xf32, #tpu.memory_space<vmem>>, vector<16xf32>,
    %get3A_2314 = arith.constant 0 : i32
    %get3A_2315 = arith.index_cast %get3A_2314 : i32 to index
    %get3A_2316 = arith.constant 6000 : index
    %get3A_2317 = tpu.vector_load %arg6[%get3A_2315, %get3A_2316] {strides = array<i32>} : memref<1x6144xi32, #tpu.memory_space<vmem>>, vector<16xi32>,
    %convert_element_type3A_2318 = arith.sitofp %get3A_2317 : vector<16xi32> to vector<16xf32>
    %mul3A_2319 = arith.mulf %get3A_2313, %convert_element_type3A_2318 : vector<16xf32>
    %add3A_2320 = arith.addf %add3A_2309, %mul3A_2319 : vector<16xf32>
    %swap3A_2321 = arith.constant 368 : index
    %swap3A_2322 = tpu.vector_load %arg8[%swap3A_2321] {strides = array<i32>} : memref<512xf32, #tpu.memory_space<vmem>>, vector<16xf32>,
    tpu.vector_store %arg8[%swap3A_2321], %add3A_2320 {strides = array<i32>} : memref<512xf32, #tpu.memory_space<vmem>>, vector<16xf32>,
    %get3A_2323 = arith.constant 384 : index
    %get3A_2324 = tpu.vector_load %arg8[%get3A_2323] {strides = array<i32>} : memref<512xf32, #tpu.memory_space<vmem>>, vector<16xf32>,
    %get3A_2325 = arith.constant 0 : i32
    %get3A_2326 = arith.index_cast %get3A_2325 : i32 to index
    %get3A_2327 = arith.constant 3456 : index
    %get3A_2328 = tpu.vector_load %arg7[%get3A_2326, %get3A_2327] {strides = array<i32>} : memref<1x4608xf32, #tpu.memory_space<vmem>>, vector<16xf32>,
    %get3A_2329 = arith.constant 0 : i32
    %get3A_2330 = arith.index_cast %get3A_2329 : i32 to index
    %get3A_2331 = arith.constant 4992 : index
    %get3A_2332 = tpu.vector_load %arg6[%get3A_2330, %get3A_2331] {strides = array<i32>} : memref<1x6144xi32, #tpu.memory_space<vmem>>, vector<16xi32>,
    %convert_element_type3A_2333 = arith.sitofp %get3A_2332 : vector<16xi32> to vector<16xf32>
    %mul3A_2334 = arith.mulf %get3A_2328, %convert_element_type3A_2333 : vector<16xf32>
    %add3A_2335 = arith.addf %get3A_2324, %mul3A_2334 : vector<16xf32>
    %get3A_2336 = arith.constant 0 : i32
    %get3A_2337 = arith.index_cast %get3A_2336 : i32 to index
    %get3A_2338 = arith.constant 3968 : index
    %get3A_2339 = tpu.vector_load %arg7[%get3A_2337, %get3A_2338] {strides = array<i32>} : memref<1x4608xf32, #tpu.memory_space<vmem>>, vector<16xf32>,
    %get3A_2340 = arith.constant 0 : i32
    %get3A_2341 = arith.index_cast %get3A_2340 : i32 to index
    %get3A_2342 = arith.constant 5504 : index
    %get3A_2343 = tpu.vector_load %arg6[%get3A_2341, %get3A_2342] {strides = array<i32>} : memref<1x6144xi32, #tpu.memory_space<vmem>>, vector<16xi32>,
    %convert_element_type3A_2344 = arith.sitofp %get3A_2343 : vector<16xi32> to vector<16xf32>
    %mul3A_2345 = arith.mulf %get3A_2339, %convert_element_type3A_2344 : vector<16xf32>
    %add3A_2346 = arith.addf %add3A_2335, %mul3A_2345 : vector<16xf32>
    %get3A_2347 = arith.constant 0 : i32
    %get3A_2348 = arith.index_cast %get3A_2347 : i32 to index
    %get3A_2349 = arith.constant 4480 : index
    %get3A_2350 = tpu.vector_load %arg7[%get3A_2348, %get3A_2349] {strides = array<i32>} : memref<1x4608xf32, #tpu.memory_space<vmem>>, vector<16xf32>,
    %get3A_2351 = arith.constant 0 : i32
    %get3A_2352 = arith.index_cast %get3A_2351 : i32 to index
    %get3A_2353 = arith.constant 6016 : index
    %get3A_2354 = tpu.vector_load %arg6[%get3A_2352, %get3A_2353] {strides = array<i32>} : memref<1x6144xi32, #tpu.memory_space<vmem>>, vector<16xi32>,
    %convert_element_type3A_2355 = arith.sitofp %get3A_2354 : vector<16xi32> to vector<16xf32>
    %mul3A_2356 = arith.mulf %get3A_2350, %convert_element_type3A_2355 : vector<16xf32>
    %add3A_2357 = arith.addf %add3A_2346, %mul3A_2356 : vector<16xf32>
    %swap3A_2358 = arith.constant 384 : index
    %swap3A_2359 = tpu.vector_load %arg8[%swap3A_2358] {strides = array<i32>} : memref<512xf32, #tpu.memory_space<vmem>>, vector<16xf32>,
    tpu.vector_store %arg8[%swap3A_2358], %add3A_2357 {strides = array<i32>} : memref<512xf32, #tpu.memory_space<vmem>>, vector<16xf32>,
    %get3A_2360 = arith.constant 400 : index
    %get3A_2361 = tpu.vector_load %arg8[%get3A_2360] {strides = array<i32>} : memref<512xf32, #tpu.memory_space<vmem>>, vector<16xf32>,
    %get3A_2362 = arith.constant 0 : i32
    %get3A_2363 = arith.index_cast %get3A_2362 : i32 to index
    %get3A_2364 = arith.constant 3472 : index
    %get3A_2365 = tpu.vector_load %arg7[%get3A_2363, %get3A_2364] {strides = array<i32>} : memref<1x4608xf32, #tpu.memory_space<vmem>>, vector<16xf32>,
    %get3A_2366 = arith.constant 0 : i32
    %get3A_2367 = arith.index_cast %get3A_2366 : i32 to index
    %get3A_2368 = arith.constant 5008 : index
    %get3A_2369 = tpu.vector_load %arg6[%get3A_2367, %get3A_2368] {strides = array<i32>} : memref<1x6144xi32, #tpu.memory_space<vmem>>, vector<16xi32>,
    %convert_element_type3A_2370 = arith.sitofp %get3A_2369 : vector<16xi32> to vector<16xf32>
    %mul3A_2371 = arith.mulf %get3A_2365, %convert_element_type3A_2370 : vector<16xf32>
    %add3A_2372 = arith.addf %get3A_2361, %mul3A_2371 : vector<16xf32>
    %get3A_2373 = arith.constant 0 : i32
    %get3A_2374 = arith.index_cast %get3A_2373 : i32 to index
    %get3A_2375 = arith.constant 3984 : index
    %get3A_2376 = tpu.vector_load %arg7[%get3A_2374, %get3A_2375] {strides = array<i32>} : memref<1x4608xf32, #tpu.memory_space<vmem>>, vector<16xf32>,
    %get3A_2377 = arith.constant 0 : i32
    %get3A_2378 = arith.index_cast %get3A_2377 : i32 to index
    %get3A_2379 = arith.constant 5520 : index
    %get3A_2380 = tpu.vector_load %arg6[%get3A_2378, %get3A_2379] {strides = array<i32>} : memref<1x6144xi32, #tpu.memory_space<vmem>>, vector<16xi32>,
    %convert_element_type3A_2381 = arith.sitofp %get3A_2380 : vector<16xi32> to vector<16xf32>
    %mul3A_2382 = arith.mulf %get3A_2376, %convert_element_type3A_2381 : vector<16xf32>
    %add3A_2383 = arith.addf %add3A_2372, %mul3A_2382 : vector<16xf32>
    %get3A_2384 = arith.constant 0 : i32
    %get3A_2385 = arith.index_cast %get3A_2384 : i32 to index
    %get3A_2386 = arith.constant 4496 : index
    %get3A_2387 = tpu.vector_load %arg7[%get3A_2385, %get3A_2386] {strides = array<i32>} : memref<1x4608xf32, #tpu.memory_space<vmem>>, vector<16xf32>,
    %get3A_2388 = arith.constant 0 : i32
    %get3A_2389 = arith.index_cast %get3A_2388 : i32 to index
    %get3A_2390 = arith.constant 6032 : index
    %get3A_2391 = tpu.vector_load %arg6[%get3A_2389, %get3A_2390] {strides = array<i32>} : memref<1x6144xi32, #tpu.memory_space<vmem>>, vector<16xi32>,
    %convert_element_type3A_2392 = arith.sitofp %get3A_2391 : vector<16xi32> to vector<16xf32>
    %mul3A_2393 = arith.mulf %get3A_2387, %convert_element_type3A_2392 : vector<16xf32>
    %add3A_2394 = arith.addf %add3A_2383, %mul3A_2393 : vector<16xf32>
    %swap3A_2395 = arith.constant 400 : index
    %swap3A_2396 = tpu.vector_load %arg8[%swap3A_2395] {strides = array<i32>} : memref<512xf32, #tpu.memory_space<vmem>>, vector<16xf32>,
    tpu.vector_store %arg8[%swap3A_2395], %add3A_2394 {strides = array<i32>} : memref<512xf32, #tpu.memory_space<vmem>>, vector<16xf32>,
    %get3A_2397 = arith.constant 416 : index
    %get3A_2398 = tpu.vector_load %arg8[%get3A_2397] {strides = array<i32>} : memref<512xf32, #tpu.memory_space<vmem>>, vector<16xf32>,
    %get3A_2399 = arith.constant 0 : i32
    %get3A_2400 = arith.index_cast %get3A_2399 : i32 to index
    %get3A_2401 = arith.constant 3488 : index
    %get3A_2402 = tpu.vector_load %arg7[%get3A_2400, %get3A_2401] {strides = array<i32>} : memref<1x4608xf32, #tpu.memory_space<vmem>>, vector<16xf32>,
    %get3A_2403 = arith.constant 0 : i32
    %get3A_2404 = arith.index_cast %get3A_2403 : i32 to index
    %get3A_2405 = arith.constant 5024 : index
    %get3A_2406 = tpu.vector_load %arg6[%get3A_2404, %get3A_2405] {strides = array<i32>} : memref<1x6144xi32, #tpu.memory_space<vmem>>, vector<16xi32>,
    %convert_element_type3A_2407 = arith.sitofp %get3A_2406 : vector<16xi32> to vector<16xf32>
    %mul3A_2408 = arith.mulf %get3A_2402, %convert_element_type3A_2407 : vector<16xf32>
    %add3A_2409 = arith.addf %get3A_2398, %mul3A_2408 : vector<16xf32>
    %get3A_2410 = arith.constant 0 : i32
    %get3A_2411 = arith.index_cast %get3A_2410 : i32 to index
    %get3A_2412 = arith.constant 4000 : index
    %get3A_2413 = tpu.vector_load %arg7[%get3A_2411, %get3A_2412] {strides = array<i32>} : memref<1x4608xf32, #tpu.memory_space<vmem>>, vector<16xf32>,
    %get3A_2414 = arith.constant 0 : i32
    %get3A_2415 = arith.index_cast %get3A_2414 : i32 to index
    %get3A_2416 = arith.constant 5536 : index
    %get3A_2417 = tpu.vector_load %arg6[%get3A_2415, %get3A_2416] {strides = array<i32>} : memref<1x6144xi32, #tpu.memory_space<vmem>>, vector<16xi32>,
    %convert_element_type3A_2418 = arith.sitofp %get3A_2417 : vector<16xi32> to vector<16xf32>
    %mul3A_2419 = arith.mulf %get3A_2413, %convert_element_type3A_2418 : vector<16xf32>
    %add3A_2420 = arith.addf %add3A_2409, %mul3A_2419 : vector<16xf32>
    %get3A_2421 = arith.constant 0 : i32
    %get3A_2422 = arith.index_cast %get3A_2421 : i32 to index
    %get3A_2423 = arith.constant 4512 : index
    %get3A_2424 = tpu.vector_load %arg7[%get3A_2422, %get3A_2423] {strides = array<i32>} : memref<1x4608xf32, #tpu.memory_space<vmem>>, vector<16xf32>,
    %get3A_2425 = arith.constant 0 : i32
    %get3A_2426 = arith.index_cast %get3A_2425 : i32 to index
    %get3A_2427 = arith.constant 6048 : index
    %get3A_2428 = tpu.vector_load %arg6[%get3A_2426, %get3A_2427] {strides = array<i32>} : memref<1x6144xi32, #tpu.memory_space<vmem>>, vector<16xi32>,
    %convert_element_type3A_2429 = arith.sitofp %get3A_2428 : vector<16xi32> to vector<16xf32>
    %mul3A_2430 = arith.mulf %get3A_2424, %convert_element_type3A_2429 : vector<16xf32>
    %add3A_2431 = arith.addf %add3A_2420, %mul3A_2430 : vector<16xf32>
    %swap3A_2432 = arith.constant 416 : index
    %swap3A_2433 = tpu.vector_load %arg8[%swap3A_2432] {strides = array<i32>} : memref<512xf32, #tpu.memory_space<vmem>>, vector<16xf32>,
    tpu.vector_store %arg8[%swap3A_2432], %add3A_2431 {strides = array<i32>} : memref<512xf32, #tpu.memory_space<vmem>>, vector<16xf32>,
    %get3A_2434 = arith.constant 432 : index
    %get3A_2435 = tpu.vector_load %arg8[%get3A_2434] {strides = array<i32>} : memref<512xf32, #tpu.memory_space<vmem>>, vector<16xf32>,
    %get3A_2436 = arith.constant 0 : i32
    %get3A_2437 = arith.index_cast %get3A_2436 : i32 to index
    %get3A_2438 = arith.constant 3504 : index
    %get3A_2439 = tpu.vector_load %arg7[%get3A_2437, %get3A_2438] {strides = array<i32>} : memref<1x4608xf32, #tpu.memory_space<vmem>>, vector<16xf32>,
    %get3A_2440 = arith.constant 0 : i32
    %get3A_2441 = arith.index_cast %get3A_2440 : i32 to index
    %get3A_2442 = arith.constant 5040 : index
    %get3A_2443 = tpu.vector_load %arg6[%get3A_2441, %get3A_2442] {strides = array<i32>} : memref<1x6144xi32, #tpu.memory_space<vmem>>, vector<16xi32>,
    %convert_element_type3A_2444 = arith.sitofp %get3A_2443 : vector<16xi32> to vector<16xf32>
    %mul3A_2445 = arith.mulf %get3A_2439, %convert_element_type3A_2444 : vector<16xf32>
    %add3A_2446 = arith.addf %get3A_2435, %mul3A_2445 : vector<16xf32>
    %get3A_2447 = arith.constant 0 : i32
    %get3A_2448 = arith.index_cast %get3A_2447 : i32 to index
    %get3A_2449 = arith.constant 4016 : index
    %get3A_2450 = tpu.vector_load %arg7[%get3A_2448, %get3A_2449] {strides = array<i32>} : memref<1x4608xf32, #tpu.memory_space<vmem>>, vector<16xf32>,
    %get3A_2451 = arith.constant 0 : i32
    %get3A_2452 = arith.index_cast %get3A_2451 : i32 to index
    %get3A_2453 = arith.constant 5552 : index
    %get3A_2454 = tpu.vector_load %arg6[%get3A_2452, %get3A_2453] {strides = array<i32>} : memref<1x6144xi32, #tpu.memory_space<vmem>>, vector<16xi32>,
    %convert_element_type3A_2455 = arith.sitofp %get3A_2454 : vector<16xi32> to vector<16xf32>
    %mul3A_2456 = arith.mulf %get3A_2450, %convert_element_type3A_2455 : vector<16xf32>
    %add3A_2457 = arith.addf %add3A_2446, %mul3A_2456 : vector<16xf32>
    %get3A_2458 = arith.constant 0 : i32
    %get3A_2459 = arith.index_cast %get3A_2458 : i32 to index
    %get3A_2460 = arith.constant 4528 : index
    %get3A_2461 = tpu.vector_load %arg7[%get3A_2459, %get3A_2460] {strides = array<i32>} : memref<1x4608xf32, #tpu.memory_space<vmem>>, vector<16xf32>,
    %get3A_2462 = arith.constant 0 : i32
    %get3A_2463 = arith.index_cast %get3A_2462 : i32 to index
    %get3A_2464 = arith.constant 6064 : index
    %get3A_2465 = tpu.vector_load %arg6[%get3A_2463, %get3A_2464] {strides = array<i32>} : memref<1x6144xi32, #tpu.memory_space<vmem>>, vector<16xi32>,
    %convert_element_type3A_2466 = arith.sitofp %get3A_2465 : vector<16xi32> to vector<16xf32>
    %mul3A_2467 = arith.mulf %get3A_2461, %convert_element_type3A_2466 : vector<16xf32>
    %add3A_2468 = arith.addf %add3A_2457, %mul3A_2467 : vector<16xf32>
    %swap3A_2469 = arith.constant 432 : index
    %swap3A_2470 = tpu.vector_load %arg8[%swap3A_2469] {strides = array<i32>} : memref<512xf32, #tpu.memory_space<vmem>>, vector<16xf32>,
    tpu.vector_store %arg8[%swap3A_2469], %add3A_2468 {strides = array<i32>} : memref<512xf32, #tpu.memory_space<vmem>>, vector<16xf32>,
    %get3A_2471 = arith.constant 448 : index
    %get3A_2472 = tpu.vector_load %arg8[%get3A_2471] {strides = array<i32>} : memref<512xf32, #tpu.memory_space<vmem>>, vector<16xf32>,
    %get3A_2473 = arith.constant 0 : i32
    %get3A_2474 = arith.index_cast %get3A_2473 : i32 to index
    %get3A_2475 = arith.constant 3520 : index
    %get3A_2476 = tpu.vector_load %arg7[%get3A_2474, %get3A_2475] {strides = array<i32>} : memref<1x4608xf32, #tpu.memory_space<vmem>>, vector<16xf32>,
    %get3A_2477 = arith.constant 0 : i32
    %get3A_2478 = arith.index_cast %get3A_2477 : i32 to index
    %get3A_2479 = arith.constant 5056 : index
    %get3A_2480 = tpu.vector_load %arg6[%get3A_2478, %get3A_2479] {strides = array<i32>} : memref<1x6144xi32, #tpu.memory_space<vmem>>, vector<16xi32>,
    %convert_element_type3A_2481 = arith.sitofp %get3A_2480 : vector<16xi32> to vector<16xf32>
    %mul3A_2482 = arith.mulf %get3A_2476, %convert_element_type3A_2481 : vector<16xf32>
    %add3A_2483 = arith.addf %get3A_2472, %mul3A_2482 : vector<16xf32>
    %get3A_2484 = arith.constant 0 : i32
    %get3A_2485 = arith.index_cast %get3A_2484 : i32 to index
    %get3A_2486 = arith.constant 4032 : index
    %get3A_2487 = tpu.vector_load %arg7[%get3A_2485, %get3A_2486] {strides = array<i32>} : memref<1x4608xf32, #tpu.memory_space<vmem>>, vector<16xf32>,
    %get3A_2488 = arith.constant 0 : i32
    %get3A_2489 = arith.index_cast %get3A_2488 : i32 to index
    %get3A_2490 = arith.constant 5568 : index
    %get3A_2491 = tpu.vector_load %arg6[%get3A_2489, %get3A_2490] {strides = array<i32>} : memref<1x6144xi32, #tpu.memory_space<vmem>>, vector<16xi32>,
    %convert_element_type3A_2492 = arith.sitofp %get3A_2491 : vector<16xi32> to vector<16xf32>
    %mul3A_2493 = arith.mulf %get3A_2487, %convert_element_type3A_2492 : vector<16xf32>
    %add3A_2494 = arith.addf %add3A_2483, %mul3A_2493 : vector<16xf32>
    %get3A_2495 = arith.constant 0 : i32
    %get3A_2496 = arith.index_cast %get3A_2495 : i32 to index
    %get3A_2497 = arith.constant 4544 : index
    %get3A_2498 = tpu.vector_load %arg7[%get3A_2496, %get3A_2497] {strides = array<i32>} : memref<1x4608xf32, #tpu.memory_space<vmem>>, vector<16xf32>,
    %get3A_2499 = arith.constant 0 : i32
    %get3A_2500 = arith.index_cast %get3A_2499 : i32 to index
    %get3A_2501 = arith.constant 6080 : index
    %get3A_2502 = tpu.vector_load %arg6[%get3A_2500, %get3A_2501] {strides = array<i32>} : memref<1x6144xi32, #tpu.memory_space<vmem>>, vector<16xi32>,
    %convert_element_type3A_2503 = arith.sitofp %get3A_2502 : vector<16xi32> to vector<16xf32>
    %mul3A_2504 = arith.mulf %get3A_2498, %convert_element_type3A_2503 : vector<16xf32>
    %add3A_2505 = arith.addf %add3A_2494, %mul3A_2504 : vector<16xf32>
    %swap3A_2506 = arith.constant 448 : index
    %swap3A_2507 = tpu.vector_load %arg8[%swap3A_2506] {strides = array<i32>} : memref<512xf32, #tpu.memory_space<vmem>>, vector<16xf32>,
    tpu.vector_store %arg8[%swap3A_2506], %add3A_2505 {strides = array<i32>} : memref<512xf32, #tpu.memory_space<vmem>>, vector<16xf32>,
    %get3A_2508 = arith.constant 464 : index
    %get3A_2509 = tpu.vector_load %arg8[%get3A_2508] {strides = array<i32>} : memref<512xf32, #tpu.memory_space<vmem>>, vector<16xf32>,
    %get3A_2510 = arith.constant 0 : i32
    %get3A_2511 = arith.index_cast %get3A_2510 : i32 to index
    %get3A_2512 = arith.constant 3536 : index
    %get3A_2513 = tpu.vector_load %arg7[%get3A_2511, %get3A_2512] {strides = array<i32>} : memref<1x4608xf32, #tpu.memory_space<vmem>>, vector<16xf32>,
    %get3A_2514 = arith.constant 0 : i32
    %get3A_2515 = arith.index_cast %get3A_2514 : i32 to index
    %get3A_2516 = arith.constant 5072 : index
    %get3A_2517 = tpu.vector_load %arg6[%get3A_2515, %get3A_2516] {strides = array<i32>} : memref<1x6144xi32, #tpu.memory_space<vmem>>, vector<16xi32>,
    %convert_element_type3A_2518 = arith.sitofp %get3A_2517 : vector<16xi32> to vector<16xf32>
    %mul3A_2519 = arith.mulf %get3A_2513, %convert_element_type3A_2518 : vector<16xf32>
    %add3A_2520 = arith.addf %get3A_2509, %mul3A_2519 : vector<16xf32>
    %get3A_2521 = arith.constant 0 : i32
    %get3A_2522 = arith.index_cast %get3A_2521 : i32 to index
    %get3A_2523 = arith.constant 4048 : index
    %get3A_2524 = tpu.vector_load %arg7[%get3A_2522, %get3A_2523] {strides = array<i32>} : memref<1x4608xf32, #tpu.memory_space<vmem>>, vector<16xf32>,
    %get3A_2525 = arith.constant 0 : i32
    %get3A_2526 = arith.index_cast %get3A_2525 : i32 to index
    %get3A_2527 = arith.constant 5584 : index
    %get3A_2528 = tpu.vector_load %arg6[%get3A_2526, %get3A_2527] {strides = array<i32>} : memref<1x6144xi32, #tpu.memory_space<vmem>>, vector<16xi32>,
    %convert_element_type3A_2529 = arith.sitofp %get3A_2528 : vector<16xi32> to vector<16xf32>
    %mul3A_2530 = arith.mulf %get3A_2524, %convert_element_type3A_2529 : vector<16xf32>
    %add3A_2531 = arith.addf %add3A_2520, %mul3A_2530 : vector<16xf32>
    %get3A_2532 = arith.constant 0 : i32
    %get3A_2533 = arith.index_cast %get3A_2532 : i32 to index
    %get3A_2534 = arith.constant 4560 : index
    %get3A_2535 = tpu.vector_load %arg7[%get3A_2533, %get3A_2534] {strides = array<i32>} : memref<1x4608xf32, #tpu.memory_space<vmem>>, vector<16xf32>,
    %get3A_2536 = arith.constant 0 : i32
    %get3A_2537 = arith.index_cast %get3A_2536 : i32 to index
    %get3A_2538 = arith.constant 6096 : index
    %get3A_2539 = tpu.vector_load %arg6[%get3A_2537, %get3A_2538] {strides = array<i32>} : memref<1x6144xi32, #tpu.memory_space<vmem>>, vector<16xi32>,
    %convert_element_type3A_2540 = arith.sitofp %get3A_2539 : vector<16xi32> to vector<16xf32>
    %mul3A_2541 = arith.mulf %get3A_2535, %convert_element_type3A_2540 : vector<16xf32>
    %add3A_2542 = arith.addf %add3A_2531, %mul3A_2541 : vector<16xf32>
    %swap3A_2543 = arith.constant 464 : index
    %swap3A_2544 = tpu.vector_load %arg8[%swap3A_2543] {strides = array<i32>} : memref<512xf32, #tpu.memory_space<vmem>>, vector<16xf32>,
    tpu.vector_store %arg8[%swap3A_2543], %add3A_2542 {strides = array<i32>} : memref<512xf32, #tpu.memory_space<vmem>>, vector<16xf32>,
    %get3A_2545 = arith.constant 480 : index
    %get3A_2546 = tpu.vector_load %arg8[%get3A_2545] {strides = array<i32>} : memref<512xf32, #tpu.memory_space<vmem>>, vector<16xf32>,
    %get3A_2547 = arith.constant 0 : i32
    %get3A_2548 = arith.index_cast %get3A_2547 : i32 to index
    %get3A_2549 = arith.constant 3552 : index
    %get3A_2550 = tpu.vector_load %arg7[%get3A_2548, %get3A_2549] {strides = array<i32>} : memref<1x4608xf32, #tpu.memory_space<vmem>>, vector<16xf32>,
    %get3A_2551 = arith.constant 0 : i32
    %get3A_2552 = arith.index_cast %get3A_2551 : i32 to index
    %get3A_2553 = arith.constant 5088 : index
    %get3A_2554 = tpu.vector_load %arg6[%get3A_2552, %get3A_2553] {strides = array<i32>} : memref<1x6144xi32, #tpu.memory_space<vmem>>, vector<16xi32>,
    %convert_element_type3A_2555 = arith.sitofp %get3A_2554 : vector<16xi32> to vector<16xf32>
    %mul3A_2556 = arith.mulf %get3A_2550, %convert_element_type3A_2555 : vector<16xf32>
    %add3A_2557 = arith.addf %get3A_2546, %mul3A_2556 : vector<16xf32>
    %get3A_2558 = arith.constant 0 : i32
    %get3A_2559 = arith.index_cast %get3A_2558 : i32 to index
    %get3A_2560 = arith.constant 4064 : index
    %get3A_2561 = tpu.vector_load %arg7[%get3A_2559, %get3A_2560] {strides = array<i32>} : memref<1x4608xf32, #tpu.memory_space<vmem>>, vector<16xf32>,
    %get3A_2562 = arith.constant 0 : i32
    %get3A_2563 = arith.index_cast %get3A_2562 : i32 to index
    %get3A_2564 = arith.constant 5600 : index
    %get3A_2565 = tpu.vector_load %arg6[%get3A_2563, %get3A_2564] {strides = array<i32>} : memref<1x6144xi32, #tpu.memory_space<vmem>>, vector<16xi32>,
    %convert_element_type3A_2566 = arith.sitofp %get3A_2565 : vector<16xi32> to vector<16xf32>
    %mul3A_2567 = arith.mulf %get3A_2561, %convert_element_type3A_2566 : vector<16xf32>
    %add3A_2568 = arith.addf %add3A_2557, %mul3A_2567 : vector<16xf32>
    %get3A_2569 = arith.constant 0 : i32
    %get3A_2570 = arith.index_cast %get3A_2569 : i32 to index
    %get3A_2571 = arith.constant 4576 : index
    %get3A_2572 = tpu.vector_load %arg7[%get3A_2570, %get3A_2571] {strides = array<i32>} : memref<1x4608xf32, #tpu.memory_space<vmem>>, vector<16xf32>,
    %get3A_2573 = arith.constant 0 : i32
    %get3A_2574 = arith.index_cast %get3A_2573 : i32 to index
    %get3A_2575 = arith.constant 6112 : index
    %get3A_2576 = tpu.vector_load %arg6[%get3A_2574, %get3A_2575] {strides = array<i32>} : memref<1x6144xi32, #tpu.memory_space<vmem>>, vector<16xi32>,
    %convert_element_type3A_2577 = arith.sitofp %get3A_2576 : vector<16xi32> to vector<16xf32>
    %mul3A_2578 = arith.mulf %get3A_2572, %convert_element_type3A_2577 : vector<16xf32>
    %add3A_2579 = arith.addf %add3A_2568, %mul3A_2578 : vector<16xf32>
    %swap3A_2580 = arith.constant 480 : index
    %swap3A_2581 = tpu.vector_load %arg8[%swap3A_2580] {strides = array<i32>} : memref<512xf32, #tpu.memory_space<vmem>>, vector<16xf32>,
    tpu.vector_store %arg8[%swap3A_2580], %add3A_2579 {strides = array<i32>} : memref<512xf32, #tpu.memory_space<vmem>>, vector<16xf32>,
    %get3A_2582 = arith.constant 496 : index
    %get3A_2583 = tpu.vector_load %arg8[%get3A_2582] {strides = array<i32>} : memref<512xf32, #tpu.memory_space<vmem>>, vector<16xf32>,
    %get3A_2584 = arith.constant 0 : i32
    %get3A_2585 = arith.index_cast %get3A_2584 : i32 to index
    %get3A_2586 = arith.constant 3568 : index
    %get3A_2587 = tpu.vector_load %arg7[%get3A_2585, %get3A_2586] {strides = array<i32>} : memref<1x4608xf32, #tpu.memory_space<vmem>>, vector<16xf32>,
    %get3A_2588 = arith.constant 0 : i32
    %get3A_2589 = arith.index_cast %get3A_2588 : i32 to index
    %get3A_2590 = arith.constant 5104 : index
    %get3A_2591 = tpu.vector_load %arg6[%get3A_2589, %get3A_2590] {strides = array<i32>} : memref<1x6144xi32, #tpu.memory_space<vmem>>, vector<16xi32>,
    %convert_element_type3A_2592 = arith.sitofp %get3A_2591 : vector<16xi32> to vector<16xf32>
    %mul3A_2593 = arith.mulf %get3A_2587, %convert_element_type3A_2592 : vector<16xf32>
    %add3A_2594 = arith.addf %get3A_2583, %mul3A_2593 : vector<16xf32>
    %get3A_2595 = arith.constant 0 : i32
    %get3A_2596 = arith.index_cast %get3A_2595 : i32 to index
    %get3A_2597 = arith.constant 4080 : index
    %get3A_2598 = tpu.vector_load %arg7[%get3A_2596, %get3A_2597] {strides = array<i32>} : memref<1x4608xf32, #tpu.memory_space<vmem>>, vector<16xf32>,
    %get3A_2599 = arith.constant 0 : i32
    %get3A_2600 = arith.index_cast %get3A_2599 : i32 to index
    %get3A_2601 = arith.constant 5616 : index
    %get3A_2602 = tpu.vector_load %arg6[%get3A_2600, %get3A_2601] {strides = array<i32>} : memref<1x6144xi32, #tpu.memory_space<vmem>>, vector<16xi32>,
    %convert_element_type3A_2603 = arith.sitofp %get3A_2602 : vector<16xi32> to vector<16xf32>
    %mul3A_2604 = arith.mulf %get3A_2598, %convert_element_type3A_2603 : vector<16xf32>
    %add3A_2605 = arith.addf %add3A_2594, %mul3A_2604 : vector<16xf32>
    %get3A_2606 = arith.constant 0 : i32
    %get3A_2607 = arith.index_cast %get3A_2606 : i32 to index
    %get3A_2608 = arith.constant 4592 : index
    %get3A_2609 = tpu.vector_load %arg7[%get3A_2607, %get3A_2608] {strides = array<i32>} : memref<1x4608xf32, #tpu.memory_space<vmem>>, vector<16xf32>,
    %get3A_2610 = arith.constant 0 : i32
    %get3A_2611 = arith.index_cast %get3A_2610 : i32 to index
    %get3A_2612 = arith.constant 6128 : index
    %get3A_2613 = tpu.vector_load %arg6[%get3A_2611, %get3A_2612] {strides = array<i32>} : memref<1x6144xi32, #tpu.memory_space<vmem>>, vector<16xi32>,
    %convert_element_type3A_2614 = arith.sitofp %get3A_2613 : vector<16xi32> to vector<16xf32>
    %mul3A_2615 = arith.mulf %get3A_2609, %convert_element_type3A_2614 : vector<16xf32>
    %add3A_2616 = arith.addf %add3A_2605, %mul3A_2615 : vector<16xf32>
    %swap3A_2617 = arith.constant 496 : index
    %swap3A_2618 = tpu.vector_load %arg8[%swap3A_2617] {strides = array<i32>} : memref<512xf32, #tpu.memory_space<vmem>>, vector<16xf32>,
    tpu.vector_store %arg8[%swap3A_2617], %add3A_2616 {strides = array<i32>} : memref<512xf32, #tpu.memory_space<vmem>>, vector<16xf32>,
    %add3A_2619 = arith.constant 256 : i32
    %add3A_2620 = arith.addi %mul3A_2, %add3A_2619 : i32
    %dma_start3A_2621 = arith.constant 256 : i32
    %dma_start3A_2622 = tpu.memref_slice %arg8[%dma_start3A_2621] : memref<512xf32, #tpu.memory_space<vmem>> -> memref<256xf32, #tpu.memory_space<vmem>>
    %dma_start3A_2623 = tpu.memref_slice %arg5[%add3A_2620] : memref<16384xf32, #tpu.memory_space<hbm>> -> memref<256xf32, #tpu.memory_space<hbm>>
    %dma_start3A_2624 = tpu.memref_slice %arg5[%add3A_2620] : memref<16384xf32, #tpu.memory_space<hbm>> -> memref<256xf32, #tpu.memory_space<hbm>>
    %dma_start3A_2625 = arith.constant 256 : i32
    %dma_start3A_2626 = tpu.memref_slice %arg8[%dma_start3A_2625] : memref<512xf32, #tpu.memory_space<vmem>> -> memref<256xf32, #tpu.memory_space<vmem>>
    tpu.enqueue_dma source(%dma_start3A_2626 : memref<256xf32, #tpu.memory_space<vmem>>) target(%dma_start3A_2624 : memref<256xf32, #tpu.memory_space<hbm>>) target_semaphore(%arg11 : memref<!tpu.dma_semaphore, #tpu.memory_space<semaphore_mem>>)
    %dma_wait3A_2627 = arith.constant 0 : i32
    %dma_wait3A_2628 = tpu.memref_slice %arg8[%dma_wait3A_2627] : memref<512xf32, #tpu.memory_space<vmem>> -> memref<256xf32, #tpu.memory_space<vmem>>
    %dma_wait3A_2629 = tpu.memref_slice %arg5[%add3A_2020] : memref<16384xf32, #tpu.memory_space<hbm>> -> memref<256xf32, #tpu.memory_space<hbm>>
    %dma_wait3A_2630 = tpu.memref_slice %arg5[%add3A_2020] : memref<16384xf32, #tpu.memory_space<hbm>> -> memref<256xf32, #tpu.memory_space<hbm>>
    %dma_wait3A_2631 = arith.constant 0 : i32
    %dma_wait3A_2632 = tpu.memref_slice %arg8[%dma_wait3A_2631] : memref<512xf32, #tpu.memory_space<vmem>> -> memref<256xf32, #tpu.memory_space<vmem>>
    tpu.wait_dma2 semaphore(%arg11 : memref<!tpu.dma_semaphore, #tpu.memory_space<semaphore_mem>>) src(%dma_wait3A_2632 : memref<256xf32, #tpu.memory_space<vmem>>) dst(%dma_wait3A_2630 : memref<256xf32, #tpu.memory_space<hbm>>)
    %dma_wait3A_2633 = arith.constant 256 : i32
    %dma_wait3A_2634 = tpu.memref_slice %arg8[%dma_wait3A_2633] : memref<512xf32, #tpu.memory_space<vmem>> -> memref<256xf32, #tpu.memory_space<vmem>>
    %dma_wait3A_2635 = tpu.memref_slice %arg5[%add3A_2620] : memref<16384xf32, #tpu.memory_space<hbm>> -> memref<256xf32, #tpu.memory_space<hbm>>
    %dma_wait3A_2636 = tpu.memref_slice %arg5[%add3A_2620] : memref<16384xf32, #tpu.memory_space<hbm>> -> memref<256xf32, #tpu.memory_space<hbm>>
    %dma_wait3A_2637 = arith.constant 256 : i32
    %dma_wait3A_2638 = tpu.memref_slice %arg8[%dma_wait3A_2637] : memref<512xf32, #tpu.memory_space<vmem>> -> memref<256xf32, #tpu.memory_space<vmem>>
    tpu.wait_dma2 semaphore(%arg11 : memref<!tpu.dma_semaphore, #tpu.memory_space<semaphore_mem>>) src(%dma_wait3A_2638 : memref<256xf32, #tpu.memory_space<vmem>>) dst(%dma_wait3A_2636 : memref<256xf32, #tpu.memory_space<hbm>>)
    return
  }
}

</mosaic_0001>

<sc_bundles>
// kernel: kernel.3.cloned.1.call-start
scs
__scs_entry_jumppad:
0x0: {  	(pc) =	sbr.rel $0x88, $3  }
0x1: {  	(tag) =	ssettag $0x0;
	lr =	simm.s32 $0x1  }
0x2: {  	[smem:$0x3F9E] =	sst lr;
	_ =	strace $0xD0000000  }
0x3: {  	_ = 	snop  }
0x4: {  	_ = 	snop  }
0x5: {  	_ = 	snop  }
0x6: {  	_ = 	snop  }
0x7: {  	_ = 	snop  }
__scs_overlays_trampoline_lowered:
0x8: {  	[smem:$0x3FAD] =	sst s0  }
0x9: {  	[smem:$0x3FAE] =	sst s1  }
0xa: {  	[smem:$0x3FAF] =	sst s2  }
0xb: {  	[smem:$0x3FB0] =	sst s3  }
0xc: {  	[smem:$0x3FB1] =	sst s4  }
0xd: {  	[smem:$0x3FB2] =	sst s5  }
0xe: {  	[smem:$0x3FB3] =	sst s6  }
0xf: {  	[smem:$0x3FB4] =	sst s7  }
0x10: {  	[smem:$0x3FB5] =	sst s8  }
0x11: {  	[smem:$0x3FB6] =	sst s9;
	s0 =	simm.s32 @!p0 $0x0  }
0x12: {  	s1 =	sld [smem:$0x3F9C];
	s0 =	simm.s32 @p0 $0x1  }
0x13: {  	[smem:$0x3FB7] =	sst s0;
	s0 =	simm.s32 @!p1 $0x0  }
0x14: {  	s2 =	sld [smem:$0x3F9B];
	s0 =	simm.s32 @p1 $0x1  }
0x15: {  	[smem:$0x3FB8] =	sst s0;
	s0 =	simm.s32 @!p2 $0x0  }
0x16: {  	s3 =	sld [smem:$0x3FDB];
	s0 =	simm.s32 @p2 $0x1  }
0x17: {  	s4 =	simm.s32 $0x1BF5;
	[smem:$0x3FBA] =	sst s0  }
0x18: {  	s0 =	sld [smem:$0x3F9D];
	_ =	swait.ge [sflag:s4], $0x0  }
0x19: {  	s7 =	sld [smem:$0x3F9E]  }
0x1a: {  	s8 =	sadd.s32 $0xFFFFE003, lr  }
0x1b: {  	s9 =	sadd.s32 $0xFFFFFEF7, lr;
	s5 =	simm.s32 $0xFFFFFFFF;
	p2 =	slt.u32 s8, $0xFFFFF086  }
0x1c: {  	p1 =	slt.u32 s9, $0xF7A;
	s5 =	simm.s32 @!p2 $0x0  }
0x1d: {  	s5 =	simm.s32 @p1 $0x1;
	p0 =	seq.s32 s7, s2  }
0x1e: {  	s7 =	smul.u32 @!p0 $0xF7A, s2;
	p2 =	seq.s32 @!p0 s5, $0x0  }
0x1f: {  	s9 =	smul.u32 $0xF7A, s1;
	s8 =	simm.s32 @!p0 $0x1BF5;
	p2 =	por !p2, p0  }
0x20: {  	[sflag:s8] =	ssyncset.s32 @!p0 $0xFFFFF086;
	s6 =	sadd.s32 @!p0 s3, s7;
	s7 =	simm.s32 @!p0 $0x108  }
0x21: {  	s3 =	sadd.s32 s3, s9;
	s6 =	sadd.s32 @!p0 $0x88, s6;
	s7 =	simm.s32 @p2 $0x1082  }
0x22: {  	[simem:s7], [sflag:s8] =	dma.local @!p0 [hbm:s6], $0xF7A  }
0x23: {  	s9 =	sor.u32 $0xD0000000, s2;
	s6 =	simm.s32 $0x108;
	_ =	swait.ge @!p0 [sflag:s8], $0x0  }
0x24: {  	s3 =	sadd.s32 $0x88, s3;
	s6 =	simm.s32 @!p1 $0x1082;
	[sflag:s4] =	ssyncset.s32 $0xFFFFF086  }
0x25: {  	[simem:s6], [sflag:s4] =	dma.local [hbm:s3], $0xF7A  }
0x26: {  	[smem:$0x3F9E] =	sst s1;
	(tag) =	ssettag s2;
	_ =	strace s9  }
0x27: {  	s1 =	sld [smem:$0x3FAE]  }
0x28: {  	s2 =	sld [smem:$0x3FAF]  }
0x29: {  	s4 =	sld [smem:$0x3FB1]  }
0x2a: {  	p0 =	seq.s32 s5, $0x0;
	s5 =	sld [smem:$0x3FB2]  }
0x2b: {  	s6 =	sld [smem:$0x3FB3]  }
0x2c: {  	s7 =	sld [smem:$0x3FB4]  }
0x2d: {  	s3 =	simm.s32 $0x108;
	s8 =	sld [smem:$0x3FB5]  }
0x2e: {  	s3 =	simm.s32 @!p0 $0x1082;
	s9 =	sld [smem:$0x3FB6]  }
0x2f: {  	lr =	sadd.s32 s0, s3;
	s0 =	sld [smem:$0x3FAD]  }
0x30: {  	s3 =	sld [smem:$0x3FB0]  }
0x31: {  	[smem:$0x3FB9] =	sst s10  }
0x32: {  	s10 =	sld [smem:$0x3FB7];
	_ =	sdelay $0x3  }
0x33: {  	p0 =	seq.s32 s10, $0x1;
	s10 =	sld [smem:$0x3FB9];
	_ =	sdelay $0x3  }
0x34: {  	[smem:$0x3FB9] =	sst s10  }
0x35: {  	s10 =	sld [smem:$0x3FB8];
	_ =	sdelay $0x3  }
0x36: {  	p1 =	seq.s32 s10, $0x1;
	s10 =	sld [smem:$0x3FB9];
	_ =	sdelay $0x3  }
0x37: {  	[smem:$0x3FB9] =	sst s10  }
0x38: {  	s10 =	sld [smem:$0x3FBA]  }
0x39: {  	_ = 	snop;
	(pc) =	sbr.ind lr, $3  }
0x3a: {  	_ = 	snop  }
0x3b: {  	_ = 	snop  }
0x3c: {  	p2 =	seq.s32 s10, $0x1;
	s10 =	sld [smem:$0x3FB9]  }
0x3d: {  	_ =	shalt  }
0x3e: {  	_ =	shalt  }
0x3f: {  	_ =	shalt  }
0x40: {  	_ =	shalt  }
0x41: {  	_ =	shalt  }
0x42: {  	_ =	shalt  }
0x43: {  	_ =	shalt  }
0x44: {  	_ =	shalt  }
0x45: {  	_ =	shalt  }
0x46: {  	_ =	shalt  }
0x47: {  	_ =	shalt  }
0x48: {  	_ =	shalt  }
0x49: {  	_ =	shalt  }
0x4a: {  	_ =	shalt  }
0x4b: {  	_ =	shalt  }
0x4c: {  	_ =	shalt  }
0x4d: {  	_ =	shalt  }
0x4e: {  	_ =	shalt  }
0x4f: {  	_ =	shalt  }
0x50: {  	_ =	shalt  }
0x51: {  	_ =	shalt  }
0x52: {  	_ =	shalt  }
0x53: {  	_ =	shalt  }
0x54: {  	_ =	shalt  }
0x55: {  	_ =	shalt  }
0x56: {  	_ =	shalt  }
0x57: {  	_ =	shalt  }
0x58: {  	_ =	shalt  }
0x59: {  	_ =	shalt  }
0x5a: {  	_ =	shalt  }
0x5b: {  	_ =	shalt  }
0x5c: {  	_ =	shalt  }
0x5d: {  	_ =	shalt  }
0x5e: {  	_ =	shalt  }
0x5f: {  	_ =	shalt  }
0x60: {  	_ =	shalt  }
0x61: {  	_ =	shalt  }
0x62: {  	_ =	shalt  }
0x63: {  	_ =	shalt  }
0x64: {  	_ =	shalt  }
0x65: {  	_ =	shalt  }
0x66: {  	_ =	shalt  }
0x67: {  	_ =	shalt  }
0x68: {  	_ =	shalt  }
0x69: {  	_ =	shalt  }
0x6a: {  	_ =	shalt  }
0x6b: {  	_ =	shalt  }
0x6c: {  	_ =	shalt  }
0x6d: {  	_ =	shalt  }
0x6e: {  	_ =	shalt  }
0x6f: {  	_ =	shalt  }
0x70: {  	_ =	shalt  }
0x71: {  	_ =	shalt  }
0x72: {  	_ =	shalt  }
0x73: {  	_ =	shalt  }
0x74: {  	_ =	shalt  }
0x75: {  	_ =	shalt  }
0x76: {  	_ =	shalt  }
0x77: {  	_ =	shalt  }
0x78: {  	_ =	shalt  }
0x79: {  	_ =	shalt  }
0x7a: {  	_ =	shalt  }
0x7b: {  	_ =	shalt  }
0x7c: {  	_ =	shalt  }
0x7d: {  	_ =	shalt  }
0x7e: {  	_ =	shalt  }
0x7f: {  	_ =	shalt  }
0x80: {  	_ =	shalt  }
0x81: {  	_ =	shalt  }
0x82: {  	_ =	shalt  }
0x83: {  	_ =	shalt  }
0x84: {  	_ =	shalt  }
0x85: {  	_ =	shalt  }
0x86: {  	_ =	shalt  }
0x87: {  	_ =	shalt  }
.Lfunc_end0:
.L_simem_size_0:
called_computation_lowered:
.L_overlay_start_0:
0x88: {  	s2 =	sld [smem:$0x3FD9]  }
0x89: {  	s3 =	sld [smem:$0x3FFE];
	_ =	sdelay $0x1  }
0x8a: {  	s1 =	srdreg.scid  }
0x8b: {  	s0 =	sand.u32 $0x1, s1  }
0x8c: {  	s18 =	sshll.u32 s0, $0xA;
	s2 =	sadd.s32 s3, s2  }
0x8d: {  	s2 =	sadd.s32 s2, s18  }
0x8e: {  	[smem:$0x3FC5] =	sst s2  }
0x8f: {  	_ = 	snop  }
0x90: {  	s2 =	sld [smem:$0x3FC9]  }
0x91: {  	s19 =	sld [smem:$0x3FC8]  }
0x92: {  	s4 =	sld [smem:$0x3FC7]  }
0x93: {  	s5 =	sld [smem:$0x3FD0];
	(tm) =	ssettm $0x1  }
0x94: {  	s6 =	sld [smem:$0x3FFB];
	_ =	sdelay $0x3  }
0x95: {  	_ =	strace s6  }
0x96: {  	s6 =	sld [smem:$0x3FFC];
	_ =	sdelay $0x3  }
0x97: {  	_ =	strace s6  }
0x98: {  	s6 =	sld [smem:$0x3FFD];
	_ =	sdelay $0x3  }
0x99: {  	_ =	strace s6  }
0x9a: {  	_ =	strace $0x8FFFFFFF  }
0x9b: {  	s20 =	sld [smem:$0x3FDB];
	_ =	sdelay $0x1  }
0x9c: {  	s7 =	simm.s32 $_scs_section_size  }
0x9d: {  	s8 =	simm.s32 $_size__tile_overlayer_lowered;
	s9 =	simm.s32 $_tile_overlayer_lowered  }
0x9e: {  	s23 =	simm.s32 $0x1BFF;
	s22 =	sshll.u32 s9, $0x1;
	s6 =	sadd.s32 s7, s20  }
0x9f: {  	s10 =	simm.s32 $0x0;
	s21 =	sshll.u32 s8, $0x1;
	s8 =	sadd.s32 s22, s6  }
0xa0: {  	[timem:s10], [sflag:s23] =	dma.local [hbm:s8], s21  }
0xa1: {  	_ =	swait.ge [sflag:s23], s21  }
0xa2: {  	s7 =	ssub.s32 $0x0, s21;
	[sflag:s23] =	ssyncset.done $0x0  }
0xa3: {  	[sflag:s23] =	ssyncadd.s32 s7;
	_ =	sdelay $0x1  }
0xa4: {  	s24 =	simm.s32 $0x1B8B  }
0xa5: {  	_ =	swait.ge [sflag:s24], $0x1  }
0xa6: {  	[sflag:s24] =	ssyncset.done $0x0  }
0xa7: {  	s25 =	simm.s32 $0x1B8E;
	[sflag:s24] =	ssyncadd.s32 $0xFFFFFFFF  }
0xa8: {  	s26 =	simm.s32 $execute0_lowered;
	[smem:$0x3FD2] =	sst s25  }
0xa9: {  	s7 =	sshll.u32 s26, $0x1;
	_ =	strace $0x80000046;
	[dreg:$0x1] =	wrdreg $0xFFFFFFFF  }
0xaa: {  	s28 =	simm.s32 $_size_execute0_lowered;
	s6 =	sadd.s32 s6, s7;
	[dreg:$0x0] =	wrdreg $0x0  }
0xab: {  	s7 =	sshll.u32 s28, $0x1;
	[dreg:$0x2] =	wrdreg s6  }
0xac: {  	[dreg:$0x3] =	wrdreg s7  }
0xad: {  	[dreg:$0x4] =	wrdreg $0xC0  }
0xae: {  	_ =	task [dreg:s10], $0x5FFFF  }
0xaf: {  	[dreg:$0x1] =	wrdreg $0xFFFFFFFF  }
0xb0: {  	[dreg:$0x0] =	wrdreg $0x60  }
0xb1: {  	[dreg:$0x2] =	wrdreg s2  }
0xb2: {  	[dreg:$0x3] =	wrdreg s19  }
0xb3: {  	[dreg:$0x4] =	wrdreg s4  }
0xb4: {  	[dreg:$0x5] =	wrdreg s5  }
0xb5: {  	[dreg:$0x6] =	wrdreg $0x9  }
0xb6: {  	_ =	task.clear_ibuf [dreg:s10], $0x7FFFF;
	_ =	strace $0x90000046  }
0xb7: {  	s29 =	simm.s32 $0x9;
	_ =	strace $0x80000048  }
0xb8: {  	_ =	swait.ge [sflag:s29], $0x1  }
0xb9: {  	[sflag:s29] =	ssyncadd.s32 $0xFFFFFFFF  }
0xba: {  	_ =	strace $0x90000048  }
0xbb: {  	_ =	sfence  }
0xbc: {  	s30 =	sld [smem:$0x0];
	_ =	sdelay $0x2  }
0xbd: {  	s31 =	sshll.u32 s1, $0xD;
	s1 =	sshrl.u32 s1, $0x2  }
0xbe: {  	s3 =	sand.u32 $0x4000, s31;
	s1 =	sadd.s32 s1, s30  }
0xbf: {  	s0 =	sor.u32 s3, s0;
	s1 =	sshll.u32 s1, $0x11  }
0xc0: {  	s0 =	sor.u32 s1, s0  }
0xc1: {  	s0 =	sadd.s32 $0x8F2B, s0  }
0xc2: {  	[sflag:s0] =	ssyncadd.remote.s32 $0x1  }
0xc3: {  	_ =	sfence.sel $0xFFFF  }
0xc4: {  	[dreg:$0x0] =	wrdreg $0xFFFFFFFF;
	(pc) =	sbr.abs _section_cstart, $3  }
0xc5: {  	[dreg:$0x1] =	wrdreg $0xFFFFFFFF  }
0xc6: {  	_ =	task.clear_ibuf [dreg:s10], $0x2FFFF;
	_ =	strace $0x9FFFFFFF  }
0xc7: {  	(tm) =	ssettm $0x7FFFFFFF  }
tec
execute0_lowered:
.L_overlay_start_1:
0x0: {  	(tag) =	ssettag $0x1  }
0x1: {  	s2 =	rddreg [dreg:$0x0]  }
0x2: {  	s1 =	rddreg [dreg:$0x1]  }
0x3: {  	s0 =	rddreg [dreg:$0x2];
	s3 =	srdreg.scid  }
0x4: {  	s18 =	stileid.u32;
	s6 =	rddreg [dreg:$0x3];
	s13 =	simm.s32 $0x1200  }
0x5: {  	[dreg:$0x5] =	wrdreg s0;
	s5 =	sand.u32 $0x1, s3;
	s3 =	simm.s32 $0x0  }
0x6: {  	s14 =	simm.s32 $0x1400;
	s15 =	simm.s32 $0x1600;
	[smem:$0x7FF] =	sst s3  }
0x7: {  	s16 =	simm.s32 $0x1800;
	_ =	strace $0x80000047;
	[dreg:$0x12] =	wrdreg s13  }
0x8: {  	s17 =	simm.s32 $0x1A00;
	s28 =	simm.s32 $0x1;
	[dreg:$0x13] =	wrdreg s14  }
0x9: {  	s29 =	simm.s32 $0xC;
	s30 =	simm.s32 $0xD;
	[dreg:$0x14] =	wrdreg s15  }
0xa: {  	s4 =	sshll.u32 s18, $0xA;
	s7 =	sshll.u32 s5, $0x9;
	[dreg:$0x15] =	wrdreg s16  }
0xb: {  	s18 =	simm.s32 $0x1C00;
	s7 =	sor.u32 s7, s4;
	[dreg:$0x16] =	wrdreg s17  }
0xc: {  	s31 =	simm.s32 $0xE;
	[dreg:$0x17] =	wrdreg s18;
	s19 =	sadd.s32 s2, s7  }
0xd: {  	s8 =	ssub.s32 $0x2, s5;
	s2 =	sadd.s32 $0x10, s19;
	[smem:$0x7FC] =	sst s19  }
0xe: {  	s11 =	sshrl.u32 s8, $0x1;
	s20 =	sadd.s32 $0x20, s19;
	[dreg:$0x6] =	wrdreg s2  }
0xf: {  	s16 =	simm.s32 $0x3;
	s21 =	sadd.s32 $0x30, s19;
	[dreg:$0x7] =	wrdreg s20  }
0x10: {  	s17 =	simm.s32 $0x4;
	s22 =	sadd.s32 $0x40, s19;
	[dreg:$0x8] =	wrdreg s21  }
0x11: {  	s18 =	simm.s32 $0x5;
	s23 =	sadd.s32 $0x50, s19;
	[dreg:$0x9] =	wrdreg s22  }
0x12: {  	s13 =	simm.s32 $0x600;
	s24 =	sadd.s32 $0x60, s19;
	[dreg:$0xa] =	wrdreg s23  }
0x13: {  	s14 =	simm.s32 $0x800;
	s25 =	sadd.s32 $0x70, s19;
	[dreg:$0xb] =	wrdreg s24  }
0x14: {  	s15 =	simm.s32 $0xA00;
	s26 =	sadd.s32 $0x4000, s19;
	[dreg:$0xc] =	wrdreg s25  }
0x15: {  	s7 =	sshrl.u32 s7, $0x3;
	s4 =	sadd.s32 $0x4010, s19;
	[dreg:$0xd] =	wrdreg s26  }
0x16: {  	s5 =	sadd.s32 $0x4020, s19;
	s9 =	sadd.s32 $0x4030, s19;
	[dreg:$0xe] =	wrdreg s4  }
0x17: {  	s10 =	sadd.s32 s6, s7;
	s6 =	ssub.s32 s8, s11;
	[dreg:$0xf] =	wrdreg s5  }
0x18: {  	s7 =	simm.s32 $0x80;
	s8 =	simm.s32 $0x400;
	[dreg:$0x10] =	wrdreg s9  }
0x19: {  	s19 =	simm.s32 $0x1E00;
	[smem:$0x7FD] =	sst s10;
	s12 =	sadd.s32 $0x20, s10  }
0x1a: {  	s6 =	smax.u32 s6, $0x1;
	s9 =	simm.s32 $0x200;
	[dreg:$0x18] =	wrdreg s19  }
0x1b: {  	s20 =	simm.s32 $0x2000;
	s21 =	simm.s32 $0x2200;
	[dreg:$0x11] =	wrdreg s12  }
0x1c: {  	s19 =	simm.s32 $0x6;
	s22 =	simm.s32 $0x2400;
	[dreg:$0x19] =	wrdreg s20  }
0x1d: {  	s23 =	simm.s32 $0x2600;
	s24 =	simm.s32 $0x2800;
	[dreg:$0x1a] =	wrdreg s21  }
0x1e: {  	s25 =	simm.s32 $0x2A00;
	s26 =	simm.s32 $0x2B00;
	[dreg:$0x1b] =	wrdreg s22  }
0x1f: {  	s2 =	simm.s32 $0x2;
	s20 =	simm.s32 $0x7;
	[dreg:$0x1c] =	wrdreg s23  }
0x20: {  	s21 =	simm.s32 $0x8;
	s22 =	simm.s32 $0x9;
	[dreg:$0x1d] =	wrdreg s24  }
0x21: {  	s23 =	simm.s32 $0xA;
	[dreg:$0x1e] =	wrdreg s25;
	s24 =	simm.s32 $0xB  }
0x22: {  	[dreg:$0x1f] =	wrdreg s26;
	s26 =	simm.s32 $0xF;
	s25 =	simm.s32 $0xE00  }
.LBB2_1:
0x23: {  	s0 =	rddreg [dreg:$0x6]  }
0x24: {  	s4 =	sld [smem:$0x7FC]  }
0x25: {  	s10 =	rddreg [dreg:$0x7]  }
0x26: {  	s5 =	rddreg [dreg:$0x9]  }
0x27: {  	[tilespmem:s3], [sflag:$0x3] =	stream.strided.gather [hbm4b:s4+s7], $0x200, s8, s7, $0x38;
	[tilespmem:$0x2C80] =	vst v63  }
0x28: {  	s11 =	rddreg [dreg:$0xa]  }
0x29: {  	[tilespmem:s9], [sflag:$0x4] =	stream.strided.gather [hbm4b:s0+s7], $0x200, s8, s7, $0x38;
	[tilespmem:$0x2C80] =	vst v63  }
0x2a: {  	s12 =	rddreg [dreg:$0xb]  }
0x2b: {  	[tilespmem:s8], [sflag:$0x5] =	stream.strided.gather [hbm4b:s10+s7], $0x200, s8, s7, $0x38;
	[tilespmem:$0x2C80] =	vst v63  }
0x2c: {  	s4 =	rddreg [dreg:$0x8]  }
0x2d: {  	[tilespmem:s13], [sflag:$0x6] =	stream.strided.gather [hbm4b:s4+s7], $0x200, s8, s7, $0x38;
	[tilespmem:$0x2C80] =	vst v63  }
0x2e: {  	s0 =	rddreg [dreg:$0xf]  }
0x2f: {  	[tilespmem:s14], [sflag:$0x7] =	stream.strided.gather [hbm4b:s5+s7], $0x200, s8, s7, $0x38;
	[tilespmem:$0x2C80] =	vst v63  }
0x30: {  	s10 =	rddreg [dreg:$0xd]  }
0x31: {  	[tilespmem:s15], [sflag:$0x8] =	stream.strided.gather [hbm4b:s11+s7], $0x200, s8, s7, $0x38;
	[tilespmem:$0x2C80] =	vst v63  }
0x32: {  	s4 =	rddreg [dreg:$0xc];
	s5 =	simm.s32 $0xC00  }
0x33: {  	[tilespmem:s5], [sflag:$0x9] =	stream.strided.gather [hbm4b:s12+s7], $0x200, s8, s7, $0x38;
	[tilespmem:$0x2C80] =	vst v63  }
0x34: {  	s11 =	rddreg [dreg:$0x12]  }
0x35: {  	[tilespmem:s25], [sflag:$0xA] =	stream.strided.gather [hbm4b:s4+s7], $0x200, s8, s7, $0x38;
	[tilespmem:$0x2C80] =	vst v63  }
0x36: {  	s12 =	rddreg [dreg:$0xe];
	s4 =	simm.s32 $0x1000  }
0x37: {  	[tilespmem:s4], [sflag:$0xB] =	stream.strided.gather [hbm4b:s10+s7], $0x200, s8, s7, $0x38;
	[tilespmem:$0x2C80] =	vst v63  }
0x38: {  	s10 =	rddreg [dreg:$0x13]  }
0x39: {  	[tilespmem:s11], [sflag:$0xC] =	stream.strided.gather [hbm4b:s12+s7], $0x200, s8, s7, $0x38;
	[tilespmem:$0x2C80] =	vst v63  }
0x3a: {  	s11 =	rddreg [dreg:$0x10]  }
0x3b: {  	[tilespmem:s10], [sflag:$0xD] =	stream.strided.gather [hbm4b:s0+s7], $0x200, s8, s7, $0x38;
	[tilespmem:$0x2C80] =	vst v63  }
0x3c: {  	s12 =	rddreg [dreg:$0x14]  }
0x3d: {  	[tilespmem:s12], [sflag:$0xE] =	stream.strided.gather [hbm4b:s11+s7], $0x200, s8, s7, $0x38;
	[tilespmem:$0x2C80] =	vst v63  }
0x3e: {  	_ =	swait.ge [sflag:s16], $0x200  }
0x3f: {  	[sflag:s16] =	ssyncset.done $0x0  }
0x40: {  	s12 =	rddreg [dreg:$0x15];
	[sflag:s16] =	ssyncadd.s32 $0xFFFFFE00  }
0x41: {  	[tilespmem:s12], [sflag:$0x1] =	stream.indirect.gather [hbm4b:s1+s9], $0x1, s3, s9, $0xb8;
	[tilespmem:$0x2C80] =	vst v63  }
0x42: {  	_ =	swait.ge [sflag:s17], $0x200  }
0x43: {  	[sflag:s17] =	ssyncset.done $0x0  }
0x44: {  	s10 =	rddreg [dreg:$0x16];
	[sflag:s17] =	ssyncadd.s32 $0xFFFFFE00  }
0x45: {  	[tilespmem:s10], [sflag:$0x1] =	stream.indirect.gather [hbm4b:s1+s9], $0x1, s9, s9, $0xb8;
	[tilespmem:$0x2C80] =	vst v63  }
0x46: {  	_ =	swait.ge [sflag:s18], $0x200  }
0x47: {  	[sflag:s18] =	ssyncset.done $0x0  }
0x48: {  	s11 =	rddreg [dreg:$0x17];
	[sflag:s18] =	ssyncadd.s32 $0xFFFFFE00  }
0x49: {  	[tilespmem:s11], [sflag:$0x1] =	stream.indirect.gather [hbm4b:s1+s9], $0x1, s8, s9, $0xb8;
	[tilespmem:$0x2C80] =	vst v63  }
0x4a: {  	_ =	swait.ge [sflag:s19], $0x200  }
0x4b: {  	[sflag:s19] =	ssyncset.done $0x0  }
0x4c: {  	s12 =	rddreg [dreg:$0x18];
	[sflag:s19] =	ssyncadd.s32 $0xFFFFFE00  }
0x4d: {  	[tilespmem:s12], [sflag:$0x1] =	stream.indirect.gather [hbm4b:s1+s9], $0x1, s13, s9, $0xb8;
	[tilespmem:$0x2C80] =	vst v63  }
0x4e: {  	_ =	swait.ge [sflag:s20], $0x200  }
0x4f: {  	[sflag:s20] =	ssyncset.done $0x0  }
0x50: {  	s10 =	rddreg [dreg:$0x19];
	[sflag:s20] =	ssyncadd.s32 $0xFFFFFE00  }
0x51: {  	[tilespmem:s10], [sflag:$0x1] =	stream.indirect.gather [hbm4b:s1+s9], $0x1, s14, s9, $0xb8;
	[tilespmem:$0x2C80] =	vst v63  }
0x52: {  	_ =	swait.ge [sflag:s21], $0x200  }
0x53: {  	[sflag:s21] =	ssyncset.done $0x0  }
0x54: {  	s11 =	rddreg [dreg:$0x1a];
	[sflag:s21] =	ssyncadd.s32 $0xFFFFFE00  }
0x55: {  	[tilespmem:s11], [sflag:$0x1] =	stream.indirect.gather [hbm4b:s1+s9], $0x1, s15, s9, $0xb8;
	[tilespmem:$0x2C80] =	vst v63  }
0x56: {  	_ =	swait.ge [sflag:s22], $0x200  }
0x57: {  	[sflag:s22] =	ssyncset.done $0x0  }
0x58: {  	s12 =	rddreg [dreg:$0x1b];
	[sflag:s22] =	ssyncadd.s32 $0xFFFFFE00  }
0x59: {  	[tilespmem:s12], [sflag:$0x2] =	stream.indirect.gather [hbm4b:s1+s9], $0x1, s5, s9, $0xb8;
	[tilespmem:$0x2C80] =	vst v63  }
0x5a: {  	_ =	swait.ge [sflag:s23], $0x200  }
0x5b: {  	[sflag:s23] =	ssyncset.done $0x0  }
0x5c: {  	s10 =	rddreg [dreg:$0x1c];
	[sflag:s23] =	ssyncadd.s32 $0xFFFFFE00  }
0x5d: {  	[tilespmem:s10], [sflag:$0x2] =	stream.indirect.gather [hbm4b:s1+s9], $0x1, s25, s9, $0xb8;
	[tilespmem:$0x2C80] =	vst v63  }
0x5e: {  	_ =	swait.ge [sflag:s24], $0x200  }
0x5f: {  	[sflag:s24] =	ssyncset.done $0x0  }
0x60: {  	s11 =	rddreg [dreg:$0x1d];
	[sflag:s24] =	ssyncadd.s32 $0xFFFFFE00  }
0x61: {  	[tilespmem:s11], [sflag:$0x2] =	stream.indirect.gather [hbm4b:s1+s9], $0x1, s4, s9, $0xb8;
	[tilespmem:$0x2C80] =	vst v63  }
0x62: {  	s12 =	rddreg [dreg:$0x5];
	s4 =	simm.s32 $0x2C00  }
0x63: {  	[tilespmem:s4], [sflag:$0xF] =	stream.linear.gather [hbm4b:s12+s3], $0x1, $0x38;
	[tilespmem:$0x2C80] =	vst v63  }
0x64: {  	_ =	swait.ge [sflag:s26], $0x1  }
0x65: {  	[sflag:s26] =	ssyncset.done $0x0  }
0x66: {  	[sflag:s26] =	ssyncadd.s32 $0xFFFFFFFF  }
0x67: {  	v8 =	vld.msk [tilespmem:s4+$0x0], $0xffff;
	_ =	swait.ge [sflag:s28], $0x200  }
0x68: {  	[sflag:s28] =	ssyncset.done $0x0  }
0x69: {  	[sflag:s28] =	ssyncadd.s32 $0xFFFFFE00  }
0x6a: {  	_ =	swait.ge [sflag:s28], $0x200  }
0x6b: {  	[sflag:s28] =	ssyncset.done $0x0  }
0x6c: {  	[sflag:s28] =	ssyncadd.s32 $0xFFFFFE00  }
0x6d: {  	_ =	swait.ge [sflag:s28], $0x200  }
0x6e: {  	[sflag:s28] =	ssyncset.done $0x0  }
0x6f: {  	[sflag:s28] =	ssyncadd.s32 $0xFFFFFE00  }
0x70: {  	_ =	swait.ge [sflag:s28], $0x200  }
0x71: {  	[sflag:s28] =	ssyncset.done $0x0  }
0x72: {  	[sflag:s28] =	ssyncadd.s32 $0xFFFFFE00  }
0x73: {  	_ =	swait.ge [sflag:s28], $0x200  }
0x74: {  	[sflag:s28] =	ssyncset.done $0x0  }
0x75: {  	[sflag:s28] =	ssyncadd.s32 $0xFFFFFE00  }
0x76: {  	_ =	swait.ge [sflag:s28], $0x200  }
0x77: {  	[sflag:s28] =	ssyncset.done $0x0  }
0x78: {  	[sflag:s28] =	ssyncadd.s32 $0xFFFFFE00  }
0x79: {  	v11 =	vld [tilespmem:$0x1800]  }
0x7a: {  	v12 =	vld [tilespmem:$0x1A00]  }
0x7b: {  	v14 =	vld [tilespmem:$0x1C00]  }
0x7c: {  	v18 =	vld [tilespmem:$0x1E00]  }
0x7d: {  	v28 =	vld [tilespmem:$0x2000]  }
0x7e: {  	v30 =	vld [tilespmem:$0x2200]  }
0x7f: {  	v17 =	vld [tilespmem:$0x1810]  }
0x80: {  	v22 =	vld [tilespmem:$0x1A10]  }
0x81: {  	v27 =	vld [tilespmem:$0x1C10]  }
0x82: {  	v49 =	vld [tilespmem:$0x1E10]  }
0x83: {  	v53 =	vld [tilespmem:$0x2010]  }
0x84: {  	v57 =	vld [tilespmem:$0x2210]  }
0x85: {  	v31 =	vld [tilespmem:$0x1820]  }
0x86: {  	v34 =	vld [tilespmem:$0x1A20]  }
0x87: {  	v59 =	vld [tilespmem:$0x1C20]  }
0x88: {  	v60 =	vld [tilespmem:$0x1E20]  }
0x89: {  	v61 =	vld [tilespmem:$0x2020]  }
0x8a: {  	v62 =	vld [tilespmem:$0x2220]  }
0x8b: {  	v38 =	vld [tilespmem:$0x1830]  }
0x8c: {  	v63 =	vld [tilespmem:$0x1A30]  }
0x8d: {  	v2 =	vld [tilespmem:$0x1C30]  }
0x8e: {  	v5 =	vld [tilespmem:$0x1E30]  }
0x8f: {  	v9 =	vld [tilespmem:$0x2030]  }
0x90: {  	v19 =	vld [tilespmem:$0x2230]  }
0x91: {  	v13 =	vld [tilespmem:$0x1840]  }
0x92: {  	v21 =	vld [tilespmem:$0x1A40]  }
0x93: {  	v32 =	vld [tilespmem:$0x1C40]  }
0x94: {  	v43 =	vld [tilespmem:$0x1E40]  }
0x95: {  	v58 =	vld [tilespmem:$0x2040]  }
0x96: {  	v0 =	vld [tilespmem:$0x2240]  }
0x97: {  	v7 =	vld [tilespmem:$0x1850]  }
0x98: {  	v15 =	vld [tilespmem:$0x1A50]  }
0x99: {  	v24 =	vld [tilespmem:$0x1C50]  }
0x9a: {  	v39 =	vld [tilespmem:$0x1E50]  }
0x9b: {  	v51 =	vld [tilespmem:$0x2050]  }
0x9c: {  	v54 =	vld [tilespmem:$0x2250]  }
0x9d: {  	v4 =	vld [tilespmem:$0x1860]  }
0x9e: {  	v10 =	vld [tilespmem:$0x1A60]  }
0x9f: {  	v23 =	vld [tilespmem:$0x1C60]  }
0xa0: {  	v33 =	vld [tilespmem:$0x1E60]  }
0xa1: {  	v44 =	vld [tilespmem:$0x2060]  }
0xa2: {  	v52 =	vld [tilespmem:$0x2260]  }
0xa3: {  	v3 =	vld [tilespmem:$0x1870]  }
0xa4: {  	v6 =	vld [tilespmem:$0x1A70]  }
0xa5: {  	v16 =	vld [tilespmem:$0x1C70]  }
0xa6: {  	v26 =	vld [tilespmem:$0x1E70]  }
0xa7: {  	v35 =	vld [tilespmem:$0x2070]  }
0xa8: {  	v47 =	vld [tilespmem:$0x2270]  }
0xa9: {  	v40 =	vld [tilespmem:$0x1880]  }
0xaa: {  	v48 =	vld [tilespmem:$0x1A80]  }
0xab: {  	v55 =	vld [tilespmem:$0x1C80]  }
0xac: {  	v56 =	vld [tilespmem:$0x1E80]  }
0xad: {  	v20 =	vld [tilespmem:$0x2080]  }
0xae: {  	v37 =	vld [tilespmem:$0x2290]  }
0xaf: {  	v25 =	vld [tilespmem:$0x2280]  }
0xb0: {  	v45 =	vld [tilespmem:$0x1890]  }
0xb1: {  	v46 =	vld [tilespmem:$0x20A0]  }
0xb2: {  	[tilespmem:$0x1FC50] =	vst v56;
	v56 =	vld [tilespmem:$0x20B0]  }
0xb3: {  	[tilespmem:$0x1FCC0] =	vst v37;
	v37 =	vld [tilespmem:$0x22B0]  }
0xb4: {  	v42 =	vld [tilespmem:$0x1A90]  }
0xb5: {  	v29 =	vld [tilespmem:$0x1E90];
	[tilespmem:$0x1FC20] =	vst v0  }
0xb6: {  	[tilespmem:$0x1FCB0] =	vst v46;
	v46 =	vld [tilespmem:$0x18C0]  }
0xb7: {  	[tilespmem:$0x1FCD0] =	vst v56;
	v56 =	vld [tilespmem:$0x1AC0]  }
0xb8: {  	[tilespmem:$0x1FD00] =	vst v37;
	v37 =	vld [tilespmem:$0x1CC0]  }
0xb9: {  	v36 =	vld [tilespmem:$0x2090];
	[tilespmem:$0x1FC30] =	vst v54  }
0xba: {  	v50 =	vld [tilespmem:$0x1CA0];
	[tilespmem:$0x1FC40] =	vst v55  }
0xbb: {  	[tilespmem:$0x1FCF0] =	vst v46;
	v46 =	vld [tilespmem:$0x1EC0]  }
0xbc: {  	[tilespmem:$0x1FD20] =	vst v56;
	v56 =	vld [tilespmem:$0x20C0]  }
0xbd: {  	[tilespmem:$0x1FD40] =	vst v37;
	v37 =	vld [tilespmem:$0x22C0]  }
0xbe: {  	v41 =	vld [tilespmem:$0x1EA0];
	[tilespmem:$0x1FC70] =	vst v20  }
0xbf: {  	[tilespmem:$0x1FCA0] =	vst v25;
	v54 =	vld [tilespmem:$0x1C90]  }
0xc0: {  	[tilespmem:$0x1FD80] =	vst v46;
	v46 =	vld [tilespmem:$0x18D0]  }
0xc1: {  	[tilespmem:$0x1FDC0] =	vst v56;
	v56 =	vld [tilespmem:$0x1AD0]  }
0xc2: {  	[tilespmem:$0x1FE00] =	vst v37;
	v37 =	vld [tilespmem:$0x1CD0]  }
0xc3: {  	[tilespmem:$0x1FC60] =	vst v29;
	v25 =	vld [tilespmem:$0x18A0]  }
0xc4: {  	[tilespmem:$0x1FC90] =	vst v36;
	v55 =	vld [tilespmem:$0x22A0]  }
0xc5: {  	[tilespmem:$0x1FD10] =	vst v46;
	v46 =	vld [tilespmem:$0x1ED0]  }
0xc6: {  	[tilespmem:$0x1FD30] =	vst v56;
	v56 =	vld [tilespmem:$0x20D0]  }
0xc7: {  	[tilespmem:$0x1FD60] =	vst v37;
	v37 =	vld [tilespmem:$0x22D0]  }
0xc8: {  	v36 =	vld [tilespmem:$0x1AA0];
	[tilespmem:$0x1FC80] =	vst v41  }
0xc9: {  	v20 =	vld [tilespmem:$0x18B0];
	[tilespmem:$0x1FCE0] =	vst v55  }
0xca: {  	v29 =	vld [tilespmem:$0x1AB0];
	[tilespmem:$0x1FDA0] =	vst v46  }
0xcb: {  	v41 =	vld [tilespmem:$0x1CB0];
	[tilespmem:$0x1FDE0] =	vst v56  }
0xcc: {  	v55 =	vld [tilespmem:$0x1EB0];
	[tilespmem:$0x1FE20] =	vst v37  }
0xcd: {  	v56 =	vld [tilespmem:$0x18E0]  }
0xce: {  	v37 =	vld [tilespmem:$0x1CE0];
	_ =	sdelay $0x4  }
0xcf: {  	[tilespmem:$0x1FD90] =	vst v37;
	v37 =	vld [tilespmem:$0x20E0];
	_ =	sdelay $0x4  }
0xd0: {  	[tilespmem:$0x1FE10] =	vst v37;
	v37 =	vld [tilespmem:$0x1AF0];
	_ =	sdelay $0x4  }
0xd1: {  	[tilespmem:$0x1FD70] =	vst v37;
	v37 =	vld [tilespmem:$0x1CF0];
	_ =	sdelay $0x4  }
0xd2: {  	[tilespmem:$0x1FDB0] =	vst v37;
	v37 =	vld [tilespmem:$0x1EF0];
	_ =	sdelay $0x4  }
0xd3: {  	[tilespmem:$0x1FDF0] =	vst v37;
	v37 =	vld [tilespmem:$0x20F0];
	_ =	sdelay $0x1  }
0xd4: {  	v17 =	vadd.f32 v17, v8;
	_ =	sdelay $0x1  }
0xd5: {  	v0 =	vadd.f32 v22, v17;
	v22 =	vadd.f32 v38, v8;
	v46 =	vld [tilespmem:$0x1AE0]  }
0xd6: {  	[tilespmem:$0x1FE30] =	vst v37;
	v37 =	vld [tilespmem:$0x22F0]  }
0xd7: {  	v31 =	vadd.f32 v31, v8;
	v22 =	vadd.f32 v63, v22;
	v1 =	vld [tilespmem:$0x2100]  }
0xd8: {  	v38 =	vld [tilespmem:$0x1B10]  }
0xd9: {  	v17 =	vadd.f32 v34, v31;
	v2 =	vadd.f32 v2, v22;
	v34 =	vld [tilespmem:$0x1D10]  }
0xda: {  	v4 =	vadd.f32 v4, v8;
	v3 =	vadd.f32 v3, v8;
	v31 =	vld [tilespmem:$0x1F10]  }
0xdb: {  	v0 =	vadd.f32 v27, v0;
	v2 =	vadd.f32 v5, v2;
	[tilespmem:$0x1FE60] =	vst v37;
	v37 =	vld [tilespmem:$0x1900]  }
0xdc: {  	v4 =	vadd.f32 v10, v4;
	v3 =	vadd.f32 v6, v3;
	v22 =	vld [tilespmem:$0x2310]  }
0xdd: {  	v0 =	vadd.f32 v49, v0;
	v49 =	vadd.f32 v9, v2;
	v9 =	vld [tilespmem:$0x1D20]  }
0xde: {  	v4 =	vadd.f32 v23, v4;
	v23 =	vld [tilespmem:$0x1F30]  }
0xdf: {  	v3 =	vadd.f32 v16, v3;
	v16 =	vld [tilespmem:$0x2130]  }
0xe0: {  	[tilespmem:$0x1FE50] =	vst v37;
	v37 =	vld [tilespmem:$0x1B00]  }
0xe1: {  	v3 =	vadd.f32 v26, v3;
	v26 =	vld [tilespmem:$0x1940]  }
0xe2: {  	v4 =	vadd.f32 v33, v4;
	v33 =	vld [tilespmem:$0x1B40]  }
0xe3: {  	v5 =	vadd.f32 v35, v3;
	v35 =	vld [tilespmem:$0x1D40]  }
0xe4: {  	[tilespmem:$0x1FD50] =	vst v46;
	v46 =	vld [tilespmem:$0x1EE0]  }
0xe5: {  	v10 =	vadd.f32 v25, v8;
	[tilespmem:$0x1FE70] =	vst v37;
	v37 =	vld [tilespmem:$0x1D00]  }
0xe6: {  	v0 =	vadd.f32 v53, v0;
	v53 =	vadd.f32 v13, v8;
	v13 =	vld [tilespmem:$0x2340]  }
0xe7: {  	v25 =	vld [tilespmem:$0x1FC40]  }
0xe8: {  	v3 =	vadd.f32 v36, v10;
	v36 =	vld [tilespmem:$0x1F50]  }
0xe9: {  	[tilespmem:$0x1FDD0] =	vst v46;
	v46 =	vld [tilespmem:$0x22E0]  }
0xea: {  	[tilespmem:$0x1FE80] =	vst v37;
	v37 =	vld [tilespmem:$0x1F00]  }
0xeb: {  	v6 =	vadd.f32 v40, v8;
	v40 =	vld [tilespmem:$0x1FC60]  }
0xec: {  	v3 =	vadd.f32 v50, v3;
	v50 =	vld [tilespmem:$0x1FCE0]  }
0xed: {  	v11 =	vadd.f32 v11, v8;
	[tilespmem:$0x1FED0] =	vst v22;
	v22 =	vld [tilespmem:$0x2120]  }
0xee: {  	[tilespmem:$0x1FE40] =	vst v46;
	v46 =	vld [tilespmem:$0x18F0]  }
0xef: {  	[tilespmem:$0x1FE90] =	vst v37;
	v37 =	vadd.f32 v12, v11;
	v12 =	vld [tilespmem:$0x2300]  }
0xf0: {  	v11 =	vld [tilespmem:$0x1910]  }
0xf1: {  	[tilespmem:$0x1FEA0] =	vst v1;
	v1 =	vadd.f32 v14, v37;
	v14 =	vadd.f32 v59, v17;
	v59 =	vld [tilespmem:$0x1FC20]  }
0xf2: {  	v37 =	vadd.f32 v57, v0;
	v17 =	vadd.f32 v20, v8;
	v20 =	vld [tilespmem:$0x1950]  }
0xf3: {  	v57 =	vadd.f32 v7, v8;
	v7 =	vadd.f32 v45, v8;
	v45 =	vld [tilespmem:$0x2350]  }
0xf4: {  	v1 =	vadd.f32 v18, v1;
	v18 =	vld [tilespmem:$0x2110]  }
0xf5: {  	v14 =	vadd.f32 v60, v14;
	v60 =	vadd.f32 v19, v49;
	v19 =	vld [tilespmem:$0x1930]  }
0xf6: {  	v0 =	vadd.f32 v15, v57;
	v57 =	vld [tilespmem:$0x2140]  }
0xf7: {  	[tilespmem:$0x1FF00] =	vst v37;
	v49 =	vld [tilespmem:$0x1FCD0]  }
0xf8: {  	[tilespmem:$0x2A10] =	vst v37;
	v37 =	vld [tilespmem:$0x19C0]  }
0xf9: {  	[tilespmem:$0x1FEC0] =	vst v12;
	v12 =	vld [tilespmem:$0x1F20]  }
0xfa: {  	v1 =	vadd.f32 v28, v1;
	v28 =	vld [tilespmem:$0x1920]  }
0xfb: {  	v11 =	vadd.f32 v11, v8;
	v27 =	vadd.f32 v61, v14;
	v61 =	vld [tilespmem:$0x1B20]  }
0xfc: {  	v0 =	vadd.f32 v24, v0;
	v24 =	vld [tilespmem:$0x1D30]  }
0xfd: {  	v11 =	vadd.f32 v38, v11;
	v38 =	vld [tilespmem:$0x1990]  }
0xfe: {  	v63 =	vadd.f32 v62, v27;
	v27 =	vld [tilespmem:$0x2320]  }
0xff: {  	v30 =	vadd.f32 v30, v1;
	v1 =	vadd.f32 v21, v53;
	v21 =	vld [tilespmem:$0x1B30]  }
0x100: {  	v62 =	vadd.f32 v44, v4;
	v4 =	vld [tilespmem:$0x1FC30]  }
0x101: {  	v53 =	vld [tilespmem:$0x1F40]  }
0x102: {  	v0 =	vadd.f32 v39, v0;
	v39 =	vld [tilespmem:$0x1FC50]  }
0x103: {  	v44 =	vld [tilespmem:$0x1FCA0]  }
0x104: {  	[tilespmem:$0x1FEB0] =	vst v18;
	v18 =	vadd.f32 v47, v5;
	v47 =	vld [tilespmem:$0x1FCB0]  }
0x105: {  	v11 =	vadd.f32 v34, v11;
	v34 =	vld [tilespmem:$0x1FEA0]  }
0x106: {  	v1 =	vadd.f32 v32, v1;
	v32 =	vld [tilespmem:$0x2330]  }
0x107: {  	v0 =	vadd.f32 v51, v0;
	v51 =	vld [tilespmem:$0x1FCF0]  }
0x108: {  	v11 =	vadd.f32 v31, v11;
	v31 =	vld [tilespmem:$0x1FEB0]  }
0x109: {  	v1 =	vadd.f32 v43, v1;
	v43 =	vld [tilespmem:$0x1FC90]  }
0x10a: {  	v15 =	vadd.f32 v4, v0;
	v4 =	vadd.f32 v29, v17;
	v29 =	vld [tilespmem:$0x1D50]  }
0x10b: {  	v28 =	vadd.f32 v28, v8;
	v0 =	vadd.f32 v42, v7;
	v42 =	vld [tilespmem:$0x1FC80]  }
0x10c: {  	v19 =	vadd.f32 v19, v8;
	v17 =	vld [tilespmem:$0x1FD40]  }
0x10d: {  	v28 =	vadd.f32 v61, v28;
	v61 =	vld [tilespmem:$0x1B90]  }
0x10e: {  	v19 =	vadd.f32 v21, v19;
	v21 =	vld [tilespmem:$0x1D90]  }
0x10f: {  	v1 =	vadd.f32 v58, v1;
	v58 =	vld [tilespmem:$0x1FD30]  }
0x110: {  	v4 =	vadd.f32 v41, v4;
	v41 =	vld [tilespmem:$0x1FC70]  }
0x111: {  	v0 =	vadd.f32 v54, v0;
	v54 =	vld [tilespmem:$0x1FD10]  }
0x112: {  	v9 =	vadd.f32 v9, v28;
	v28 =	vld [tilespmem:$0x1F90]  }
0x113: {  	v19 =	vadd.f32 v24, v19;
	v24 =	vld [tilespmem:$0x2190]  }
0x114: {  	v14 =	vadd.f32 v59, v1;
	v1 =	vadd.f32 v48, v6;
	v48 =	vld [tilespmem:$0x1FCC0]  }
0x115: {  	v59 =	vadd.f32 v52, v62;
	v52 =	vld [tilespmem:$0x1FD00]  }
0x116: {  	v62 =	vadd.f32 v46, v8;
	v46 =	vld [tilespmem:$0x1970]  }
0x117: {  	v6 =	vld [tilespmem:$0x1FE10]  }
0x118: {  	v11 =	vadd.f32 v31, v11;
	v31 =	vld [tilespmem:$0x1FED0]  }
0x119: {  	v0 =	vadd.f32 v40, v0;
	v40 =	vld [tilespmem:$0x2150]  }
0x11a: {  	v4 =	vadd.f32 v55, v4;
	v55 =	vld [tilespmem:$0x1FD20]  }
0x11b: {  	v19 =	vadd.f32 v23, v19;
	v23 =	vld [tilespmem:$0x19A0]  }
0x11c: {  	v9 =	vadd.f32 v12, v9;
	v12 =	vld [tilespmem:$0x1BA0]  }
0x11d: {  	v1 =	vadd.f32 v25, v1;
	v25 =	vld [tilespmem:$0x1B50]  }
0x11e: {  	v38 =	vadd.f32 v38, v8;
	v3 =	vadd.f32 v42, v3;
	v42 =	vld [tilespmem:$0x1B60]  }
0x11f: {  	v0 =	vadd.f32 v43, v0;
	v43 =	vld [tilespmem:$0x1D60]  }
0x120: {  	v38 =	vadd.f32 v61, v38;
	v16 =	vadd.f32 v16, v19;
	v19 =	vld [tilespmem:$0x1DA0]  }
0x121: {  	v1 =	vadd.f32 v39, v1;
	v39 =	vld [tilespmem:$0x2160]  }
0x122: {  	v21 =	vadd.f32 v21, v38;
	v38 =	vld [tilespmem:$0x1BF0]  }
0x123: {  	v9 =	vadd.f32 v22, v9;
	v7 =	vadd.f32 v48, v0;
	v48 =	vld [tilespmem:$0x2360]  }
0x124: {  	v0 =	vadd.f32 v49, v4;
	v49 =	vld [tilespmem:$0x1FD60]  }
0x125: {  	v9 =	vadd.f32 v27, v9;
	v27 =	vld [tilespmem:$0x21A0];
	v1 =	vadd.f32 v41, v1  }
0x126: {  	v16 =	vadd.f32 v32, v16;
	v32 =	vld [tilespmem:$0x23A0]  }
0x127: {  	v2 =	vadd.f32 v44, v1;
	v1 =	vadd.f32 v47, v3;
	v47 =	vld [tilespmem:$0x1FD50]  }
0x128: {  	[tilespmem:$0x1FEE0] =	vst v13;
	v13 =	vadd.f32 v52, v0;
	v52 =	vld [tilespmem:$0x1FD80]  }
0x129: {  	v10 =	vadd.f32 v50, v1;
	v1 =	vadd.f32 v51, v8;
	v51 =	vld [tilespmem:$0x1FD70]  }
0x12a: {  	v56 =	vadd.f32 v56, v8;
	v0 =	vadd.f32 v54, v8;
	v54 =	vld [tilespmem:$0x1FD90]  }
0x12b: {  	v1 =	vadd.f32 v55, v1;
	v55 =	vld [tilespmem:$0x1FDA0]  }
0x12c: {  	v0 =	vadd.f32 v58, v0;
	v3 =	vadd.f32 v47, v56;
	v56 =	vld [tilespmem:$0x1FDB0]  }
0x12d: {  	v1 =	vadd.f32 v17, v1;
	v17 =	vld [tilespmem:$0x1FDE0]  }
0x12e: {  	v0 =	vadd.f32 v49, v0;
	v5 =	vadd.f32 v51, v62;
	v62 =	vld [tilespmem:$0x1FDD0]  }
0x12f: {  	v47 =	vld [tilespmem:$0x1FDF0]  }
0x130: {  	v41 =	vld [tilespmem:$0x1960];
	v0 =	vadd.f32 v55, v0  }
0x131: {  	v58 =	vld [tilespmem:$0x1FDC0];
	v3 =	vadd.f32 v54, v3  }
0x132: {  	v5 =	vadd.f32 v56, v5;
	v0 =	vadd.f32 v17, v0;
	v17 =	vld [tilespmem:$0x1FE20]  }
0x133: {  	v20 =	vadd.f32 v20, v8;
	v3 =	vadd.f32 v62, v3;
	v62 =	vld [tilespmem:$0x1FE00]  }
0x134: {  	[tilespmem:$0x1FF30] =	vst v7;
	v1 =	vadd.f32 v52, v1;
	v49 =	vadd.f32 v47, v5;
	v47 =	vld [tilespmem:$0x1FE30]  }
0x135: {  	v20 =	vadd.f32 v25, v20;
	[tilespmem:$0x2A90] =	vst v7;
	v7 =	vld [tilespmem:$0x19E0]  }
0x136: {  	v44 =	vld [tilespmem:$0x1F60];
	v1 =	vadd.f32 v58, v1  }
0x137: {  	[tilespmem:$0x1FF50] =	vst v13;
	v20 =	vadd.f32 v29, v20;
	v29 =	vld [tilespmem:$0x1DB0]  }
0x138: {  	[tilespmem:$0x2AB0] =	vst v13;
	v13 =	vld [tilespmem:$0x19F0];
	v4 =	vadd.f32 v62, v1;
	v1 =	vadd.f32 v6, v3  }
0x139: {  	v3 =	vadd.f32 v17, v0;
	v0 =	vadd.f32 v47, v49;
	v49 =	vld [tilespmem:$0x1FE40]  }
0x13a: {  	v6 =	vld [tilespmem:$0x1FE50]  }
0x13b: {  	v17 =	vld [tilespmem:$0x1FE60]  }
0x13c: {  	v50 =	vld [tilespmem:$0x1B70]  }
0x13d: {  	v20 =	vadd.f32 v36, v20;
	v36 =	vld [tilespmem:$0x21B0]  }
0x13e: {  	v11 =	vadd.f32 v31, v11;
	v5 =	vadd.f32 v49, v1;
	v49 =	vld [tilespmem:$0x1FE70]  }
0x13f: {  	v31 =	vadd.f32 v41, v8;
	v41 =	vadd.f32 v46, v8;
	v46 =	vld [tilespmem:$0x1FEE0]  }
0x140: {  	v1 =	vadd.f32 v6, v8;
	v6 =	vadd.f32 v17, v0;
	v17 =	vld [tilespmem:$0x1FE80]  }
0x141: {  	v31 =	vadd.f32 v42, v31;
	v42 =	vld [tilespmem:$0x1FC0]  }
0x142: {  	v51 =	vld [tilespmem:$0x1D70]  }
0x143: {  	v54 =	vld [tilespmem:$0x2170];
	v1 =	vadd.f32 v49, v1  }
0x144: {  	v25 =	vadd.f32 v50, v41;
	v50 =	vld [tilespmem:$0x1BC0]  }
0x145: {  	v1 =	vadd.f32 v17, v1;
	v17 =	vld [tilespmem:$0x1FE90]  }
0x146: {  	v31 =	vadd.f32 v43, v31;
	v43 =	vld [tilespmem:$0x21C0]  }
0x147: {  	v52 =	vld [tilespmem:$0x1F70]  }
0x148: {  	v55 =	vld [tilespmem:$0x2370]  }
0x149: {  	[tilespmem:$0x2A30] =	vst v60;
	v44 =	vadd.f32 v44, v31;
	v31 =	vld [tilespmem:$0x23B0]  }
0x14a: {  	[tilespmem:$0x1FEF0] =	vst v30;
	v58 =	vld [tilespmem:$0x1980];
	v1 =	vadd.f32 v17, v1  }
0x14b: {  	[tilespmem:$0x2A00] =	vst v30;
	v56 =	vld [tilespmem:$0x1D80];
	v25 =	vadd.f32 v51, v25  }
0x14c: {  	[tilespmem:$0x2A20] =	vst v63;
	v30 =	vadd.f32 v39, v44;
	v1 =	vadd.f32 v34, v1;
	v34 =	vld [tilespmem:$0x1FEC0]  }
0x14d: {  	[tilespmem:$0x2A70] =	vst v18;
	v51 =	vld [tilespmem:$0x1DC0];
	v25 =	vadd.f32 v52, v25  }
0x14e: {  	[tilespmem:$0x1FF10] =	vst v15;
	v30 =	vadd.f32 v48, v30;
	v48 =	vld [tilespmem:$0x1DF0]  }
0x14f: {  	v37 =	vadd.f32 v37, v8;
	[tilespmem:$0x2A50] =	vst v15;
	v25 =	vadd.f32 v54, v25;
	v54 =	vld [tilespmem:$0x1BD0]  }
0x150: {  	[tilespmem:$0x2A40] =	vst v14;
	v23 =	vadd.f32 v23, v8;
	v21 =	vadd.f32 v28, v21;
	v62 =	vld [tilespmem:$0x1B80]  }
0x151: {  	[tilespmem:$0x2A60] =	vst v59;
	v47 =	vld [tilespmem:$0x1F80];
	v1 =	vadd.f32 v34, v1;
	v34 =	vadd.f32 v26, v8  }
0x152: {  	[tilespmem:$0x2B10] =	vst v11;
	v12 =	vadd.f32 v12, v23;
	v25 =	vadd.f32 v55, v25;
	v55 =	vld [tilespmem:$0x1DD0]  }
0x153: {  	[tilespmem:$0x2B20] =	vst v9;
	v52 =	vadd.f32 v58, v8;
	v22 =	vadd.f32 v33, v34;
	v33 =	vld [tilespmem:$0x19B0]  }
0x154: {  	[tilespmem:$0x2B30] =	vst v16;
	v21 =	vadd.f32 v24, v21;
	v20 =	vadd.f32 v40, v20;
	v0 =	vld [tilespmem:$0x2180]  }
0x155: {  	v12 =	vadd.f32 v19, v12;
	[tilespmem:$0x1FF70] =	vst v3;
	v41 =	vadd.f32 v62, v52;
	v34 =	vld [tilespmem:$0x1BB0]  }
0x156: {  	v20 =	vadd.f32 v45, v20;
	[tilespmem:$0x2AD0] =	vst v3;
	v3 =	vadd.f32 v13, v8;
	v49 =	vld [tilespmem:$0x2380]  }
0x157: {  	[tilespmem:$0x1FF20] =	vst v2;
	v41 =	vadd.f32 v56, v41;
	v26 =	vld [tilespmem:$0x1FA0];
	v22 =	vadd.f32 v35, v22  }
0x158: {  	[tilespmem:$0x2A80] =	vst v2;
	v3 =	vadd.f32 v38, v3;
	v35 =	vld [tilespmem:$0x1FB0];
	v33 =	vadd.f32 v33, v8  }
0x159: {  	[tilespmem:$0x1FF40] =	vst v10;
	v56 =	vadd.f32 v47, v41;
	v22 =	vadd.f32 v53, v22;
	v53 =	vld [tilespmem:$0x19D0]  }
0x15a: {  	[tilespmem:$0x2AA0] =	vst v10;
	v52 =	vld [tilespmem:$0x1FF0];
	v3 =	vadd.f32 v48, v3;
	v33 =	vadd.f32 v34, v33  }
0x15b: {  	[tilespmem:$0x2B50] =	vst v20;
	v47 =	vadd.f32 v7, v8;
	v0 =	vadd.f32 v0, v56;
	v17 =	vld [tilespmem:$0x2390]  }
0x15c: {  	[tilespmem:$0x2B60] =	vst v30;
	v61 =	vadd.f32 v26, v12;
	v12 =	vld [tilespmem:$0x23D0];
	v58 =	vadd.f32 v29, v33  }
0x15d: {  	[tilespmem:$0x1FF60] =	vst v4;
	v0 =	vadd.f32 v49, v0;
	v22 =	vadd.f32 v57, v22;
	v57 =	vld [tilespmem:$0x1FD0]  }
0x15e: {  	[tilespmem:$0x2AC0] =	vst v4;
	v45 =	vadd.f32 v53, v8;
	v62 =	vadd.f32 v35, v58;
	v35 =	vld [tilespmem:$0x1BE0]  }
0x15f: {  	[tilespmem:$0x2B70] =	vst v25;
	v2 =	vadd.f32 v27, v61;
	v22 =	vadd.f32 v46, v22;
	v46 =	vld [tilespmem:$0x1DE0]  }
0x160: {  	[tilespmem:$0x1FF80] =	vst v5;
	v29 =	vld [tilespmem:$0x21D0];
	v49 =	vadd.f32 v54, v45;
	v33 =	vadd.f32 v36, v62  }
0x161: {  	[tilespmem:$0x1FF90] =	vst v6;
	v54 =	vld [tilespmem:$0x21F0];
	v36 =	vadd.f32 v32, v2;
	v2 =	vadd.f32 v50, v37  }
0x162: {  	[tilespmem:$0x2AE0] =	vst v5;
	v17 =	vadd.f32 v17, v21;
	v50 =	vld [tilespmem:$0x1FE0];
	v16 =	vadd.f32 v55, v49  }
0x163: {  	[tilespmem:$0x2AF0] =	vst v6;
	v58 =	vld [tilespmem:$0x23F0];
	v2 =	vadd.f32 v51, v2;
	v51 =	vadd.f32 v35, v47  }
0x164: {  	v3 =	vadd.f32 v52, v3;
	[tilespmem:$0x2B80] =	vst v0;
	v53 =	vld [tilespmem:$0x21E0];
	v41 =	vadd.f32 v31, v33  }
0x165: {  	v44 =	vld [tilespmem:$0x23C0];
	[tilespmem:$0x2B90] =	vst v17;
	v16 =	vadd.f32 v57, v16;
	v8 =	vadd.f32 v46, v51  }
0x166: {  	[tilespmem:$0x2B00] =	vst v1;
	v55 =	vld [tilespmem:$0x23E0];
	v3 =	vadd.f32 v54, v3;
	v2 =	vadd.f32 v42, v2  }
0x167: {  	[tilespmem:$0x2B40] =	vst v22;
	v16 =	vadd.f32 v29, v16;
	v57 =	vadd.f32 v50, v8  }
0x168: {  	[tilespmem:$0x2BA0] =	vst v36;
	v6 =	vadd.f32 v58, v3;
	v56 =	vadd.f32 v43, v2  }
0x169: {  	[tilespmem:$0x2BB0] =	vst v41;
	v62 =	vadd.f32 v12, v16;
	v61 =	vadd.f32 v53, v57  }
0x16a: {  	[tilespmem:$0x2BF0] =	vst v6;
	v0 =	vadd.f32 v44, v56  }
0x16b: {  	[tilespmem:$0x2BD0] =	vst v62;
	v5 =	vadd.f32 v55, v61  }
0x16c: {  	[tilespmem:$0x2BC0] =	vst v0  }
0x16d: {  	[tilespmem:$0x2BE0] =	vst v5  }
0x16e: {  	_ =	swait.ge [sflag:s29], $0x200  }
0x16f: {  	[sflag:s29] =	ssyncset.done $0x0  }
0x170: {  	[sflag:s29] =	ssyncadd.s32 $0xFFFFFE00  }
0x171: {  	_ =	swait.ge [sflag:s30], $0x200  }
0x172: {  	[sflag:s30] =	ssyncset.done $0x0  }
0x173: {  	[sflag:s30] =	ssyncadd.s32 $0xFFFFFE00  }
0x174: {  	_ =	swait.ge [sflag:s31], $0x200  }
0x175: {  	[sflag:s31] =	ssyncset.done $0x0  }
0x176: {  	[sflag:s31] =	ssyncadd.s32 $0xFFFFFE00  }
0x177: {  	_ =	swait.ge [sflag:s2], $0x200  }
0x178: {  	[sflag:s2] =	ssyncset.done $0x0  }
0x179: {  	[sflag:s2] =	ssyncadd.s32 $0xFFFFFE00  }
0x17a: {  	_ =	swait.ge [sflag:s2], $0x200  }
0x17b: {  	[sflag:s2] =	ssyncset.done $0x0  }
0x17c: {  	[sflag:s2] =	ssyncadd.s32 $0xFFFFFE00  }
0x17d: {  	_ =	swait.ge [sflag:s2], $0x200  }
0x17e: {  	[sflag:s2] =	ssyncset.done $0x0;
	v10 =	vld [tilespmem:$0x1FEF0]  }
0x17f: {  	v15 =	vmov v18;
	v18 =	vld [tilespmem:$0x1FF00];
	[sflag:s2] =	ssyncadd.s32 $0xFFFFFE00  }
0x180: {  	v0 =	vld [tilespmem:$0x2400]  }
0x181: {  	v1 =	vld [tilespmem:$0x1200]  }
0x182: {  	v2 =	vld [tilespmem:$0x2600]  }
0x183: {  	v3 =	vld [tilespmem:$0x1400]  }
0x184: {  	v8 =	vld [tilespmem:$0x2800]  }
0x185: {  	v9 =	vld [tilespmem:$0x1600]  }
0x186: {  	v11 =	vld [tilespmem:$0x2410]  }
0x187: {  	v12 =	vld [tilespmem:$0x1210]  }
0x188: {  	v16 =	vld [tilespmem:$0x2610]  }
0x189: {  	v17 =	vld [tilespmem:$0x1410]  }
0x18a: {  	v19 =	vld [tilespmem:$0x2810]  }
0x18b: {  	v20 =	vld [tilespmem:$0x1610]  }
0x18c: {  	v21 =	vld [tilespmem:$0x2420]  }
0x18d: {  	v22 =	vld [tilespmem:$0x1220]  }
0x18e: {  	v23 =	vld [tilespmem:$0x2620]  }
0x18f: {  	v24 =	vld [tilespmem:$0x1420]  }
0x190: {  	v25 =	vld [tilespmem:$0x2820]  }
0x191: {  	v26 =	vld [tilespmem:$0x1620]  }
0x192: {  	v27 =	vld [tilespmem:$0x2430]  }
0x193: {  	v28 =	vld [tilespmem:$0x1230]  }
0x194: {  	v29 =	vld [tilespmem:$0x2630]  }
0x195: {  	v30 =	vld [tilespmem:$0x1430]  }
0x196: {  	v31 =	vld [tilespmem:$0x2830]  }
0x197: {  	v32 =	vld [tilespmem:$0x1630]  }
0x198: {  	v33 =	vld [tilespmem:$0x2440]  }
0x199: {  	v34 =	vld [tilespmem:$0x1240]  }
0x19a: {  	v35 =	vld [tilespmem:$0x2640]  }
0x19b: {  	v36 =	vld [tilespmem:$0x1440]  }
0x19c: {  	v37 =	vld [tilespmem:$0x2840]  }
0x19d: {  	v38 =	vld [tilespmem:$0x1640]  }
0x19e: {  	v39 =	vld [tilespmem:$0x2450]  }
0x19f: {  	v40 =	vld [tilespmem:$0x1250]  }
0x1a0: {  	v41 =	vld [tilespmem:$0x2650]  }
0x1a1: {  	v42 =	vld [tilespmem:$0x1450]  }
0x1a2: {  	v43 =	vld [tilespmem:$0x2850]  }
0x1a3: {  	v44 =	vld [tilespmem:$0x1650]  }
0x1a4: {  	v45 =	vld [tilespmem:$0x2460]  }
0x1a5: {  	v46 =	vld [tilespmem:$0x1260]  }
0x1a6: {  	v47 =	vld [tilespmem:$0x2660]  }
0x1a7: {  	v48 =	vld [tilespmem:$0x1460]  }
0x1a8: {  	v49 =	vld [tilespmem:$0x2860]  }
0x1a9: {  	v50 =	vld [tilespmem:$0x1660]  }
0x1aa: {  	v51 =	vld [tilespmem:$0x2470]  }
0x1ab: {  	v52 =	vld [tilespmem:$0x1270]  }
0x1ac: {  	v53 =	vld [tilespmem:$0x2670]  }
0x1ad: {  	v54 =	vld [tilespmem:$0x1470]  }
0x1ae: {  	v55 =	vld [tilespmem:$0x2870]  }
0x1af: {  	v56 =	vld [tilespmem:$0x1670]  }
0x1b0: {  	v57 =	vld [tilespmem:$0x2480]  }
0x1b1: {  	v58 =	vld [tilespmem:$0x1280]  }
0x1b2: {  	v61 =	vld [tilespmem:$0x2680]  }
0x1b3: {  	v62 =	vld [tilespmem:$0x1480];
	v1 =	vcvt.s32.f32 v1;
	v3 =	vcvt.s32.f32 v3  }
0x1b4: {  	v4 =	vld [tilespmem:$0x2880];
	v7 =	vcvt.s32.f32 v9;
	v13 =	vcvt.s32.f32 v17  }
0x1b5: {  	v9 =	vld [tilespmem:$0x1680];
	v5 =	vcvt.s32.f32 v36;
	v36 =	vcvt.s32.f32 v40  }
0x1b6: {  	v17 =	vld [tilespmem:$0x1290];
	v0 =	vmul.f32 v1, v0;
	v2 =	vmul.f32 v3, v2  }
0x1b7: {  	v3 =	vcvt.s32.f32 v12;
	v12 =	vld [tilespmem:$0x2490];
	v1 =	vmul.f32 v7, v8  }
0x1b8: {  	v8 =	vmul.f32 v13, v16;
	v13 =	vcvt.s32.f32 v22;
	v22 =	vld [tilespmem:$0x1490]  }
0x1b9: {  	v40 =	vmul.f32 v36, v39;
	v36 =	vld [tilespmem:$0x16B0]  }
0x1ba: {  	v39 =	vld [tilespmem:$0x26C0];
	v3 =	vmul.f32 v3, v11;
	v11 =	vcvt.s32.f32 v20  }
0x1bb: {  	v20 =	vld [tilespmem:$0x2690];
	v0 =	vadd.f32 v0, v10  }
0x1bc: {  	v32 =	vcvt.s32.f32 v32;
	v11 =	vmul.f32 v11, v19;
	v19 =	vld [tilespmem:$0x2890]  }
0x1bd: {  	v0 =	vadd.f32 v2, v0;
	v2 =	vmul.f32 v13, v21;
	v21 =	vld [tilespmem:$0x1690]  }
0x1be: {  	v9 =	vcvt.s32.f32 v9;
	v3 =	vadd.f32 v3, v18;
	v18 =	vmul.f32 v32, v31;
	v31 =	vld [tilespmem:$0x24B0]  }
0x1bf: {  	v24 =	vcvt.s32.f32 v24;
	v32 =	vld [tilespmem:$0x12B0]  }
0x1c0: {  	v4 =	vmul.f32 v9, v4;
	v9 =	vld [tilespmem:$0x12D0]  }
0x1c1: {  	v26 =	vcvt.s32.f32 v26;
	v3 =	vadd.f32 v8, v3;
	v8 =	vmul.f32 v24, v23;
	v23 =	vld [tilespmem:$0x24A0]  }
0x1c2: {  	v13 =	vcvt.s32.f32 v28;
	v24 =	vld [tilespmem:$0x12A0]  }
0x1c3: {  	v28 =	vcvt.s32.f32 v30;
	v0 =	vadd.f32 v1, v0;
	v1 =	vmul.f32 v26, v25;
	v25 =	vld [tilespmem:$0x26A0]  }
0x1c4: {  	v30 =	vmul.f32 v13, v27;
	v27 =	vld [tilespmem:$0x14A0]  }
0x1c5: {  	v16 =	vmul.f32 v28, v29;
	v29 =	vld [tilespmem:$0x28A0]  }
0x1c6: {  	v26 =	vld [tilespmem:$0x16C0]  }
0x1c7: {  	v17 =	vcvt.s32.f32 v17;
	v2 =	vadd.f32 v2, v63;
	v63 =	vcvt.s32.f32 v34;
	v28 =	vld [tilespmem:$0x24D0]  }
0x1c8: {  	v34 =	vcvt.s32.f32 v38;
	v3 =	vadd.f32 v11, v3;
	v11 =	vadd.f32 v30, v60;
	v30 =	vld [tilespmem:$0x16A0]  }
0x1c9: {  	v38 =	vcvt.s32.f32 v42;
	v13 =	vmul.f32 v63, v33;
	v63 =	vld [tilespmem:$0x1FF10]  }
0x1ca: {  	v12 =	vmul.f32 v17, v12;
	v42 =	vcvt.s32.f32 v44;
	v2 =	vadd.f32 v8, v2;
	v33 =	vld [tilespmem:$0x26B0]  }
0x1cb: {  	v44 =	vmul.f32 v38, v41;
	v60 =	vcvt.s32.f32 v46;
	v38 =	vld [tilespmem:$0x12C0]  }
0x1cc: {  	v41 =	vcvt.s32.f32 v48;
	v1 =	vadd.f32 v1, v2;
	v2 =	vmul.f32 v34, v37;
	v34 =	vld [tilespmem:$0x14B0]  }
0x1cd: {  	v11 =	vadd.f32 v16, v11;
	v16 =	vmul.f32 v5, v35;
	v8 =	vadd.f32 v13, v14;
	v35 =	vld [tilespmem:$0x28B0]  }
0x1ce: {  	v37 =	vld [tilespmem:$0x24C0];
	v9 =	vcvt.s32.f32 v9;
	v27 =	vcvt.s32.f32 v27;
	v5 =	vadd.f32 v40, v63  }
0x1cf: {  	v11 =	vadd.f32 v18, v11;
	v18 =	vld [tilespmem:$0x26D0];
	v40 =	vmul.f32 v42, v43;
	v42 =	vmul.f32 v60, v45  }
0x1d0: {  	v9 =	vmul.f32 v9, v28;
	v13 =	vadd.f32 v44, v5;
	v44 =	vmul.f32 v41, v47;
	v41 =	vld [tilespmem:$0x28C0]  }
0x1d1: {  	v43 =	vcvt.s32.f32 v50;
	v45 =	vcvt.s32.f32 v52;
	v50 =	vadd.f32 v42, v59;
	v59 =	vld [tilespmem:$0x1FF20]  }
0x1d2: {  	v47 =	vcvt.s32.f32 v54;
	v54 =	vcvt.s32.f32 v62;
	v62 =	vld [tilespmem:$0x1FF30]  }
0x1d3: {  	v52 =	vcvt.s32.f32 v58;
	v58 =	vcvt.s32.f32 v21;
	v42 =	vld [tilespmem:$0x28D0]  }
0x1d4: {  	v46 =	vmul.f32 v43, v49;
	v48 =	vmul.f32 v45, v51;
	v13 =	vadd.f32 v40, v13;
	v40 =	vld [tilespmem:$0x14C0]  }
0x1d5: {  	v49 =	vcvt.s32.f32 v56;
	v43 =	vcvt.s32.f32 v30;
	v7 =	vadd.f32 v44, v50;
	v44 =	vld [tilespmem:$0x16D0]  }
0x1d6: {  	v45 =	vmul.f32 v27, v25;
	v51 =	vmul.f32 v47, v53;
	v47 =	vld [tilespmem:$0x24E0]  }
0x1d7: {  	v53 =	vmul.f32 v49, v55;
	v55 =	vmul.f32 v52, v57;
	v50 =	vld [tilespmem:$0x12E0]  }
0x1d8: {  	v56 =	vmul.f32 v54, v61;
	v57 =	vcvt.s32.f32 v22;
	v54 =	vld [tilespmem:$0x1FF40]  }
0x1d9: {  	v8 =	vadd.f32 v16, v8;
	v61 =	vcvt.s32.f32 v24;
	v49 =	vcvt.s32.f32 v34;
	v34 =	vld [tilespmem:$0x14F0]  }
0x1da: {  	v15 =	vadd.f32 v48, v15;
	v24 =	vmul.f32 v58, v19;
	v52 =	vcvt.s32.f32 v36;
	v36 =	vld [tilespmem:$0x26F0]  }
0x1db: {  	v2 =	vadd.f32 v2, v8;
	v48 =	vmul.f32 v43, v29;
	v8 =	vmul.f32 v57, v20;
	v20 =	vld [tilespmem:$0x14D0]  }
0x1dc: {  	v15 =	vadd.f32 v51, v15;
	v7 =	vadd.f32 v46, v7;
	v14 =	vmul.f32 v61, v23;
	v57 =	vld [tilespmem:$0x1FF50]  }
0x1dd: {  	v46 =	vcvt.s32.f32 v32;
	v16 =	vmul.f32 v49, v33;
	v60 =	vadd.f32 v55, v59;
	v59 =	vld [tilespmem:$0x16E0]  }
0x1de: {  	v17 =	vmul.f32 v52, v35;
	v63 =	vadd.f32 v12, v62;
	v15 =	vadd.f32 v53, v15;
	v53 =	vld [tilespmem:$0x26E0]  }
0x1df: {  	v55 =	vcvt.s32.f32 v38;
	v51 =	vmul.f32 v46, v31;
	v31 =	vld [tilespmem:$0x24F0]  }
0x1e0: {  	v62 =	vcvt.s32.f32 v26;
	v10 =	vadd.f32 v56, v60;
	v6 =	vadd.f32 v8, v63;
	v56 =	vld [tilespmem:$0x14E0]  }
0x1e1: {  	v14 =	vadd.f32 v14, v54;
	v58 =	vcvt.s32.f32 v40;
	v61 =	vmul.f32 v55, v37;
	v63 =	vld [tilespmem:$0x12F0]  }
0x1e2: {  	[tilespmem:$0x2A00] =	vst v0;
	v32 =	vmul.f32 v62, v41;
	v35 =	vcvt.s32.f32 v44;
	v37 =	vld [tilespmem:$0x1FF60]  }
0x1e3: {  	[tilespmem:$0x2A10] =	vst v3;
	v40 =	vld [tilespmem:$0x16F0];
	v4 =	vadd.f32 v4, v10;
	v60 =	vadd.f32 v45, v14;
	v29 =	vmul.f32 v58, v39  }
0x1e4: {  	[tilespmem:$0x2A20] =	vst v1;
	v41 =	vld [tilespmem:$0x1FF70];
	v12 =	vadd.f32 v51, v57;
	v33 =	vcvt.s32.f32 v20;
	v39 =	vcvt.s32.f32 v50  }
0x1e5: {  	[tilespmem:$0x2A30] =	vst v11;
	v11 =	vmul.f32 v35, v42;
	v14 =	vcvt.s32.f32 v34;
	v0 =	vadd.f32 v48, v60;
	v48 =	vld [tilespmem:$0x1FF80]  }
0x1e6: {  	[tilespmem:$0x2A40] =	vst v2;
	v6 =	vadd.f32 v24, v6;
	v51 =	vld [tilespmem:$0x1FF90];
	v50 =	vcvt.s32.f32 v59;
	v38 =	vmul.f32 v33, v18  }
0x1e7: {  	[tilespmem:$0x2A50] =	vst v13;
	v42 =	vld [tilespmem:$0x28E0];
	v26 =	vadd.f32 v16, v12;
	v44 =	vmul.f32 v39, v47;
	v43 =	vcvt.s32.f32 v63  }
0x1e8: {  	[tilespmem:$0x2A60] =	vst v7;
	v46 =	vld [tilespmem:$0x28F0];
	v52 =	vmul.f32 v14, v36;
	v2 =	vadd.f32 v61, v37;
	v45 =	vcvt.s32.f32 v56  }
0x1e9: {  	[tilespmem:$0x2A70] =	vst v15;
	v9 =	vadd.f32 v9, v41;
	v3 =	vadd.f32 v17, v26;
	v47 =	vmul.f32 v43, v31  }
0x1ea: {  	[tilespmem:$0x2A80] =	vst v4;
	v2 =	vadd.f32 v29, v2;
	v49 =	vmul.f32 v45, v53;
	v4 =	vadd.f32 v44, v48  }
0x1eb: {  	[tilespmem:$0x2A90] =	vst v6;
	v10 =	vcvt.s32.f32 v40;
	v5 =	vadd.f32 v38, v9;
	v6 =	vadd.f32 v47, v51  }
0x1ec: {  	[tilespmem:$0x2AA0] =	vst v0;
	v55 =	vmul.f32 v50, v42;
	v53 =	vadd.f32 v32, v2;
	v54 =	vadd.f32 v49, v4  }
0x1ed: {  	v58 =	vmul.f32 v10, v46;
	[tilespmem:$0x2AB0] =	vst v3;
	v56 =	vadd.f32 v11, v5;
	v57 =	vadd.f32 v52, v6  }
0x1ee: {  	[tilespmem:$0x2AC0] =	vst v53;
	v59 =	vadd.f32 v55, v54  }
0x1ef: {  	s10 =	sld [smem:$0x7FD];
	[tilespmem:$0x2AD0] =	vst v56;
	v60 =	vadd.f32 v58, v57  }
0x1f0: {  	[tilespmem:$0x2AE0] =	vst v59  }
0x1f1: {  	s5 =	rddreg [dreg:$0x1e];
	[tilespmem:$0x2AF0] =	vst v60  }
0x1f2: {  	[hbm4b:s10+s3] =	stream.linear.scatter [tilespmem:s5], [sflag:$0x2], $0x100, $0x38;
	[tilespmem:$0x2C80] =	vst v63  }
0x1f3: {  	v0 =	vld [tilespmem:$0x2B00]  }
0x1f4: {  	v1 =	vld [tilespmem:$0x2500]  }
0x1f5: {  	v2 =	vld [tilespmem:$0x1300]  }
0x1f6: {  	v3 =	vld [tilespmem:$0x2700]  }
0x1f7: {  	v4 =	vld [tilespmem:$0x1500]  }
0x1f8: {  	v5 =	vld [tilespmem:$0x2900]  }
0x1f9: {  	v6 =	vld [tilespmem:$0x1700]  }
0x1fa: {  	v7 =	vld [tilespmem:$0x2B10]  }
0x1fb: {  	v8 =	vld [tilespmem:$0x2510]  }
0x1fc: {  	v9 =	vld [tilespmem:$0x1310]  }
0x1fd: {  	v10 =	vld [tilespmem:$0x2710]  }
0x1fe: {  	v11 =	vld [tilespmem:$0x1510]  }
0x1ff: {  	v12 =	vld [tilespmem:$0x2910]  }
0x200: {  	v13 =	vld [tilespmem:$0x1710]  }
0x201: {  	v14 =	vld [tilespmem:$0x2B20]  }
0x202: {  	v15 =	vld [tilespmem:$0x2520]  }
0x203: {  	v16 =	vld [tilespmem:$0x1320]  }
0x204: {  	v17 =	vld [tilespmem:$0x2720]  }
0x205: {  	v18 =	vld [tilespmem:$0x1520]  }
0x206: {  	v19 =	vld [tilespmem:$0x2920]  }
0x207: {  	v20 =	vld [tilespmem:$0x1720]  }
0x208: {  	v21 =	vld [tilespmem:$0x2B30]  }
0x209: {  	v22 =	vld [tilespmem:$0x2530]  }
0x20a: {  	v23 =	vld [tilespmem:$0x1330]  }
0x20b: {  	v24 =	vld [tilespmem:$0x2730]  }
0x20c: {  	v25 =	vld [tilespmem:$0x1530]  }
0x20d: {  	v26 =	vld [tilespmem:$0x2930]  }
0x20e: {  	v27 =	vld [tilespmem:$0x1730]  }
0x20f: {  	v28 =	vld [tilespmem:$0x2B40]  }
0x210: {  	v29 =	vld [tilespmem:$0x2540]  }
0x211: {  	v30 =	vld [tilespmem:$0x1340]  }
0x212: {  	v31 =	vld [tilespmem:$0x2740]  }
0x213: {  	v32 =	vld [tilespmem:$0x1540]  }
0x214: {  	v33 =	vld [tilespmem:$0x2940]  }
0x215: {  	v34 =	vld [tilespmem:$0x1740]  }
0x216: {  	v35 =	vld [tilespmem:$0x2B50]  }
0x217: {  	v36 =	vld [tilespmem:$0x2550]  }
0x218: {  	v37 =	vld [tilespmem:$0x1350]  }
0x219: {  	v38 =	vld [tilespmem:$0x2750]  }
0x21a: {  	v39 =	vld [tilespmem:$0x1550]  }
0x21b: {  	v40 =	vld [tilespmem:$0x2950]  }
0x21c: {  	v41 =	vld [tilespmem:$0x1750]  }
0x21d: {  	v61 =	vld [tilespmem:$0x2B60]  }
0x21e: {  	v43 =	vld [tilespmem:$0x2560]  }
0x21f: {  	v44 =	vld [tilespmem:$0x1360]  }
0x220: {  	v45 =	vld [tilespmem:$0x2760]  }
0x221: {  	v46 =	vld [tilespmem:$0x1560]  }
0x222: {  	v47 =	vld [tilespmem:$0x2960]  }
0x223: {  	v48 =	vld [tilespmem:$0x1760]  }
0x224: {  	v56 =	vld [tilespmem:$0x2B70]  }
0x225: {  	v50 =	vld [tilespmem:$0x2570]  }
0x226: {  	v51 =	vld [tilespmem:$0x1370]  }
0x227: {  	v52 =	vld [tilespmem:$0x2770]  }
0x228: {  	v53 =	vld [tilespmem:$0x1570]  }
0x229: {  	v54 =	vld [tilespmem:$0x2970]  }
0x22a: {  	v55 =	vld [tilespmem:$0x1770]  }
0x22b: {  	v62 =	vld [tilespmem:$0x2B80]  }
0x22c: {  	v57 =	vld [tilespmem:$0x2580]  }
0x22d: {  	v58 =	vld [tilespmem:$0x1380]  }
0x22e: {  	v59 =	vld [tilespmem:$0x2780]  }
0x22f: {  	v60 =	vld [tilespmem:$0x1580]  }
0x230: {  	v63 =	vld [tilespmem:$0x2B90]  }
0x231: {  	v49 =	vld [tilespmem:$0x2590];
	v2 =	vcvt.s32.f32 v2  }
0x232: {  	v42 =	vld [tilespmem:$0x1390];
	v4 =	vcvt.s32.f32 v4;
	v23 =	vcvt.s32.f32 v23  }
0x233: {  	[tilespmem:$0x1FFA0] =	vst v61;
	v61 =	vld [tilespmem:$0x2980];
	v34 =	vcvt.s32.f32 v34;
	v1 =	vmul.f32 v2, v1  }
0x234: {  	[tilespmem:$0x1FFC0] =	vst v62;
	v62 =	vld [tilespmem:$0x1780];
	v3 =	vmul.f32 v4, v3;
	v4 =	vcvt.s32.f32 v9  }
0x235: {  	[tilespmem:$0x1FFE0] =	vst v63;
	v63 =	vld [tilespmem:$0x2790];
	v22 =	vmul.f32 v23, v22;
	v23 =	vcvt.s32.f32 v27  }
0x236: {  	[tilespmem:$0x1FFB0] =	vst v49;
	v49 =	vld [tilespmem:$0x1590];
	v27 =	vcvt.s32.f32 v32;
	v32 =	vcvt.s32.f32 v37  }
0x237: {  	v9 =	vld [tilespmem:$0x2BA0];
	v33 =	vmul.f32 v34, v33;
	v34 =	vcvt.s32.f32 v39  }
0x238: {  	v4 =	vmul.f32 v4, v8;
	v8 =	vcvt.s32.f32 v13;
	v13 =	vld [tilespmem:$0x13A0]  }
0x239: {  	v39 =	vcvt.s32.f32 v44;
	v36 =	vmul.f32 v32, v36;
	v32 =	vld [tilespmem:$0x29C0]  }
0x23a: {  	v16 =	vcvt.s32.f32 v16;
	[tilespmem:$0x1FFD0] =	vst v63;
	v63 =	vld [tilespmem:$0x2990]  }
0x23b: {  	v37 =	vcvt.s32.f32 v41;
	v0 =	vadd.f32 v1, v0;
	v41 =	vmul.f32 v39, v43;
	v39 =	vld [tilespmem:$0x27D0]  }
0x23c: {  	v4 =	vadd.f32 v4, v7;
	v7 =	vmul.f32 v8, v12;
	v12 =	vld [tilespmem:$0x15A0]  }
0x23d: {  	v0 =	vadd.f32 v3, v0;
	v3 =	vmul.f32 v16, v15;
	v15 =	vld [tilespmem:$0x29A0]  }
0x23e: {  	v16 =	vld [tilespmem:$0x17A0]  }
0x23f: {  	v8 =	vmul.f32 v23, v26;
	v23 =	vld [tilespmem:$0x29B0];
	[tilespmem:$0x1FFF0] =	vst v63;
	v63 =	vcvt.s32.f32 v6  }
0x240: {  	v3 =	vadd.f32 v3, v14;
	v14 =	vmul.f32 v34, v38;
	v38 =	vld [tilespmem:$0x13D0]  }
0x241: {  	v6 =	vld [tilespmem:$0x1790];
	v2 =	vmul.f32 v63, v5;
	v63 =	vcvt.s32.f32 v11  }
0x242: {  	v20 =	vcvt.s32.f32 v20;
	v11 =	vld [tilespmem:$0x25A0]  }
0x243: {  	v63 =	vmul.f32 v63, v10;
	v10 =	vld [tilespmem:$0x27A0]  }
0x244: {  	v18 =	vcvt.s32.f32 v18;
	v0 =	vadd.f32 v2, v0;
	v2 =	vmul.f32 v20, v19;
	v19 =	vld [tilespmem:$0x13B0]  }
0x245: {  	v20 =	vmul.f32 v37, v40;
	v37 =	vld [tilespmem:$0x25D0]  }
0x246: {  	v40 =	vcvt.s32.f32 v46;
	v1 =	vadd.f32 v63, v4;
	v4 =	vmul.f32 v18, v17;
	v17 =	vld [tilespmem:$0x2BB0]  }
0x247: {  	v18 =	vld [tilespmem:$0x25B0]  }
0x248: {  	v44 =	vmul.f32 v40, v45;
	v45 =	vcvt.s32.f32 v51;
	v51 =	vld [tilespmem:$0x1FFA0]  }
0x249: {  	v40 =	vld [tilespmem:$0x15D0]  }
0x24a: {  	v63 =	vcvt.s32.f32 v25;
	v1 =	vadd.f32 v7, v1;
	v7 =	vadd.f32 v22, v21;
	v21 =	vld [tilespmem:$0x27B0]  }
0x24b: {  	v25 =	vcvt.s32.f32 v30;
	v22 =	vld [tilespmem:$0x15B0]  }
0x24c: {  	v43 =	vcvt.s32.f32 v48;
	v5 =	vmul.f32 v63, v24;
	v24 =	vld [tilespmem:$0x17B0]  }
0x24d: {  	v13 =	vcvt.s32.f32 v13;
	v30 =	vmul.f32 v25, v29;
	v25 =	vld [tilespmem:$0x2BC0]  }
0x24e: {  	v12 =	vcvt.s32.f32 v12;
	v63 =	vmul.f32 v27, v31;
	v27 =	vld [tilespmem:$0x25C0]  }
0x24f: {  	v46 =	vmul.f32 v43, v47;
	v47 =	vcvt.s32.f32 v53;
	v29 =	vld [tilespmem:$0x13C0]  }
0x250: {  	v53 =	vcvt.s32.f32 v58;
	v31 =	vld [tilespmem:$0x15C0];
	v48 =	vmul.f32 v45, v50  }
0x251: {  	v50 =	vcvt.s32.f32 v55;
	v55 =	vcvt.s32.f32 v60;
	v45 =	vld [tilespmem:$0x1FFE0]  }
0x252: {  	v6 =	vcvt.s32.f32 v6;
	v3 =	vadd.f32 v4, v3;
	v4 =	vadd.f32 v30, v28;
	v30 =	vld [tilespmem:$0x27C0]  }
0x253: {  	v5 =	vadd.f32 v5, v7;
	v58 =	vmul.f32 v55, v59;
	v59 =	vcvt.s32.f32 v42;
	v42 =	vld [tilespmem:$0x2BE0]  }
0x254: {  	v26 =	vmul.f32 v47, v52;
	v47 =	vcvt.s32.f32 v16;
	v55 =	vld [tilespmem:$0x15E0];
	v7 =	vadd.f32 v41, v51  }
0x255: {  	v11 =	vmul.f32 v13, v11;
	v41 =	vld [tilespmem:$0x17D0];
	v5 =	vadd.f32 v8, v5;
	v8 =	vadd.f32 v36, v35  }
0x256: {  	v13 =	vmul.f32 v47, v15;
	v28 =	vmul.f32 v50, v54;
	v51 =	vld [tilespmem:$0x13E0];
	v4 =	vadd.f32 v63, v4  }
0x257: {  	v50 =	vcvt.s32.f32 v19;
	v63 =	vld [tilespmem:$0x1FFC0];
	v7 =	vadd.f32 v44, v7;
	v8 =	vadd.f32 v14, v8  }
0x258: {  	v10 =	vmul.f32 v12, v10;
	v2 =	vadd.f32 v2, v3;
	v44 =	vld [tilespmem:$0x1FFD0];
	v3 =	vadd.f32 v33, v4  }
0x259: {  	v12 =	vmul.f32 v50, v18;
	v33 =	vld [tilespmem:$0x17C0];
	v4 =	vadd.f32 v46, v7;
	v8 =	vadd.f32 v20, v8  }
0x25a: {  	v46 =	vld [tilespmem:$0x1FFF0];
	v20 =	vadd.f32 v48, v56;
	v56 =	vmul.f32 v53, v57;
	v57 =	vcvt.s32.f32 v62  }
0x25b: {  	v9 =	vadd.f32 v11, v9;
	v52 =	vcvt.s32.f32 v22;
	v54 =	vcvt.s32.f32 v24;
	v62 =	vld [tilespmem:$0x1FFB0]  }
0x25c: {  	v35 =	vld [tilespmem:$0x2BD0];
	v43 =	vcvt.s32.f32 v51;
	v20 =	vadd.f32 v26, v20;
	v60 =	vmul.f32 v57, v61  }
0x25d: {  	v48 =	vld [tilespmem:$0x25E0];
	v61 =	vcvt.s32.f32 v49;
	v14 =	vadd.f32 v56, v63;
	v56 =	vmul.f32 v52, v21  }
0x25e: {  	v12 =	vadd.f32 v12, v17;
	v53 =	vld [tilespmem:$0x27E0];
	v57 =	vcvt.s32.f32 v29;
	v29 =	vcvt.s32.f32 v38  }
0x25f: {  	v26 =	vld [tilespmem:$0x13F0];
	v24 =	vcvt.s32.f32 v33;
	v20 =	vadd.f32 v28, v20;
	v34 =	vmul.f32 v61, v44  }
0x260: {  	v38 =	vld [tilespmem:$0x27F0];
	v6 =	vmul.f32 v6, v46;
	v14 =	vadd.f32 v58, v14;
	v28 =	vmul.f32 v59, v62  }
0x261: {  	v33 =	vld [tilespmem:$0x15F0];
	v63 =	vmul.f32 v57, v27;
	v27 =	vadd.f32 v56, v12;
	v59 =	vmul.f32 v54, v23  }
0x262: {  	[tilespmem:$0x2B00] =	vst v0;
	v58 =	vld [tilespmem:$0x17E0];
	v7 =	vadd.f32 v60, v14;
	v60 =	vcvt.s32.f32 v31;
	v28 =	vadd.f32 v28, v45  }
0x263: {  	[tilespmem:$0x2B10] =	vst v1;
	v61 =	vld [tilespmem:$0x2BF0];
	v62 =	vadd.f32 v10, v9;
	v47 =	vmul.f32 v43, v48;
	v48 =	vcvt.s32.f32 v55  }
0x264: {  	[tilespmem:$0x2B20] =	vst v2;
	v31 =	vmul.f32 v24, v32;
	v49 =	vadd.f32 v34, v28;
	v28 =	vmul.f32 v60, v30;
	v30 =	vld [tilespmem:$0x25F0]  }
0x265: {  	[tilespmem:$0x2B30] =	vst v5;
	v44 =	vld [tilespmem:$0x17F0];
	v32 =	vcvt.s32.f32 v40;
	v40 =	vadd.f32 v63, v25;
	v0 =	vadd.f32 v13, v62  }
0x266: {  	[tilespmem:$0x2B40] =	vst v3;
	v46 =	vld [tilespmem:$0x29E0];
	v1 =	vadd.f32 v59, v27;
	v14 =	vcvt.s32.f32 v26;
	v51 =	vmul.f32 v48, v53  }
0x267: {  	v36 =	vld [tilespmem:$0x29D0];
	[tilespmem:$0x2B60] =	vst v4;
	v4 =	vadd.f32 v47, v42;
	v13 =	vcvt.s32.f32 v33;
	v34 =	vmul.f32 v29, v37  }
0x268: {  	[tilespmem:$0x2B50] =	vst v8;
	v37 =	vcvt.s32.f32 v41;
	v41 =	vmul.f32 v32, v39;
	v6 =	vadd.f32 v6, v49;
	v49 =	vld [tilespmem:$0x29F0]  }
0x269: {  	[tilespmem:$0x2B70] =	vst v20;
	v52 =	vcvt.s32.f32 v58;
	v57 =	vadd.f32 v51, v4;
	v50 =	vmul.f32 v14, v30  }
0x26a: {  	[tilespmem:$0x2B80] =	vst v7;
	v55 =	vcvt.s32.f32 v44;
	v5 =	vadd.f32 v34, v35;
	v3 =	vadd.f32 v28, v40  }
0x26b: {  	[tilespmem:$0x2BA0] =	vst v0;
	v54 =	vmul.f32 v13, v38;
	v58 =	vmul.f32 v52, v46;
	v53 =	vadd.f32 v50, v61  }
0x26c: {  	[tilespmem:$0x2BB0] =	vst v1;
	v45 =	vmul.f32 v37, v36;
	v5 =	vadd.f32 v41, v5;
	v56 =	vadd.f32 v31, v3  }
0x26d: {  	[tilespmem:$0x2B90] =	vst v6;
	v62 =	vadd.f32 v58, v57;
	v61 =	vmul.f32 v55, v49;
	v60 =	vadd.f32 v54, v53  }
0x26e: {  	v59 =	vadd.f32 v45, v5;
	[tilespmem:$0x2BC0] =	vst v56  }
0x26f: {  	[tilespmem:$0x2BE0] =	vst v62;
	v63 =	vadd.f32 v61, v60  }
0x270: {  	s11 =	rddreg [dreg:$0x11];
	[tilespmem:$0x2BD0] =	vst v59  }
0x271: {  	s12 =	rddreg [dreg:$0x1f];
	[tilespmem:$0x2BF0] =	vst v63  }
0x272: {  	[hbm4b:s11+s3] =	stream.linear.scatter [tilespmem:s12], [sflag:$0x2], $0x100, $0x38;
	[tilespmem:$0x2C80] =	vst v63  }
0x273: {  	p0 =	sne.s32 s6, $0x1;
	_ =	swait.ge [sflag:s2], $0x100  }
.Ltmp0:
0x274: {  	[sflag:s2] =	ssyncset.done $0x0;
	(pc) =	sbr.rel @p0 .LBB2_1-.Ltmp0, $4  }
0x275: {  	[sflag:s2] =	ssyncadd.s32 $0xFFFFFF00  }
0x276: {  	_ =	swait.ge [sflag:s2], $0x100  }
0x277: {  	[sflag:s2] =	ssyncset.done $0x0  }
0x278: {  	s6 =	sadd.s32 $0xFFFFFFFF, s6;
	[sflag:s2] =	ssyncadd.s32 $0xFFFFFF00  }
0x279: {  	_ =	sfence.sel $0x180000  }
0x27a: {  	[bflag:$0x0] =	sbarrier.arrive $0xFFFF  }
0x27b: {  	_ =	strace $0x90000047  }
0x27c: {  	s0 =	stileid.u32;
	[bflag:$0x2] =	sbarrier.arrive $0xFFFF  }
0x27d: {  	p0 =	sne.s32 s0, $0x0;
	s0 =	rddreg [dreg:$0x4]  }
0x27e: {  	s0 =	sadd.s32 @!p0 $0x100000, s0  }
0x27f: {  	[sflag:s0] =	ssyncadd.tile.s32 @!p0 $0x1;
	_ =	shalt  }
.Lfunc_end2:
_tile_overlayer_lowered:
.L_overlay_start_2:
0x280: {  	(tag) =	ssettag $0x2  }
0x281: {  	s0 =	rddreg [dreg:$0x0];
	s2 =	stileid.u32  }
0x282: {  	s1 =	rddreg [dreg:$0x1];
	p0 =	sne.s32 s2, $0x0  }
0x283: {  	s3 =	rddreg [dreg:$0x2];
	[bflag:$0x3] =	sbarrier.arrive $0xFFFF;
	s2 =	simm.s32 @!p0 $0x1C0F  }
0x284: {  	[timem:s3], [sflag:s2] =	dma.local @!p0 [hbm:s0], s1  }
0x285: {  	s0 =	simm.s32 @!p0 $0xF  }
0x286: {  	_ =	swait.ge @!p0 [sflag:s0], s1  }
0x287: {  	s1 =	ssub.s32 @!p0 $0x0, s1;
	[sflag:s0] =	ssyncset.done @!p0 $0x0  }
0x288: {  	[sflag:s0] =	ssyncadd.s32 @!p0 s1  }
0x289: {  	[bflag:$0x3] =	sbarrier.arrive $0xFFFF  }
0x28a: {  	_ =	shalt  }

</sc_bundles>
